<compile_context>
chip_gen: v7x
topology: tpu7x:2x2x1
jax: 0.10.2.dev20260603
libtpu: 0.0.44.dev20260713+nightly
codegen_flags: <defaults>
</compile_context>

<pallas_src>
import functools
import math

import jax
import jax.numpy as jnp
from jax import lax
from jax.experimental import pallas as pl
from jax.experimental.pallas import tpu as pltpu
from jax.experimental.pallas import tpu_sc as plsc

N = 10000
NP = 10240
E = 640000
HID = 128
AUG = 144
B = 64
ESM = 480
LH = 64

NW = 32
EW = E // NW
CH = 80
NCH = EW // CH
ROWS_PER_TILE = NP // 16


def _sc_edge_kernel(src_hbm, dst_hbm, s_hbm, d_hbm, haug_hbm, acc_out,
                    srcc0, dstc0, sbuf0, dbuf0, exc0, rows0,
                    srcc1, dstc1, sbuf1, dbuf1, exc1, rows1,
                    zrow, acc_sh, sem0, sem1, ssem0, ssem1):
    cid = lax.axis_index("c")
    sid = lax.axis_index("s")
    wid = sid * 2 + cid
    ebase = wid * EW

    def _zbody(i, _):
        r = i // 9
        c = (i % 9) * 16
        zrow[r, pl.ds(c, 16)] = jnp.zeros((16,), jnp.float32)
        return 0
    lax.fori_loop(0, 16 * 9, _zbody, 0)

    def _zcopy(k, _):
        pltpu.sync_copy(zrow, acc_sh.at[pl.ds(sid * ROWS_PER_TILE + k * 16, 16), :])
        return 0
    lax.fori_loop(0, ROWS_PER_TILE // 16, _zcopy, 0)
    plsc.subcore_barrier()

    bufs = ((srcc0, dstc0, sbuf0, dbuf0, exc0, rows0, sem0, ssem0),
            (srcc1, dstc1, sbuf1, dbuf1, exc1, rows1, sem1, ssem1))

    def _stage(t, b):
        srcc, dstc, sbuf, dbuf, _, rows_v, sem, _ = bufs[b]
        base = ebase + t * CH
        pltpu.sync_copy(src_hbm.at[pl.ds(base, CH)], srcc)
        pltpu.sync_copy(dst_hbm.at[pl.ds(base, CH)], dstc)
        pltpu.async_copy(haug_hbm.at[srcc], rows_v, sem)
        pltpu.async_copy(s_hbm.at[srcc], sbuf, sem)
        pltpu.async_copy(d_hbm.at[dstc], dbuf, sem)

    _stage(0, 0)

    def _pair(t2, _):
        for b in range(2):
            srcc, dstc, sbuf, dbuf, exc, rows_v, sem, ssem = bufs[b]
            t = t2 * 2 + b

            @pl.when(t + 1 < NCH)
            def _():
                @pl.when(t >= 1)
                def _():
                    nsrcc, ndstc, _, _, _, nrows, _, nssem = bufs[1 - b]
                    pltpu.make_async_copy(nrows, acc_sh.at[ndstc], nssem).wait()
                _stage(t + 1, 1 - b)

            pltpu.make_async_copy(haug_hbm.at[srcc], rows_v, sem).wait()
            pltpu.make_async_copy(s_hbm.at[srcc], sbuf, sem).wait()
            pltpu.make_async_copy(d_hbm.at[dstc], dbuf, sem).wait()

            for j in range(CH // 16):
                e = sbuf[pl.ds(j * 16, 16)] + dbuf[pl.ds(j * 16, 16)]
                e = jnp.where(e >= 0.0, e, 0.2 * e)
                exc[pl.ds(j * 16, 16)] = jnp.exp(e)

            def _scale(r, _):
                ev = plsc.load_gather(exc, [jnp.full((16,), r, jnp.int32)])
                for j in range(AUG // 16):
                    rows_v[r, pl.ds(j * 16, 16)] = rows_v[r, pl.ds(j * 16, 16)] * ev
                return 0
            lax.fori_loop(0, CH, _scale, 0)

            pltpu.async_copy(rows_v, acc_sh.at[dstc], ssem, add=True)
        return 0

    lax.fori_loop(0, NCH // 2, _pair, 0)
    for b in range(2):
        srcc, dstc, _, _, _, rows_v, _, ssem = bufs[b]
        pltpu.make_async_copy(rows_v, acc_sh.at[dstc], ssem).wait()
    plsc.subcore_barrier()

    lo = sid * ROWS_PER_TILE
    pltpu.sync_copy(acc_sh.at[pl.ds(lo, ROWS_PER_TILE), :],
                    acc_out.at[cid, pl.ds(lo, ROWS_PER_TILE), :])


def _make_sc_edge():
    mesh = plsc.VectorSubcoreMesh(core_axis_name="c", subcore_axis_name="s")
    return pl.kernel(
        _sc_edge_kernel,
        mesh=mesh,
        compiler_params=pltpu.CompilerParams(needs_layout_passes=False,
                                             use_tc_tiling_on_sc=False),
        out_type=jax.ShapeDtypeStruct((2, NP, AUG), jnp.float32),
        scratch_types=(
            [t for _ in range(2)
             for t in (pltpu.VMEM((CH,), jnp.int32),
                       pltpu.VMEM((CH,), jnp.int32),
                       pltpu.VMEM((CH,), jnp.float32),
                       pltpu.VMEM((CH,), jnp.float32),
                       pltpu.VMEM((CH,), jnp.float32),
                       pltpu.VMEM((CH, AUG), jnp.float32))
             ]
            + [pltpu.VMEM((16, AUG), jnp.float32),
               pltpu.VMEM_SHARED((NP, AUG), jnp.float32),
               pltpu.SemaphoreType.DMA,
               pltpu.SemaphoreType.DMA,
               pltpu.SemaphoreType.DMA,
               pltpu.SemaphoreType.DMA]
        ),
    )


def _tc_prep_kernel(x_ref, w_ref, asrc_ref, adst_ref, s_ref, d_ref, aug_ref):
    h = jnp.dot(x_ref[...], w_ref[...], preferred_element_type=jnp.float32)
    s_ref[...] = jnp.sum(h * asrc_ref[...][None, :], axis=1)
    d_ref[...] = jnp.sum(h * adst_ref[...][None, :], axis=1)
    aug_ref[:, pl.ds(0, HID)] = h
    blk = h.shape[0]
    lane = lax.broadcasted_iota(jnp.int32, (blk, AUG - HID), 1)
    aug_ref[:, pl.ds(HID, AUG - HID)] = jnp.where(lane == 0, 1.0, 0.0)


def _tc_prep(x_pad, w, asrc, adst):
    grid = 10
    blk = NP // grid
    return pl.pallas_call(
        _tc_prep_kernel,
        grid=(grid,),
        in_specs=[
            pl.BlockSpec((blk, 128), lambda i: (i, 0)),
            pl.BlockSpec((128, HID), lambda i: (0, 0)),
            pl.BlockSpec((HID,), lambda i: (0,)),
            pl.BlockSpec((HID,), lambda i: (0,)),
        ],
        out_specs=[
            pl.BlockSpec((blk,), lambda i: (i,)),
            pl.BlockSpec((blk,), lambda i: (i,)),
            pl.BlockSpec((blk, AUG), lambda i: (i, 0)),
        ],
        out_shape=[
            jax.ShapeDtypeStruct((NP,), jnp.float32),
            jax.ShapeDtypeStruct((NP,), jnp.float32),
            jax.ShapeDtypeStruct((NP, AUG), jnp.float32),
        ],
    )(x_pad, w, asrc, adst)


def _tc_mid_kernel(acc_ref, b_ref, w_ref, asrc_ref, adst_ref,
                   s_ref, d_ref, aug_ref):
    a = acc_ref[0] + acc_ref[1]
    den = a[:, HID:HID + 1] + 1e-16
    h1 = jnp.maximum(a[:, :HID] / den + b_ref[...][None, :], 0.0)
    h = jnp.dot(h1, w_ref[...], preferred_element_type=jnp.float32)
    s_ref[...] = jnp.sum(h * asrc_ref[...][None, :], axis=1)
    d_ref[...] = jnp.sum(h * adst_ref[...][None, :], axis=1)
    aug_ref[:, pl.ds(0, HID)] = h
    blk = h.shape[0]
    lane = lax.broadcasted_iota(jnp.int32, (blk, AUG - HID), 1)
    aug_ref[:, pl.ds(HID, AUG - HID)] = jnp.where(lane == 0, 1.0, 0.0)


def _tc_mid(acc1, b1, w2, asrc2, adst2):
    grid = 10
    blk = NP // grid
    return pl.pallas_call(
        _tc_mid_kernel,
        grid=(grid,),
        in_specs=[
            pl.BlockSpec((2, blk, AUG), lambda i: (0, i, 0)),
            pl.BlockSpec((HID,), lambda i: (0,)),
            pl.BlockSpec((HID, HID), lambda i: (0, 0)),
            pl.BlockSpec((HID,), lambda i: (0,)),
            pl.BlockSpec((HID,), lambda i: (0,)),
        ],
        out_specs=[
            pl.BlockSpec((blk,), lambda i: (i,)),
            pl.BlockSpec((blk,), lambda i: (i,)),
            pl.BlockSpec((blk, AUG), lambda i: (i, 0)),
        ],
        out_shape=[
            jax.ShapeDtypeStruct((NP,), jnp.float32),
            jax.ShapeDtypeStruct((NP,), jnp.float32),
            jax.ShapeDtypeStruct((NP, AUG), jnp.float32),
        ],
    )(acc1, b1, w2, asrc2, adst2)


_BN_INV = 1.0 / math.sqrt(1.0 + 1e-5)


def _tc_head_kernel(acc_ref, b2_ref, batch_ref, esm_ref,
                    wih_f_ref, bif_ref, bhf_ref,
                    wih_b_ref, bib_ref, bhb_ref,
                    tab_ref, tabw_ref, tabb_ref, tabg_ref, tabbeta_ref,
                    f1w_ref, f1b_ref, f1g_ref, f1beta_ref,
                    f2w_ref, f2b_ref, f3w_ref, f3b_ref,
                    out_ref, sums_ref, cnts_ref):
    i = pl.program_id(0)
    a = acc_ref[0] + acc_ref[1]
    den = a[:, HID:HID + 1] + 1e-16
    h2 = jnp.maximum(a[:, :HID] / den + b2_ref[...][None, :], 0.0)
    blk = h2.shape[0]
    seg = lax.broadcasted_iota(jnp.int32, (blk, B), 1)
    oh = (batch_ref[...][:, None] == seg).astype(jnp.float32)
    part = lax.dot_general(oh, h2, (((0,), (0,)), ((), ())),
                           preferred_element_type=jnp.float32)
    cpart = jnp.sum(oh, axis=0)[:, None] * jnp.ones((1, HID), jnp.float32)

    @pl.when(i == 0)
    def _():
        sums_ref[...] = part
        cnts_ref[...] = cpart

    @pl.when(i > 0)
    def _():
        sums_ref[...] = sums_ref[...] + part
        cnts_ref[...] = cnts_ref[...] + cpart

    @pl.when(i == pl.num_programs(0) - 1)
    def _():
        ge = sums_ref[...] / jnp.maximum(cnts_ref[...], 1.0)

        def lstm(wih, bi, bh):
            g = lax.dot_general(esm_ref[...], wih, (((1,), (1,)), ((), ())),
                                preferred_element_type=jnp.float32)
            g = g + bi[None, :] + bh[None, :]
            gi = g[:, :LH]
            gg = g[:, 2 * LH:3 * LH]
            go = g[:, 3 * LH:]
            c = jax.nn.sigmoid(gi) * jnp.tanh(gg)
            return jax.nn.sigmoid(go) * jnp.tanh(c)

        h_f = lstm(wih_f_ref[...], bif_ref[...], bhf_ref[...])
        h_b = lstm(wih_b_ref[...], bib_ref[...], bhb_ref[...])
        seq = jnp.concatenate([h_f, h_b], axis=1)

        te = jnp.dot(tab_ref[...], tabw_ref[...],
                     preferred_element_type=jnp.float32) + tabb_ref[...][None, :]
        te = te * tabg_ref[...][None, :] * _BN_INV + tabbeta_ref[...][None, :]
        te = jnp.maximum(te, 0.0)

        z = jnp.concatenate([ge, seq, te], axis=1)
        z = jnp.dot(z, f1w_ref[...],
                    preferred_element_type=jnp.float32) + f1b_ref[...][None, :]
        z = z * f1g_ref[...][None, :] * _BN_INV + f1beta_ref[...][None, :]
        z = jnp.maximum(z, 0.0)
        z = jnp.maximum(jnp.dot(z, f2w_ref[...], preferred_element_type=jnp.float32)
                        + f2b_ref[...][None, :], 0.0)
        out_ref[...] = jnp.dot(z, f3w_ref[...],
                               preferred_element_type=jnp.float32) + f3b_ref[...][None, :]


def _tc_head(acc2, b2, batch_pad, esm, wih_f, bif, bhf, wih_b, bib, bhb,
             tab_pad, tabw_pad, tabb, tabg, tabbeta,
             f1w, f1b, f1g, f1beta, f2w, f2b, f3w_pad, f3b_pad):
    grid = 10
    blk = NP // grid
    full = lambda *shape: pl.BlockSpec(shape, lambda i: tuple(0 for _ in shape))
    return pl.pallas_call(
        _tc_head_kernel,
        grid=(grid,),
        in_specs=[
            pl.BlockSpec((2, blk, AUG), lambda i: (0, i, 0)),
            pl.BlockSpec((HID,), lambda i: (0,)),
            pl.BlockSpec((blk,), lambda i: (i,)),
            full(B, ESM),
            full(4 * LH, ESM), full(4 * LH), full(4 * LH),
            full(4 * LH, ESM), full(4 * LH), full(4 * LH),
            full(B, 8), full(8, 64), full(64), full(64), full(64),
            full(320, 256), full(256), full(256), full(256),
            full(256, HID), full(HID), full(HID, HID), full(HID),
        ],
        out_specs=pl.BlockSpec((B, HID), lambda i: (0, 0)),
        out_shape=jax.ShapeDtypeStruct((B, HID), jnp.float32),
        scratch_shapes=[
            pltpu.VMEM((B, HID), jnp.float32),
            pltpu.VMEM((B, HID), jnp.float32),
        ],
    )(acc2, b2, batch_pad, esm, wih_f, bif, bhf, wih_b, bib, bhb,
      tab_pad, tabw_pad, tabb, tabg, tabbeta,
      f1w, f1b, f1g, f1beta, f2w, f2b, f3w_pad, f3b_pad)


def kernel(x, edge_index, batch, esm_emb, tabular_feats,
           gat1_W, gat1_asrc, gat1_adst, gat1_b,
           gat2_W, gat2_asrc, gat2_adst, gat2_b,
           lstm_Wih_f, lstm_Whh_f, lstm_bih_f, lstm_bhh_f,
           lstm_Wih_b, lstm_Whh_b, lstm_bih_b, lstm_bhh_b,
           tab_W, tab_b, tab_gamma, tab_beta,
           fus1_W, fus1_b, fus1_gamma, fus1_beta,
           fus2_W, fus2_b, fus3_W, fus3_b):
    src = edge_index[0]
    dst = edge_index[1]

    x_pad = jnp.zeros((NP, 128), jnp.float32).at[:N, :x.shape[1]].set(x)
    w1_pad = jnp.zeros((128, HID), jnp.float32).at[:x.shape[1], :].set(gat1_W)
    batch_pad = jnp.full((NP,), B, jnp.int32).at[:N].set(batch)
    tab_pad = jnp.zeros((B, 8), jnp.float32).at[:, :7].set(tabular_feats)
    tabw_pad = jnp.zeros((8, 64), jnp.float32).at[:7, :].set(tab_W)
    f3w_pad = jnp.zeros((HID, HID), jnp.float32).at[:, :1].set(fus3_W)
    f3b_pad = jnp.zeros((HID,), jnp.float32).at[:1].set(fus3_b)

    sc_edge = _make_sc_edge()

    s1, d1, aug1 = _tc_prep(x_pad, w1_pad, gat1_asrc, gat1_adst)
    acc1 = sc_edge(src, dst, s1, d1, aug1)
    s2, d2, aug2 = _tc_mid(acc1, gat1_b, gat2_W, gat2_asrc, gat2_adst)
    acc2 = sc_edge(src, dst, s2, d2, aug2)
    out = _tc_head(acc2, gat2_b, batch_pad, esm_emb,
                   lstm_Wih_f, lstm_bih_f, lstm_bhh_f,
                   lstm_Wih_b, lstm_bih_b, lstm_bhh_b,
                   tab_pad, tabw_pad, tab_b, tab_gamma, tab_beta,
                   fus1_W, fus1_b, fus1_gamma, fus1_beta,
                   fus2_W, fus2_b, f3w_pad, f3b_pad)
    return out[:, :1]

# --- scband reference (transcript-rebuilt; emitter-appended) ---
"""Pipeline reference for scband-ultimate-genome-xhybrid-33526514712901 (READ-ONLY COPY).

The authoritative reference and input builder live on the scoring server;
editing this copy changes nothing except your own understanding.
"""

import jax, jax.numpy as jnp
import numpy as np

N = 10000
E = 640000
B = 64
NODE_DIM = 21
HID = 128
ESM = 480
LH = 64

def _bn_eval(x, gamma, beta):
    return gamma * x / jnp.sqrt(1.0 + 1e-5) + beta

def _gat_conv(x, src, dst, W, a_src, a_dst, b):
    h = x @ W
    e = jax.nn.leaky_relu((h @ a_src)[src] + (h @ a_dst)[dst], 0.2)
    m = jax.ops.segment_max(e, dst, num_segments=N)
    m = jnp.where(jnp.isfinite(m), m, 0.0)
    ex = jnp.exp(e - m[dst])
    den = jax.ops.segment_sum(ex, dst, num_segments=N)
    alpha = ex / (den[dst] + 1e-16)
    return jax.ops.segment_sum(h[src] * alpha[:, None], dst, num_segments=N) + b

def _lstm_cell(xv, Wih, Whh, bih, bhh):
    h0 = jnp.zeros((xv.shape[0], LH), dtype=xv.dtype)
    g = xv @ Wih.T + h0 @ Whh.T + bih + bhh
    i, f, gg, o = jnp.split(g, 4, axis=-1)
    c = jax.nn.sigmoid(i) * jnp.tanh(gg)
    return jax.nn.sigmoid(o) * jnp.tanh(c)

def setup_inputs(seed: int = 0):
    key = jax.random.key(seed)
    ks = jax.random.split(key, 40)
    def nrm(k, shp, s=0.05):
        return jax.random.normal(k, shp, dtype=jnp.float32) * s
    inp = {}
    inp["x"] = jax.random.normal(ks[0], (N, NODE_DIM), dtype=jnp.float32)
    inp["edge_index"] = jax.random.randint(ks[1], (2, E), 0, N, dtype=jnp.int32)
    inp["batch"] = jnp.sort(jax.random.randint(ks[2], (N,), 0, B, dtype=jnp.int32))
    inp["esm_emb"] = jax.random.normal(ks[3], (B, ESM), dtype=jnp.float32)
    inp["tabular_feats"] = jax.random.normal(ks[4], (B, 7), dtype=jnp.float32)
    inp["gat1_W"] = nrm(ks[5], (NODE_DIM, HID))
    inp["gat1_asrc"] = nrm(ks[6], (HID,))
    inp["gat1_adst"] = nrm(ks[7], (HID,))
    inp["gat1_b"] = nrm(ks[8], (HID,))
    inp["gat2_W"] = nrm(ks[9], (HID, HID))
    inp["gat2_asrc"] = nrm(ks[10], (HID,))
    inp["gat2_adst"] = nrm(ks[11], (HID,))
    inp["gat2_b"] = nrm(ks[12], (HID,))
    inp["lstm_Wih_f"] = nrm(ks[13], (4 * LH, ESM))
    inp["lstm_Whh_f"] = nrm(ks[14], (4 * LH, LH))
    inp["lstm_bih_f"] = nrm(ks[15], (4 * LH,))
    inp["lstm_bhh_f"] = nrm(ks[16], (4 * LH,))
    inp["lstm_Wih_b"] = nrm(ks[17], (4 * LH, ESM))
    inp["lstm_Whh_b"] = nrm(ks[18], (4 * LH, LH))
    inp["lstm_bih_b"] = nrm(ks[19], (4 * LH,))
    inp["lstm_bhh_b"] = nrm(ks[20], (4 * LH,))
    inp["tab_W"] = nrm(ks[21], (7, 64))
    inp["tab_b"] = nrm(ks[22], (64,))
    inp["tab_gamma"] = jnp.ones((64,), dtype=jnp.float32)
    inp["tab_beta"] = jnp.zeros((64,), dtype=jnp.float32)
    inp["fus1_W"] = nrm(ks[23], (320, 256))
    inp["fus1_b"] = nrm(ks[24], (256,))
    inp["fus1_gamma"] = jnp.ones((256,), dtype=jnp.float32)
    inp["fus1_beta"] = jnp.zeros((256,), dtype=jnp.float32)
    inp["fus2_W"] = nrm(ks[25], (256, 128))
    inp["fus2_b"] = nrm(ks[26], (128,))
    inp["fus3_W"] = nrm(ks[27], (128, 1))
    inp["fus3_b"] = nrm(ks[28], (1,))
    return inp

def reference(x, edge_index, batch, esm_emb, tabular_feats, gat1_W, gat1_asrc, gat1_adst, gat1_b, gat2_W, gat2_asrc, gat2_adst, gat2_b, lstm_Wih_f, lstm_Whh_f, lstm_bih_f, lstm_bhh_f, lstm_Wih_b, lstm_Whh_b, lstm_bih_b, lstm_bhh_b, tab_W, tab_b, tab_gamma, tab_beta, fus1_W, fus1_b, fus1_gamma, fus1_beta, fus2_W, fus2_b, fus3_W, fus3_b):
    src, dst = edge_index[0], edge_index[1]
    h1 = jax.nn.relu(_gat_conv(x, src, dst, gat1_W, gat1_asrc, gat1_adst, gat1_b))
    h2 = jax.nn.relu(_gat_conv(h1, src, dst, gat2_W, gat2_asrc, gat2_adst, gat2_b))
    sums = jax.ops.segment_sum(h2, batch, num_segments=B)
    cnts = jax.ops.segment_sum(jnp.ones((N,), dtype=jnp.float32), batch, num_segments=B)
    graph_embed = sums / jnp.maximum(cnts, 1.0)[:, None]
    h_f = _lstm_cell(esm_emb, lstm_Wih_f, lstm_Whh_f, lstm_bih_f, lstm_bhh_f)
    h_b = _lstm_cell(esm_emb, lstm_Wih_b, lstm_Whh_b, lstm_bih_b, lstm_bhh_b)
    seq_embed = jnp.concatenate([h_f, h_b], axis=1)
    tab_embed = jax.nn.relu(_bn_eval(tabular_feats @ tab_W + tab_b, tab_gamma, tab_beta))
    z = jnp.concatenate([graph_embed, seq_embed, tab_embed], axis=1)
    z = jax.nn.relu(_bn_eval(z @ fus1_W + fus1_b, fus1_gamma, fus1_beta))
    z = jax.nn.relu(z @ fus2_W + fus2_b)
    return z @ fus3_W + fus3_b

if __name__ == "__main__":
    import jax
    _d = setup_inputs()
    print(jax.jit(kernel)(*tuple(_d.values())))

</pallas_src>

<mosaic_0001>
#map = affine_map<(d0, d1) -> (0)>
#map1 = affine_map<(d0, d1) -> (0, 0)>
#map2 = affine_map<(d0, d1) -> (0, 0, 0)>
module attributes {stable_mosaic.version = 14 : i64} {
  func.func @_sc_edge_kernel(%arg0: i32, %arg1: i32, %arg2: memref<640000xi32, #tpu.memory_space<hbm>>, %arg3: memref<640000xi32, #tpu.memory_space<hbm>>, %arg4: memref<10240xf32, #tpu.memory_space<hbm>>, %arg5: memref<10240xf32, #tpu.memory_space<hbm>>, %arg6: memref<10240x144xf32, #tpu.memory_space<hbm>>, %arg7: memref<2x10240x144xf32, #tpu.memory_space<hbm>>, %arg8: memref<80xi32, #tpu.memory_space<vmem>>, %arg9: memref<80xi32, #tpu.memory_space<vmem>>, %arg10: memref<80xf32, #tpu.memory_space<vmem>>, %arg11: memref<80xf32, #tpu.memory_space<vmem>>, %arg12: memref<80xf32, #tpu.memory_space<vmem>>, %arg13: memref<80x144xf32, #tpu.memory_space<vmem>>, %arg14: memref<80xi32, #tpu.memory_space<vmem>>, %arg15: memref<80xi32, #tpu.memory_space<vmem>>, %arg16: memref<80xf32, #tpu.memory_space<vmem>>, %arg17: memref<80xf32, #tpu.memory_space<vmem>>, %arg18: memref<80xf32, #tpu.memory_space<vmem>>, %arg19: memref<80x144xf32, #tpu.memory_space<vmem>>, %arg20: memref<16x144xf32, #tpu.memory_space<vmem>>, %arg21: memref<10240x144xf32, #tpu.memory_space<vmem_shared>>, %arg22: memref<!tpu.dma_semaphore, #tpu.memory_space<semaphore_mem>>, %arg23: memref<!tpu.dma_semaphore, #tpu.memory_space<semaphore_mem>>, %arg24: memref<!tpu.dma_semaphore, #tpu.memory_space<semaphore_mem>>, %arg25: memref<!tpu.dma_semaphore, #tpu.memory_space<semaphore_mem>>) attributes {dimension_semantics = [#tpu.dimension_semantics<core_parallel>, #tpu.dimension_semantics<subcore_parallel>], iteration_bounds = array<i64: 2, 16>, scalar_prefetch = 0 : i64, scratch_operands = 18 : i64, tpu.core_type = #tpu.core_type<sc_vector_subcore>, window_params = [{transform_indices = #map}, {transform_indices = #map}, {transform_indices = #map}, {transform_indices = #map}, {transform_indices = #map1}, {transform_indices = #map2}]} {
    %mul3A = arith.constant 2 : i32
    %mul3A_0 = arith.muli %arg1, %mul3A : i32
    %add3A = arith.addi %mul3A_0, %arg0 : i32
    %mul3A_1 = arith.constant 20000 : i32
    %mul3A_2 = arith.muli %add3A, %mul3A_1 : i32
    %scan3A = arith.constant 0 : i32
    %scan3A_3 = arith.constant 0 : i32
    %scan3A_4 = arith.constant 144 : i32
    %scan3A_5 = arith.addi %scan3A_3, %scan3A_4 : i32
    %scan3A_6 = arith.constant 1 : i32
    %scan3A_7 = scf.for %scan3A_39 = %scan3A_3 to %scan3A_5 step %scan3A_6 iter_args(%scan3A_40 = %scan3A) -> (i32)  : i32 {
      %jit3A = arith.constant 9 : i32
      %div3A = arith.divsi %scan3A_39, %jit3A : i32
      %sign3A = arith.constant 0 : i32
      %sign3A_41 = arith.cmpi sgt, %scan3A_39, %sign3A : i32
      %sign3A_42 = arith.extui %sign3A_41 : i1 to i32
      %sign3A_43 = arith.constant 0 : i32
      %sign3A_44 = arith.cmpi slt, %scan3A_39, %sign3A_43 : i32
      %sign3A_45 = arith.extui %sign3A_44 : i1 to i32
      %sign3A_46 = arith.subi %sign3A_42, %sign3A_45 : i32
      %sign3A_47 = arith.constant 0 : i32
      %sign3A_48 = arith.cmpi sgt, %jit3A, %sign3A_47 : i32
      %sign3A_49 = arith.extui %sign3A_48 : i1 to i32
      %sign3A_50 = arith.constant 0 : i32
      %sign3A_51 = arith.cmpi slt, %jit3A, %sign3A_50 : i32
      %sign3A_52 = arith.extui %sign3A_51 : i1 to i32
      %sign3A_53 = arith.subi %sign3A_49, %sign3A_52 : i32
      %ne3A = arith.cmpi ne, %sign3A_46, %sign3A_53 : i32
      %rem3A = arith.remsi %scan3A_39, %jit3A : i32
      %ne3A_54 = arith.constant 0 : i32
      %ne3A_55 = arith.cmpi ne, %rem3A, %ne3A_54 : i32
      %and3A = arith.andi %ne3A, %ne3A_55 : i1
      %sub3A = arith.constant 1 : i32
      %sub3A_56 = arith.subi %div3A, %sub3A : i32
      %select_n3A = arith.select %and3A, %sub3A_56, %div3A : i32
      %jit3A_57 = arith.constant 9 : i32
      %eq3A = arith.constant 0 : i32
      %eq3A_58 = arith.cmpi eq, %jit3A_57, %eq3A : i32
      %jit3A_59 = arith.constant 1 : i32
      %select_n3A_60 = arith.select %eq3A_58, %jit3A_59, %jit3A_57 : i32
      %rem3A_61 = arith.remsi %scan3A_39, %select_n3A_60 : i32
      %ne3A_62 = arith.constant 0 : i32
      %ne3A_63 = arith.cmpi ne, %rem3A_61, %ne3A_62 : i32
      %lt3A = arith.constant 0 : i32
      %lt3A_64 = arith.cmpi slt, %rem3A_61, %lt3A : i32
      %lt3A_65 = arith.constant 0 : i32
      %lt3A_66 = arith.cmpi slt, %select_n3A_60, %lt3A_65 : i32
      %ne3A_67 = arith.xori %lt3A_64, %lt3A_66 : i1
      %and3A_68 = arith.andi %ne3A_67, %ne3A_63 : i1
      %add3A_69 = arith.addi %rem3A_61, %select_n3A_60 : i32
      %select_n3A_70 = arith.select %and3A_68, %add3A_69, %rem3A_61 : i32
      %mul3A_71 = arith.constant 16 : i32
      %mul3A_72 = arith.muli %select_n3A_70, %mul3A_71 : i32
      %broadcast_in_dim3A = arith.constant 0.000000e+00 : f32
      %broadcast_in_dim3A_73 = vector.broadcast %broadcast_in_dim3A : f32 to vector<16xf32>
      %swap3A = arith.index_cast %select_n3A : i32 to index
      %swap3A_74 = arith.index_cast %mul3A_72 : i32 to index
      %swap3A_75 = tpu.vector_load %arg20[%swap3A, %swap3A_74] {strides = array<i32>} : memref<16x144xf32, #tpu.memory_space<vmem>>, vector<16xf32>,
      tpu.vector_store %arg20[%swap3A, %swap3A_74], %broadcast_in_dim3A_73 {strides = array<i32>} : memref<16x144xf32, #tpu.memory_space<vmem>>, vector<16xf32>,
      %scan3A_76 = arith.constant 0 : i32
      scf.yield %scan3A_76 : i32
    }
    %scan3A_8 = arith.constant 144 : i32
    %scan3A_9 = arith.constant 0 : i32
    %scan3A_10 = arith.constant 0 : i32
    %scan3A_11 = arith.constant 40 : i32
    %scan3A_12 = arith.addi %scan3A_10, %scan3A_11 : i32
    %scan3A_13 = arith.constant 1 : i32
    %scan3A_14 = scf.for %scan3A_39 = %scan3A_10 to %scan3A_12 step %scan3A_13 iter_args(%scan3A_40 = %scan3A_9) -> (i32)  : i32 {
      %mul3A_41 = arith.constant 640 : i32
      %mul3A_42 = arith.muli %arg1, %mul3A_41 : i32
      %mul3A_43 = arith.constant 16 : i32
      %mul3A_44 = arith.muli %scan3A_39, %mul3A_43 : i32
      %add3A_45 = arith.addi %mul3A_42, %mul3A_44 : i32
      "tpu.region"() ({
        %run_scoped3A = tpu.sem_alloc : memref<!tpu.dma_semaphore, #tpu.memory_space<semaphore_mem>>
        %dma_start3A_47 = arith.constant 0 : i32
        %dma_start3A_48 = tpu.memref_slice %arg21[%add3A_45, %dma_start3A_47] : memref<10240x144xf32, #tpu.memory_space<vmem_shared>> -> memref<16x144xf32, #tpu.memory_space<vmem_shared>>
        %dma_start3A_49 = arith.constant 0 : i32
        %dma_start3A_50 = tpu.memref_slice %arg21[%add3A_45, %dma_start3A_49] : memref<10240x144xf32, #tpu.memory_space<vmem_shared>> -> memref<16x144xf32, #tpu.memory_space<vmem_shared>>
        tpu.enqueue_dma source(%arg20 : memref<16x144xf32, #tpu.memory_space<vmem>>) target(%dma_start3A_50 : memref<16x144xf32, #tpu.memory_space<vmem_shared>>) target_semaphore(%run_scoped3A : memref<!tpu.dma_semaphore, #tpu.memory_space<semaphore_mem>>)
        %dma_wait3A_51 = arith.constant 0 : i32
        %dma_wait3A_52 = tpu.memref_slice %arg21[%add3A_45, %dma_wait3A_51] : memref<10240x144xf32, #tpu.memory_space<vmem_shared>> -> memref<16x144xf32, #tpu.memory_space<vmem_shared>>
        %dma_wait3A_53 = arith.constant 0 : i32
        %dma_wait3A_54 = tpu.memref_slice %arg21[%add3A_45, %dma_wait3A_53] : memref<10240x144xf32, #tpu.memory_space<vmem_shared>> -> memref<16x144xf32, #tpu.memory_space<vmem_shared>>
        tpu.wait_dma2 semaphore(%run_scoped3A : memref<!tpu.dma_semaphore, #tpu.memory_space<semaphore_mem>>) src(%arg20 : memref<16x144xf32, #tpu.memory_space<vmem>>) dst(%dma_wait3A_54 : memref<16x144xf32, #tpu.memory_space<vmem_shared>>)
        tpu.yield
      }) : () -> ()
      %scan3A_46 = arith.constant 0 : i32
      scf.yield %scan3A_46 : i32
    }
    %scan3A_15 = arith.constant 40 : i32
    %barrier3A = arith.constant 0 : index
    tpu.barrier barrier_id(%barrier3A)
    %add3A_16 = arith.constant 0 : i32
    %add3A_17 = arith.addi %mul3A_2, %add3A_16 : i32
    "tpu.region"() ({
      %run_scoped3A = tpu.sem_alloc : memref<!tpu.dma_semaphore, #tpu.memory_space<semaphore_mem>>
      %dma_start3A_39 = tpu.memref_slice %arg2[%add3A_17] : memref<640000xi32, #tpu.memory_space<hbm>> -> memref<80xi32, #tpu.memory_space<hbm>>
      %dma_start3A_40 = tpu.memref_slice %arg2[%add3A_17] : memref<640000xi32, #tpu.memory_space<hbm>> -> memref<80xi32, #tpu.memory_space<hbm>>
      tpu.enqueue_dma source(%dma_start3A_40 : memref<80xi32, #tpu.memory_space<hbm>>) target(%arg8 : memref<80xi32, #tpu.memory_space<vmem>>) target_semaphore(%run_scoped3A : memref<!tpu.dma_semaphore, #tpu.memory_space<semaphore_mem>>)
      %dma_wait3A_41 = tpu.memref_slice %arg2[%add3A_17] : memref<640000xi32, #tpu.memory_space<hbm>> -> memref<80xi32, #tpu.memory_space<hbm>>
      %dma_wait3A_42 = tpu.memref_slice %arg2[%add3A_17] : memref<640000xi32, #tpu.memory_space<hbm>> -> memref<80xi32, #tpu.memory_space<hbm>>
      tpu.wait_dma2 semaphore(%run_scoped3A : memref<!tpu.dma_semaphore, #tpu.memory_space<semaphore_mem>>) src(%dma_wait3A_42 : memref<80xi32, #tpu.memory_space<hbm>>) dst(%arg8 : memref<80xi32, #tpu.memory_space<vmem>>)
      tpu.yield
    }) : () -> ()
    "tpu.region"() ({
      %run_scoped3A = tpu.sem_alloc : memref<!tpu.dma_semaphore, #tpu.memory_space<semaphore_mem>>
      %dma_start3A_39 = tpu.memref_slice %arg3[%add3A_17] : memref<640000xi32, #tpu.memory_space<hbm>> -> memref<80xi32, #tpu.memory_space<hbm>>
      %dma_start3A_40 = tpu.memref_slice %arg3[%add3A_17] : memref<640000xi32, #tpu.memory_space<hbm>> -> memref<80xi32, #tpu.memory_space<hbm>>
      tpu.enqueue_dma source(%dma_start3A_40 : memref<80xi32, #tpu.memory_space<hbm>>) target(%arg9 : memref<80xi32, #tpu.memory_space<vmem>>) target_semaphore(%run_scoped3A : memref<!tpu.dma_semaphore, #tpu.memory_space<semaphore_mem>>)
      %dma_wait3A_41 = tpu.memref_slice %arg3[%add3A_17] : memref<640000xi32, #tpu.memory_space<hbm>> -> memref<80xi32, #tpu.memory_space<hbm>>
      %dma_wait3A_42 = tpu.memref_slice %arg3[%add3A_17] : memref<640000xi32, #tpu.memory_space<hbm>> -> memref<80xi32, #tpu.memory_space<hbm>>
      tpu.wait_dma2 semaphore(%run_scoped3A : memref<!tpu.dma_semaphore, #tpu.memory_space<semaphore_mem>>) src(%dma_wait3A_42 : memref<80xi32, #tpu.memory_space<hbm>>) dst(%arg9 : memref<80xi32, #tpu.memory_space<vmem>>)
      tpu.yield
    }) : () -> ()
    %dma_start3A = arith.constant 0 : i32
    %dma_start3A_18 = arith.constant 0 : i32
    %dma_start3A_19 = tpu.memref_slice %arg6[%dma_start3A, %dma_start3A_18] : memref<10240x144xf32, #tpu.memory_space<hbm>> -> memref<10240x144xf32, #tpu.memory_space<hbm>>
    tpu.enqueue_indirect_dma source(%dma_start3A_19 : memref<10240x144xf32, #tpu.memory_space<hbm>>) target(%arg13 : memref<80x144xf32, #tpu.memory_space<vmem>>) offsets(%arg8 : memref<80xi32, #tpu.memory_space<vmem>>) semaphore(%arg22 : memref<!tpu.dma_semaphore, #tpu.memory_space<semaphore_mem>>)
    %dma_start3A_20 = arith.constant 0 : i32
    %dma_start3A_21 = tpu.memref_slice %arg4[%dma_start3A_20] : memref<10240xf32, #tpu.memory_space<hbm>> -> memref<10240xf32, #tpu.memory_space<hbm>>
    tpu.enqueue_indirect_dma source(%dma_start3A_21 : memref<10240xf32, #tpu.memory_space<hbm>>) target(%arg10 : memref<80xf32, #tpu.memory_space<vmem>>) offsets(%arg8 : memref<80xi32, #tpu.memory_space<vmem>>) semaphore(%arg22 : memref<!tpu.dma_semaphore, #tpu.memory_space<semaphore_mem>>)
    %dma_start3A_22 = arith.constant 0 : i32
    %dma_start3A_23 = tpu.memref_slice %arg5[%dma_start3A_22] : memref<10240xf32, #tpu.memory_space<hbm>> -> memref<10240xf32, #tpu.memory_space<hbm>>
    tpu.enqueue_indirect_dma source(%dma_start3A_23 : memref<10240xf32, #tpu.memory_space<hbm>>) target(%arg11 : memref<80xf32, #tpu.memory_space<vmem>>) offsets(%arg9 : memref<80xi32, #tpu.memory_space<vmem>>) semaphore(%arg22 : memref<!tpu.dma_semaphore, #tpu.memory_space<semaphore_mem>>)
    %scan3A_24 = arith.constant 0 : i32
    %scan3A_25 = arith.constant 0 : i32
    %scan3A_26 = arith.constant 125 : i32
    %scan3A_27 = arith.addi %scan3A_25, %scan3A_26 : i32
    %scan3A_28 = arith.constant 1 : i32
    %scan3A_29 = scf.for %scan3A_39 = %scan3A_25 to %scan3A_27 step %scan3A_28 iter_args(%scan3A_40 = %scan3A_24) -> (i32)  : i32 {
      %mul3A_41 = arith.constant 2 : i32
      %mul3A_42 = arith.muli %scan3A_39, %mul3A_41 : i32
      %add3A_43 = arith.constant 0 : i32
      %add3A_44 = arith.addi %mul3A_42, %add3A_43 : i32
      %add3A_45 = arith.constant 1 : i32
      %add3A_46 = arith.addi %add3A_44, %add3A_45 : i32
      %lt3A = arith.constant 250 : i32
      %lt3A_47 = arith.cmpi slt, %add3A_46, %lt3A : i32
      %convert_element_type3A = arith.extui %lt3A_47 : i1 to i32
      %cond3A = arith.constant 0 : i32
      %cond3A_48 = arith.cmpi ne, %convert_element_type3A, %cond3A : i32
      scf.if %cond3A_48 {
        %ge3A_240 = arith.constant 1 : i32
        %ge3A_241 = arith.cmpi sge, %add3A_44, %ge3A_240 : i32
        %convert_element_type3A_242 = arith.extui %ge3A_241 : i1 to i32
        %cond3A_243 = arith.constant 0 : i32
        %cond3A_244 = arith.cmpi ne, %convert_element_type3A_242, %cond3A_243 : i32
        scf.if %cond3A_244 {
          %dma_wait3A_257 = arith.constant 0 : i32
          %dma_wait3A_258 = arith.constant 0 : i32
          %dma_wait3A_259 = tpu.memref_slice %arg21[%dma_wait3A_257, %dma_wait3A_258] : memref<10240x144xf32, #tpu.memory_space<vmem_shared>> -> memref<10240x144xf32, #tpu.memory_space<vmem_shared>>
          tpu.wait_indirect_dma semaphore(%arg25 : memref<!tpu.dma_semaphore, #tpu.memory_space<semaphore_mem>>) src(%arg19 : memref<80x144xf32, #tpu.memory_space<vmem>>) dst(%dma_wait3A_259 : memref<10240x144xf32, #tpu.memory_space<vmem_shared>>)
        } else {
        }
        %add3A_245 = arith.constant 1 : i32
        %add3A_246 = arith.addi %add3A_44, %add3A_245 : i32
        %mul3A_247 = arith.constant 80 : i32
        %mul3A_248 = arith.muli %add3A_246, %mul3A_247 : i32
        %add3A_249 = arith.addi %mul3A_2, %mul3A_248 : i32
        "tpu.region"() ({
          %run_scoped3A = tpu.sem_alloc : memref<!tpu.dma_semaphore, #tpu.memory_space<semaphore_mem>>
          %dma_start3A_257 = tpu.memref_slice %arg2[%add3A_249] : memref<640000xi32, #tpu.memory_space<hbm>> -> memref<80xi32, #tpu.memory_space<hbm>>
          %dma_start3A_258 = tpu.memref_slice %arg2[%add3A_249] : memref<640000xi32, #tpu.memory_space<hbm>> -> memref<80xi32, #tpu.memory_space<hbm>>
          tpu.enqueue_dma source(%dma_start3A_258 : memref<80xi32, #tpu.memory_space<hbm>>) target(%arg14 : memref<80xi32, #tpu.memory_space<vmem>>) target_semaphore(%run_scoped3A : memref<!tpu.dma_semaphore, #tpu.memory_space<semaphore_mem>>)
          %dma_wait3A_259 = tpu.memref_slice %arg2[%add3A_249] : memref<640000xi32, #tpu.memory_space<hbm>> -> memref<80xi32, #tpu.memory_space<hbm>>
          %dma_wait3A_260 = tpu.memref_slice %arg2[%add3A_249] : memref<640000xi32, #tpu.memory_space<hbm>> -> memref<80xi32, #tpu.memory_space<hbm>>
          tpu.wait_dma2 semaphore(%run_scoped3A : memref<!tpu.dma_semaphore, #tpu.memory_space<semaphore_mem>>) src(%dma_wait3A_260 : memref<80xi32, #tpu.memory_space<hbm>>) dst(%arg14 : memref<80xi32, #tpu.memory_space<vmem>>)
          tpu.yield
        }) : () -> ()
        "tpu.region"() ({
          %run_scoped3A = tpu.sem_alloc : memref<!tpu.dma_semaphore, #tpu.memory_space<semaphore_mem>>
          %dma_start3A_257 = tpu.memref_slice %arg3[%add3A_249] : memref<640000xi32, #tpu.memory_space<hbm>> -> memref<80xi32, #tpu.memory_space<hbm>>
          %dma_start3A_258 = tpu.memref_slice %arg3[%add3A_249] : memref<640000xi32, #tpu.memory_space<hbm>> -> memref<80xi32, #tpu.memory_space<hbm>>
          tpu.enqueue_dma source(%dma_start3A_258 : memref<80xi32, #tpu.memory_space<hbm>>) target(%arg15 : memref<80xi32, #tpu.memory_space<vmem>>) target_semaphore(%run_scoped3A : memref<!tpu.dma_semaphore, #tpu.memory_space<semaphore_mem>>)
          %dma_wait3A_259 = tpu.memref_slice %arg3[%add3A_249] : memref<640000xi32, #tpu.memory_space<hbm>> -> memref<80xi32, #tpu.memory_space<hbm>>
          %dma_wait3A_260 = tpu.memref_slice %arg3[%add3A_249] : memref<640000xi32, #tpu.memory_space<hbm>> -> memref<80xi32, #tpu.memory_space<hbm>>
          tpu.wait_dma2 semaphore(%run_scoped3A : memref<!tpu.dma_semaphore, #tpu.memory_space<semaphore_mem>>) src(%dma_wait3A_260 : memref<80xi32, #tpu.memory_space<hbm>>) dst(%arg15 : memref<80xi32, #tpu.memory_space<vmem>>)
          tpu.yield
        }) : () -> ()
        %dma_start3A_250 = arith.constant 0 : i32
        %dma_start3A_251 = arith.constant 0 : i32
        %dma_start3A_252 = tpu.memref_slice %arg6[%dma_start3A_250, %dma_start3A_251] : memref<10240x144xf32, #tpu.memory_space<hbm>> -> memref<10240x144xf32, #tpu.memory_space<hbm>>
        tpu.enqueue_indirect_dma source(%dma_start3A_252 : memref<10240x144xf32, #tpu.memory_space<hbm>>) target(%arg19 : memref<80x144xf32, #tpu.memory_space<vmem>>) offsets(%arg14 : memref<80xi32, #tpu.memory_space<vmem>>) semaphore(%arg23 : memref<!tpu.dma_semaphore, #tpu.memory_space<semaphore_mem>>)
        %dma_start3A_253 = arith.constant 0 : i32
        %dma_start3A_254 = tpu.memref_slice %arg4[%dma_start3A_253] : memref<10240xf32, #tpu.memory_space<hbm>> -> memref<10240xf32, #tpu.memory_space<hbm>>
        tpu.enqueue_indirect_dma source(%dma_start3A_254 : memref<10240xf32, #tpu.memory_space<hbm>>) target(%arg16 : memref<80xf32, #tpu.memory_space<vmem>>) offsets(%arg14 : memref<80xi32, #tpu.memory_space<vmem>>) semaphore(%arg23 : memref<!tpu.dma_semaphore, #tpu.memory_space<semaphore_mem>>)
        %dma_start3A_255 = arith.constant 0 : i32
        %dma_start3A_256 = tpu.memref_slice %arg5[%dma_start3A_255] : memref<10240xf32, #tpu.memory_space<hbm>> -> memref<10240xf32, #tpu.memory_space<hbm>>
        tpu.enqueue_indirect_dma source(%dma_start3A_256 : memref<10240xf32, #tpu.memory_space<hbm>>) target(%arg17 : memref<80xf32, #tpu.memory_space<vmem>>) offsets(%arg15 : memref<80xi32, #tpu.memory_space<vmem>>) semaphore(%arg23 : memref<!tpu.dma_semaphore, #tpu.memory_space<semaphore_mem>>)
      } else {
      }
      %dma_wait3A_49 = arith.constant 0 : i32
      %dma_wait3A_50 = arith.constant 0 : i32
      %dma_wait3A_51 = tpu.memref_slice %arg6[%dma_wait3A_49, %dma_wait3A_50] : memref<10240x144xf32, #tpu.memory_space<hbm>> -> memref<10240x144xf32, #tpu.memory_space<hbm>>
      tpu.wait_indirect_dma semaphore(%arg22 : memref<!tpu.dma_semaphore, #tpu.memory_space<semaphore_mem>>) src(%dma_wait3A_51 : memref<10240x144xf32, #tpu.memory_space<hbm>>) dst(%arg13 : memref<80x144xf32, #tpu.memory_space<vmem>>)
      %dma_wait3A_52 = arith.constant 0 : i32
      %dma_wait3A_53 = tpu.memref_slice %arg4[%dma_wait3A_52] : memref<10240xf32, #tpu.memory_space<hbm>> -> memref<10240xf32, #tpu.memory_space<hbm>>
      tpu.wait_indirect_dma semaphore(%arg22 : memref<!tpu.dma_semaphore, #tpu.memory_space<semaphore_mem>>) src(%dma_wait3A_53 : memref<10240xf32, #tpu.memory_space<hbm>>) dst(%arg10 : memref<80xf32, #tpu.memory_space<vmem>>)
      %dma_wait3A_54 = arith.constant 0 : i32
      %dma_wait3A_55 = tpu.memref_slice %arg5[%dma_wait3A_54] : memref<10240xf32, #tpu.memory_space<hbm>> -> memref<10240xf32, #tpu.memory_space<hbm>>
      tpu.wait_indirect_dma semaphore(%arg22 : memref<!tpu.dma_semaphore, #tpu.memory_space<semaphore_mem>>) src(%dma_wait3A_55 : memref<10240xf32, #tpu.memory_space<hbm>>) dst(%arg11 : memref<80xf32, #tpu.memory_space<vmem>>)
      %get3A = arith.constant 0 : index
      %get3A_56 = tpu.vector_load %arg10[%get3A] {strides = array<i32>} : memref<80xf32, #tpu.memory_space<vmem>>, vector<16xf32>,
      %get3A_57 = arith.constant 0 : index
      %get3A_58 = tpu.vector_load %arg11[%get3A_57] {strides = array<i32>} : memref<80xf32, #tpu.memory_space<vmem>>, vector<16xf32>,
      %add3A_59 = arith.addf %get3A_56, %get3A_58 : vector<16xf32>
      %ge3A = arith.constant 0.000000e+00 : f32
      %ge3A_60 = vector.broadcast %ge3A : f32 to vector<16xf32>
      %ge3A_61 = arith.cmpf oge, %add3A_59, %ge3A_60 : vector<16xf32>
      %mul3A_62 = arith.constant 2.000000e-01 : f32
      %mul3A_63 = vector.broadcast %mul3A_62 : f32 to vector<16xf32>
      %mul3A_64 = arith.mulf %mul3A_63, %add3A_59 : vector<16xf32>
      %select_n3A = arith.select %ge3A_61, %add3A_59, %mul3A_64 : vector<16xi1>, vector<16xf32>
      %exp3A = math.exp %select_n3A : vector<16xf32>
      %swap3A = arith.constant 0 : index
      %swap3A_65 = tpu.vector_load %arg12[%swap3A] {strides = array<i32>} : memref<80xf32, #tpu.memory_space<vmem>>, vector<16xf32>,
      tpu.vector_store %arg12[%swap3A], %exp3A {strides = array<i32>} : memref<80xf32, #tpu.memory_space<vmem>>, vector<16xf32>,
      %get3A_66 = arith.constant 16 : index
      %get3A_67 = tpu.vector_load %arg10[%get3A_66] {strides = array<i32>} : memref<80xf32, #tpu.memory_space<vmem>>, vector<16xf32>,
      %get3A_68 = arith.constant 16 : index
      %get3A_69 = tpu.vector_load %arg11[%get3A_68] {strides = array<i32>} : memref<80xf32, #tpu.memory_space<vmem>>, vector<16xf32>,
      %add3A_70 = arith.addf %get3A_67, %get3A_69 : vector<16xf32>
      %ge3A_71 = arith.constant 0.000000e+00 : f32
      %ge3A_72 = vector.broadcast %ge3A_71 : f32 to vector<16xf32>
      %ge3A_73 = arith.cmpf oge, %add3A_70, %ge3A_72 : vector<16xf32>
      %mul3A_74 = arith.constant 2.000000e-01 : f32
      %mul3A_75 = vector.broadcast %mul3A_74 : f32 to vector<16xf32>
      %mul3A_76 = arith.mulf %mul3A_75, %add3A_70 : vector<16xf32>
      %select_n3A_77 = arith.select %ge3A_73, %add3A_70, %mul3A_76 : vector<16xi1>, vector<16xf32>
      %exp3A_78 = math.exp %select_n3A_77 : vector<16xf32>
      %swap3A_79 = arith.constant 16 : index
      %swap3A_80 = tpu.vector_load %arg12[%swap3A_79] {strides = array<i32>} : memref<80xf32, #tpu.memory_space<vmem>>, vector<16xf32>,
      tpu.vector_store %arg12[%swap3A_79], %exp3A_78 {strides = array<i32>} : memref<80xf32, #tpu.memory_space<vmem>>, vector<16xf32>,
      %get3A_81 = arith.constant 32 : index
      %get3A_82 = tpu.vector_load %arg10[%get3A_81] {strides = array<i32>} : memref<80xf32, #tpu.memory_space<vmem>>, vector<16xf32>,
      %get3A_83 = arith.constant 32 : index
      %get3A_84 = tpu.vector_load %arg11[%get3A_83] {strides = array<i32>} : memref<80xf32, #tpu.memory_space<vmem>>, vector<16xf32>,
      %add3A_85 = arith.addf %get3A_82, %get3A_84 : vector<16xf32>
      %ge3A_86 = arith.constant 0.000000e+00 : f32
      %ge3A_87 = vector.broadcast %ge3A_86 : f32 to vector<16xf32>
      %ge3A_88 = arith.cmpf oge, %add3A_85, %ge3A_87 : vector<16xf32>
      %mul3A_89 = arith.constant 2.000000e-01 : f32
      %mul3A_90 = vector.broadcast %mul3A_89 : f32 to vector<16xf32>
      %mul3A_91 = arith.mulf %mul3A_90, %add3A_85 : vector<16xf32>
      %select_n3A_92 = arith.select %ge3A_88, %add3A_85, %mul3A_91 : vector<16xi1>, vector<16xf32>
      %exp3A_93 = math.exp %select_n3A_92 : vector<16xf32>
      %swap3A_94 = arith.constant 32 : index
      %swap3A_95 = tpu.vector_load %arg12[%swap3A_94] {strides = array<i32>} : memref<80xf32, #tpu.memory_space<vmem>>, vector<16xf32>,
      tpu.vector_store %arg12[%swap3A_94], %exp3A_93 {strides = array<i32>} : memref<80xf32, #tpu.memory_space<vmem>>, vector<16xf32>,
      %get3A_96 = arith.constant 48 : index
      %get3A_97 = tpu.vector_load %arg10[%get3A_96] {strides = array<i32>} : memref<80xf32, #tpu.memory_space<vmem>>, vector<16xf32>,
      %get3A_98 = arith.constant 48 : index
      %get3A_99 = tpu.vector_load %arg11[%get3A_98] {strides = array<i32>} : memref<80xf32, #tpu.memory_space<vmem>>, vector<16xf32>,
      %add3A_100 = arith.addf %get3A_97, %get3A_99 : vector<16xf32>
      %ge3A_101 = arith.constant 0.000000e+00 : f32
      %ge3A_102 = vector.broadcast %ge3A_101 : f32 to vector<16xf32>
      %ge3A_103 = arith.cmpf oge, %add3A_100, %ge3A_102 : vector<16xf32>
      %mul3A_104 = arith.constant 2.000000e-01 : f32
      %mul3A_105 = vector.broadcast %mul3A_104 : f32 to vector<16xf32>
      %mul3A_106 = arith.mulf %mul3A_105, %add3A_100 : vector<16xf32>
      %select_n3A_107 = arith.select %ge3A_103, %add3A_100, %mul3A_106 : vector<16xi1>, vector<16xf32>
      %exp3A_108 = math.exp %select_n3A_107 : vector<16xf32>
      %swap3A_109 = arith.constant 48 : index
      %swap3A_110 = tpu.vector_load %arg12[%swap3A_109] {strides = array<i32>} : memref<80xf32, #tpu.memory_space<vmem>>, vector<16xf32>,
      tpu.vector_store %arg12[%swap3A_109], %exp3A_108 {strides = array<i32>} : memref<80xf32, #tpu.memory_space<vmem>>, vector<16xf32>,
      %get3A_111 = arith.constant 64 : index
      %get3A_112 = tpu.vector_load %arg10[%get3A_111] {strides = array<i32>} : memref<80xf32, #tpu.memory_space<vmem>>, vector<16xf32>,
      %get3A_113 = arith.constant 64 : index
      %get3A_114 = tpu.vector_load %arg11[%get3A_113] {strides = array<i32>} : memref<80xf32, #tpu.memory_space<vmem>>, vector<16xf32>,
      %add3A_115 = arith.addf %get3A_112, %get3A_114 : vector<16xf32>
      %ge3A_116 = arith.constant 0.000000e+00 : f32
      %ge3A_117 = vector.broadcast %ge3A_116 : f32 to vector<16xf32>
      %ge3A_118 = arith.cmpf oge, %add3A_115, %ge3A_117 : vector<16xf32>
      %mul3A_119 = arith.constant 2.000000e-01 : f32
      %mul3A_120 = vector.broadcast %mul3A_119 : f32 to vector<16xf32>
      %mul3A_121 = arith.mulf %mul3A_120, %add3A_115 : vector<16xf32>
      %select_n3A_122 = arith.select %ge3A_118, %add3A_115, %mul3A_121 : vector<16xi1>, vector<16xf32>
      %exp3A_123 = math.exp %select_n3A_122 : vector<16xf32>
      %swap3A_124 = arith.constant 64 : index
      %swap3A_125 = tpu.vector_load %arg12[%swap3A_124] {strides = array<i32>} : memref<80xf32, #tpu.memory_space<vmem>>, vector<16xf32>,
      tpu.vector_store %arg12[%swap3A_124], %exp3A_123 {strides = array<i32>} : memref<80xf32, #tpu.memory_space<vmem>>, vector<16xf32>,
      %scan3A_126 = arith.constant 0 : i32
      %scan3A_127 = arith.constant 0 : i32
      %scan3A_128 = arith.constant 80 : i32
      %scan3A_129 = arith.addi %scan3A_127, %scan3A_128 : i32
      %scan3A_130 = arith.constant 1 : i32
      %scan3A_131 = scf.for %scan3A_240 = %scan3A_127 to %scan3A_129 step %scan3A_130 iter_args(%scan3A_241 = %scan3A_126) -> (i32)  : i32 {
        %broadcast_in_dim3A = vector.broadcast %scan3A_240 : i32 to vector<16xi32>
        %gather3A = tpu.vector_load_idx %arg12[%broadcast_in_dim3A] : memref<80xf32, #tpu.memory_space<vmem>>[vector<16xi32>], vector<16xf32>,
        %get3A_242 = arith.index_cast %scan3A_240 : i32 to index
        %get3A_243 = arith.constant 0 : index
        %get3A_244 = tpu.vector_load %arg13[%get3A_242, %get3A_243] {strides = array<i32>} : memref<80x144xf32, #tpu.memory_space<vmem>>, vector<16xf32>,
        %mul3A_245 = arith.mulf %get3A_244, %gather3A : vector<16xf32>
        %swap3A_246 = arith.index_cast %scan3A_240 : i32 to index
        %swap3A_247 = arith.constant 0 : index
        %swap3A_248 = tpu.vector_load %arg13[%swap3A_246, %swap3A_247] {strides = array<i32>} : memref<80x144xf32, #tpu.memory_space<vmem>>, vector<16xf32>,
        tpu.vector_store %arg13[%swap3A_246, %swap3A_247], %mul3A_245 {strides = array<i32>} : memref<80x144xf32, #tpu.memory_space<vmem>>, vector<16xf32>,
        %get3A_249 = arith.index_cast %scan3A_240 : i32 to index
        %get3A_250 = arith.constant 16 : index
        %get3A_251 = tpu.vector_load %arg13[%get3A_249, %get3A_250] {strides = array<i32>} : memref<80x144xf32, #tpu.memory_space<vmem>>, vector<16xf32>,
        %mul3A_252 = arith.mulf %get3A_251, %gather3A : vector<16xf32>
        %swap3A_253 = arith.index_cast %scan3A_240 : i32 to index
        %swap3A_254 = arith.constant 16 : index
        %swap3A_255 = tpu.vector_load %arg13[%swap3A_253, %swap3A_254] {strides = array<i32>} : memref<80x144xf32, #tpu.memory_space<vmem>>, vector<16xf32>,
        tpu.vector_store %arg13[%swap3A_253, %swap3A_254], %mul3A_252 {strides = array<i32>} : memref<80x144xf32, #tpu.memory_space<vmem>>, vector<16xf32>,
        %get3A_256 = arith.index_cast %scan3A_240 : i32 to index
        %get3A_257 = arith.constant 32 : index
        %get3A_258 = tpu.vector_load %arg13[%get3A_256, %get3A_257] {strides = array<i32>} : memref<80x144xf32, #tpu.memory_space<vmem>>, vector<16xf32>,
        %mul3A_259 = arith.mulf %get3A_258, %gather3A : vector<16xf32>
        %swap3A_260 = arith.index_cast %scan3A_240 : i32 to index
        %swap3A_261 = arith.constant 32 : index
        %swap3A_262 = tpu.vector_load %arg13[%swap3A_260, %swap3A_261] {strides = array<i32>} : memref<80x144xf32, #tpu.memory_space<vmem>>, vector<16xf32>,
        tpu.vector_store %arg13[%swap3A_260, %swap3A_261], %mul3A_259 {strides = array<i32>} : memref<80x144xf32, #tpu.memory_space<vmem>>, vector<16xf32>,
        %get3A_263 = arith.index_cast %scan3A_240 : i32 to index
        %get3A_264 = arith.constant 48 : index
        %get3A_265 = tpu.vector_load %arg13[%get3A_263, %get3A_264] {strides = array<i32>} : memref<80x144xf32, #tpu.memory_space<vmem>>, vector<16xf32>,
        %mul3A_266 = arith.mulf %get3A_265, %gather3A : vector<16xf32>
        %swap3A_267 = arith.index_cast %scan3A_240 : i32 to index
        %swap3A_268 = arith.constant 48 : index
        %swap3A_269 = tpu.vector_load %arg13[%swap3A_267, %swap3A_268] {strides = array<i32>} : memref<80x144xf32, #tpu.memory_space<vmem>>, vector<16xf32>,
        tpu.vector_store %arg13[%swap3A_267, %swap3A_268], %mul3A_266 {strides = array<i32>} : memref<80x144xf32, #tpu.memory_space<vmem>>, vector<16xf32>,
        %get3A_270 = arith.index_cast %scan3A_240 : i32 to index
        %get3A_271 = arith.constant 64 : index
        %get3A_272 = tpu.vector_load %arg13[%get3A_270, %get3A_271] {strides = array<i32>} : memref<80x144xf32, #tpu.memory_space<vmem>>, vector<16xf32>,
        %mul3A_273 = arith.mulf %get3A_272, %gather3A : vector<16xf32>
        %swap3A_274 = arith.index_cast %scan3A_240 : i32 to index
        %swap3A_275 = arith.constant 64 : index
        %swap3A_276 = tpu.vector_load %arg13[%swap3A_274, %swap3A_275] {strides = array<i32>} : memref<80x144xf32, #tpu.memory_space<vmem>>, vector<16xf32>,
        tpu.vector_store %arg13[%swap3A_274, %swap3A_275], %mul3A_273 {strides = array<i32>} : memref<80x144xf32, #tpu.memory_space<vmem>>, vector<16xf32>,
        %get3A_277 = arith.index_cast %scan3A_240 : i32 to index
        %get3A_278 = arith.constant 80 : index
        %get3A_279 = tpu.vector_load %arg13[%get3A_277, %get3A_278] {strides = array<i32>} : memref<80x144xf32, #tpu.memory_space<vmem>>, vector<16xf32>,
        %mul3A_280 = arith.mulf %get3A_279, %gather3A : vector<16xf32>
        %swap3A_281 = arith.index_cast %scan3A_240 : i32 to index
        %swap3A_282 = arith.constant 80 : index
        %swap3A_283 = tpu.vector_load %arg13[%swap3A_281, %swap3A_282] {strides = array<i32>} : memref<80x144xf32, #tpu.memory_space<vmem>>, vector<16xf32>,
        tpu.vector_store %arg13[%swap3A_281, %swap3A_282], %mul3A_280 {strides = array<i32>} : memref<80x144xf32, #tpu.memory_space<vmem>>, vector<16xf32>,
        %get3A_284 = arith.index_cast %scan3A_240 : i32 to index
        %get3A_285 = arith.constant 96 : index
        %get3A_286 = tpu.vector_load %arg13[%get3A_284, %get3A_285] {strides = array<i32>} : memref<80x144xf32, #tpu.memory_space<vmem>>, vector<16xf32>,
        %mul3A_287 = arith.mulf %get3A_286, %gather3A : vector<16xf32>
        %swap3A_288 = arith.index_cast %scan3A_240 : i32 to index
        %swap3A_289 = arith.constant 96 : index
        %swap3A_290 = tpu.vector_load %arg13[%swap3A_288, %swap3A_289] {strides = array<i32>} : memref<80x144xf32, #tpu.memory_space<vmem>>, vector<16xf32>,
        tpu.vector_store %arg13[%swap3A_288, %swap3A_289], %mul3A_287 {strides = array<i32>} : memref<80x144xf32, #tpu.memory_space<vmem>>, vector<16xf32>,
        %get3A_291 = arith.index_cast %scan3A_240 : i32 to index
        %get3A_292 = arith.constant 112 : index
        %get3A_293 = tpu.vector_load %arg13[%get3A_291, %get3A_292] {strides = array<i32>} : memref<80x144xf32, #tpu.memory_space<vmem>>, vector<16xf32>,
        %mul3A_294 = arith.mulf %get3A_293, %gather3A : vector<16xf32>
        %swap3A_295 = arith.index_cast %scan3A_240 : i32 to index
        %swap3A_296 = arith.constant 112 : index
        %swap3A_297 = tpu.vector_load %arg13[%swap3A_295, %swap3A_296] {strides = array<i32>} : memref<80x144xf32, #tpu.memory_space<vmem>>, vector<16xf32>,
        tpu.vector_store %arg13[%swap3A_295, %swap3A_296], %mul3A_294 {strides = array<i32>} : memref<80x144xf32, #tpu.memory_space<vmem>>, vector<16xf32>,
        %get3A_298 = arith.index_cast %scan3A_240 : i32 to index
        %get3A_299 = arith.constant 128 : index
        %get3A_300 = tpu.vector_load %arg13[%get3A_298, %get3A_299] {strides = array<i32>} : memref<80x144xf32, #tpu.memory_space<vmem>>, vector<16xf32>,
        %mul3A_301 = arith.mulf %get3A_300, %gather3A : vector<16xf32>
        %swap3A_302 = arith.index_cast %scan3A_240 : i32 to index
        %swap3A_303 = arith.constant 128 : index
        %swap3A_304 = tpu.vector_load %arg13[%swap3A_302, %swap3A_303] {strides = array<i32>} : memref<80x144xf32, #tpu.memory_space<vmem>>, vector<16xf32>,
        tpu.vector_store %arg13[%swap3A_302, %swap3A_303], %mul3A_301 {strides = array<i32>} : memref<80x144xf32, #tpu.memory_space<vmem>>, vector<16xf32>,
        %scan3A_305 = arith.constant 0 : i32
        scf.yield %scan3A_305 : i32
      }
      %scan3A_132 = arith.constant 80 : i32
      %dma_start3A_133 = arith.constant 0 : i32
      %dma_start3A_134 = arith.constant 0 : i32
      %dma_start3A_135 = tpu.memref_slice %arg21[%dma_start3A_133, %dma_start3A_134] : memref<10240x144xf32, #tpu.memory_space<vmem_shared>> -> memref<10240x144xf32, #tpu.memory_space<vmem_shared>>
      tpu.enqueue_indirect_dma source(%arg13 : memref<80x144xf32, #tpu.memory_space<vmem>>) target(%dma_start3A_135 : memref<10240x144xf32, #tpu.memory_space<vmem_shared>>) offsets(%arg9 : memref<80xi32, #tpu.memory_space<vmem>>) semaphore(%arg24 : memref<!tpu.dma_semaphore, #tpu.memory_space<semaphore_mem>>) {add = true}
      %mul3A_136 = arith.constant 2 : i32
      %mul3A_137 = arith.muli %scan3A_39, %mul3A_136 : i32
      %add3A_138 = arith.constant 1 : i32
      %add3A_139 = arith.addi %mul3A_137, %add3A_138 : i32
      %add3A_140 = arith.constant 1 : i32
      %add3A_141 = arith.addi %add3A_139, %add3A_140 : i32
      %lt3A_142 = arith.constant 250 : i32
      %lt3A_143 = arith.cmpi slt, %add3A_141, %lt3A_142 : i32
      %convert_element_type3A_144 = arith.extui %lt3A_143 : i1 to i32
      %cond3A_145 = arith.constant 0 : i32
      %cond3A_146 = arith.cmpi ne, %convert_element_type3A_144, %cond3A_145 : i32
      scf.if %cond3A_146 {
        %ge3A_240 = arith.constant 1 : i32
        %ge3A_241 = arith.cmpi sge, %add3A_139, %ge3A_240 : i32
        %convert_element_type3A_242 = arith.extui %ge3A_241 : i1 to i32
        %cond3A_243 = arith.constant 0 : i32
        %cond3A_244 = arith.cmpi ne, %convert_element_type3A_242, %cond3A_243 : i32
        scf.if %cond3A_244 {
          %dma_wait3A_257 = arith.constant 0 : i32
          %dma_wait3A_258 = arith.constant 0 : i32
          %dma_wait3A_259 = tpu.memref_slice %arg21[%dma_wait3A_257, %dma_wait3A_258] : memref<10240x144xf32, #tpu.memory_space<vmem_shared>> -> memref<10240x144xf32, #tpu.memory_space<vmem_shared>>
          tpu.wait_indirect_dma semaphore(%arg24 : memref<!tpu.dma_semaphore, #tpu.memory_space<semaphore_mem>>) src(%arg13 : memref<80x144xf32, #tpu.memory_space<vmem>>) dst(%dma_wait3A_259 : memref<10240x144xf32, #tpu.memory_space<vmem_shared>>)
        } else {
        }
        %add3A_245 = arith.constant 1 : i32
        %add3A_246 = arith.addi %add3A_139, %add3A_245 : i32
        %mul3A_247 = arith.constant 80 : i32
        %mul3A_248 = arith.muli %add3A_246, %mul3A_247 : i32
        %add3A_249 = arith.addi %mul3A_2, %mul3A_248 : i32
        "tpu.region"() ({
          %run_scoped3A = tpu.sem_alloc : memref<!tpu.dma_semaphore, #tpu.memory_space<semaphore_mem>>
          %dma_start3A_257 = tpu.memref_slice %arg2[%add3A_249] : memref<640000xi32, #tpu.memory_space<hbm>> -> memref<80xi32, #tpu.memory_space<hbm>>
          %dma_start3A_258 = tpu.memref_slice %arg2[%add3A_249] : memref<640000xi32, #tpu.memory_space<hbm>> -> memref<80xi32, #tpu.memory_space<hbm>>
          tpu.enqueue_dma source(%dma_start3A_258 : memref<80xi32, #tpu.memory_space<hbm>>) target(%arg8 : memref<80xi32, #tpu.memory_space<vmem>>) target_semaphore(%run_scoped3A : memref<!tpu.dma_semaphore, #tpu.memory_space<semaphore_mem>>)
          %dma_wait3A_259 = tpu.memref_slice %arg2[%add3A_249] : memref<640000xi32, #tpu.memory_space<hbm>> -> memref<80xi32, #tpu.memory_space<hbm>>
          %dma_wait3A_260 = tpu.memref_slice %arg2[%add3A_249] : memref<640000xi32, #tpu.memory_space<hbm>> -> memref<80xi32, #tpu.memory_space<hbm>>
          tpu.wait_dma2 semaphore(%run_scoped3A : memref<!tpu.dma_semaphore, #tpu.memory_space<semaphore_mem>>) src(%dma_wait3A_260 : memref<80xi32, #tpu.memory_space<hbm>>) dst(%arg8 : memref<80xi32, #tpu.memory_space<vmem>>)
          tpu.yield
        }) : () -> ()
        "tpu.region"() ({
          %run_scoped3A = tpu.sem_alloc : memref<!tpu.dma_semaphore, #tpu.memory_space<semaphore_mem>>
          %dma_start3A_257 = tpu.memref_slice %arg3[%add3A_249] : memref<640000xi32, #tpu.memory_space<hbm>> -> memref<80xi32, #tpu.memory_space<hbm>>
          %dma_start3A_258 = tpu.memref_slice %arg3[%add3A_249] : memref<640000xi32, #tpu.memory_space<hbm>> -> memref<80xi32, #tpu.memory_space<hbm>>
          tpu.enqueue_dma source(%dma_start3A_258 : memref<80xi32, #tpu.memory_space<hbm>>) target(%arg9 : memref<80xi32, #tpu.memory_space<vmem>>) target_semaphore(%run_scoped3A : memref<!tpu.dma_semaphore, #tpu.memory_space<semaphore_mem>>)
          %dma_wait3A_259 = tpu.memref_slice %arg3[%add3A_249] : memref<640000xi32, #tpu.memory_space<hbm>> -> memref<80xi32, #tpu.memory_space<hbm>>
          %dma_wait3A_260 = tpu.memref_slice %arg3[%add3A_249] : memref<640000xi32, #tpu.memory_space<hbm>> -> memref<80xi32, #tpu.memory_space<hbm>>
          tpu.wait_dma2 semaphore(%run_scoped3A : memref<!tpu.dma_semaphore, #tpu.memory_space<semaphore_mem>>) src(%dma_wait3A_260 : memref<80xi32, #tpu.memory_space<hbm>>) dst(%arg9 : memref<80xi32, #tpu.memory_space<vmem>>)
          tpu.yield
        }) : () -> ()
        %dma_start3A_250 = arith.constant 0 : i32
        %dma_start3A_251 = arith.constant 0 : i32
        %dma_start3A_252 = tpu.memref_slice %arg6[%dma_start3A_250, %dma_start3A_251] : memref<10240x144xf32, #tpu.memory_space<hbm>> -> memref<10240x144xf32, #tpu.memory_space<hbm>>
        tpu.enqueue_indirect_dma source(%dma_start3A_252 : memref<10240x144xf32, #tpu.memory_space<hbm>>) target(%arg13 : memref<80x144xf32, #tpu.memory_space<vmem>>) offsets(%arg8 : memref<80xi32, #tpu.memory_space<vmem>>) semaphore(%arg22 : memref<!tpu.dma_semaphore, #tpu.memory_space<semaphore_mem>>)
        %dma_start3A_253 = arith.constant 0 : i32
        %dma_start3A_254 = tpu.memref_slice %arg4[%dma_start3A_253] : memref<10240xf32, #tpu.memory_space<hbm>> -> memref<10240xf32, #tpu.memory_space<hbm>>
        tpu.enqueue_indirect_dma source(%dma_start3A_254 : memref<10240xf32, #tpu.memory_space<hbm>>) target(%arg10 : memref<80xf32, #tpu.memory_space<vmem>>) offsets(%arg8 : memref<80xi32, #tpu.memory_space<vmem>>) semaphore(%arg22 : memref<!tpu.dma_semaphore, #tpu.memory_space<semaphore_mem>>)
        %dma_start3A_255 = arith.constant 0 : i32
        %dma_start3A_256 = tpu.memref_slice %arg5[%dma_start3A_255] : memref<10240xf32, #tpu.memory_space<hbm>> -> memref<10240xf32, #tpu.memory_space<hbm>>
        tpu.enqueue_indirect_dma source(%dma_start3A_256 : memref<10240xf32, #tpu.memory_space<hbm>>) target(%arg11 : memref<80xf32, #tpu.memory_space<vmem>>) offsets(%arg9 : memref<80xi32, #tpu.memory_space<vmem>>) semaphore(%arg22 : memref<!tpu.dma_semaphore, #tpu.memory_space<semaphore_mem>>)
      } else {
      }
      %dma_wait3A_147 = arith.constant 0 : i32
      %dma_wait3A_148 = arith.constant 0 : i32
      %dma_wait3A_149 = tpu.memref_slice %arg6[%dma_wait3A_147, %dma_wait3A_148] : memref<10240x144xf32, #tpu.memory_space<hbm>> -> memref<10240x144xf32, #tpu.memory_space<hbm>>
      tpu.wait_indirect_dma semaphore(%arg23 : memref<!tpu.dma_semaphore, #tpu.memory_space<semaphore_mem>>) src(%dma_wait3A_149 : memref<10240x144xf32, #tpu.memory_space<hbm>>) dst(%arg19 : memref<80x144xf32, #tpu.memory_space<vmem>>)
      %dma_wait3A_150 = arith.constant 0 : i32
      %dma_wait3A_151 = tpu.memref_slice %arg4[%dma_wait3A_150] : memref<10240xf32, #tpu.memory_space<hbm>> -> memref<10240xf32, #tpu.memory_space<hbm>>
      tpu.wait_indirect_dma semaphore(%arg23 : memref<!tpu.dma_semaphore, #tpu.memory_space<semaphore_mem>>) src(%dma_wait3A_151 : memref<10240xf32, #tpu.memory_space<hbm>>) dst(%arg16 : memref<80xf32, #tpu.memory_space<vmem>>)
      %dma_wait3A_152 = arith.constant 0 : i32
      %dma_wait3A_153 = tpu.memref_slice %arg5[%dma_wait3A_152] : memref<10240xf32, #tpu.memory_space<hbm>> -> memref<10240xf32, #tpu.memory_space<hbm>>
      tpu.wait_indirect_dma semaphore(%arg23 : memref<!tpu.dma_semaphore, #tpu.memory_space<semaphore_mem>>) src(%dma_wait3A_153 : memref<10240xf32, #tpu.memory_space<hbm>>) dst(%arg17 : memref<80xf32, #tpu.memory_space<vmem>>)
      %get3A_154 = arith.constant 0 : index
      %get3A_155 = tpu.vector_load %arg16[%get3A_154] {strides = array<i32>} : memref<80xf32, #tpu.memory_space<vmem>>, vector<16xf32>,
      %get3A_156 = arith.constant 0 : index
      %get3A_157 = tpu.vector_load %arg17[%get3A_156] {strides = array<i32>} : memref<80xf32, #tpu.memory_space<vmem>>, vector<16xf32>,
      %add3A_158 = arith.addf %get3A_155, %get3A_157 : vector<16xf32>
      %ge3A_159 = arith.constant 0.000000e+00 : f32
      %ge3A_160 = vector.broadcast %ge3A_159 : f32 to vector<16xf32>
      %ge3A_161 = arith.cmpf oge, %add3A_158, %ge3A_160 : vector<16xf32>
      %mul3A_162 = arith.constant 2.000000e-01 : f32
      %mul3A_163 = vector.broadcast %mul3A_162 : f32 to vector<16xf32>
      %mul3A_164 = arith.mulf %mul3A_163, %add3A_158 : vector<16xf32>
      %select_n3A_165 = arith.select %ge3A_161, %add3A_158, %mul3A_164 : vector<16xi1>, vector<16xf32>
      %exp3A_166 = math.exp %select_n3A_165 : vector<16xf32>
      %swap3A_167 = arith.constant 0 : index
      %swap3A_168 = tpu.vector_load %arg18[%swap3A_167] {strides = array<i32>} : memref<80xf32, #tpu.memory_space<vmem>>, vector<16xf32>,
      tpu.vector_store %arg18[%swap3A_167], %exp3A_166 {strides = array<i32>} : memref<80xf32, #tpu.memory_space<vmem>>, vector<16xf32>,
      %get3A_169 = arith.constant 16 : index
      %get3A_170 = tpu.vector_load %arg16[%get3A_169] {strides = array<i32>} : memref<80xf32, #tpu.memory_space<vmem>>, vector<16xf32>,
      %get3A_171 = arith.constant 16 : index
      %get3A_172 = tpu.vector_load %arg17[%get3A_171] {strides = array<i32>} : memref<80xf32, #tpu.memory_space<vmem>>, vector<16xf32>,
      %add3A_173 = arith.addf %get3A_170, %get3A_172 : vector<16xf32>
      %ge3A_174 = arith.constant 0.000000e+00 : f32
      %ge3A_175 = vector.broadcast %ge3A_174 : f32 to vector<16xf32>
      %ge3A_176 = arith.cmpf oge, %add3A_173, %ge3A_175 : vector<16xf32>
      %mul3A_177 = arith.constant 2.000000e-01 : f32
      %mul3A_178 = vector.broadcast %mul3A_177 : f32 to vector<16xf32>
      %mul3A_179 = arith.mulf %mul3A_178, %add3A_173 : vector<16xf32>
      %select_n3A_180 = arith.select %ge3A_176, %add3A_173, %mul3A_179 : vector<16xi1>, vector<16xf32>
      %exp3A_181 = math.exp %select_n3A_180 : vector<16xf32>
      %swap3A_182 = arith.constant 16 : index
      %swap3A_183 = tpu.vector_load %arg18[%swap3A_182] {strides = array<i32>} : memref<80xf32, #tpu.memory_space<vmem>>, vector<16xf32>,
      tpu.vector_store %arg18[%swap3A_182], %exp3A_181 {strides = array<i32>} : memref<80xf32, #tpu.memory_space<vmem>>, vector<16xf32>,
      %get3A_184 = arith.constant 32 : index
      %get3A_185 = tpu.vector_load %arg16[%get3A_184] {strides = array<i32>} : memref<80xf32, #tpu.memory_space<vmem>>, vector<16xf32>,
      %get3A_186 = arith.constant 32 : index
      %get3A_187 = tpu.vector_load %arg17[%get3A_186] {strides = array<i32>} : memref<80xf32, #tpu.memory_space<vmem>>, vector<16xf32>,
      %add3A_188 = arith.addf %get3A_185, %get3A_187 : vector<16xf32>
      %ge3A_189 = arith.constant 0.000000e+00 : f32
      %ge3A_190 = vector.broadcast %ge3A_189 : f32 to vector<16xf32>
      %ge3A_191 = arith.cmpf oge, %add3A_188, %ge3A_190 : vector<16xf32>
      %mul3A_192 = arith.constant 2.000000e-01 : f32
      %mul3A_193 = vector.broadcast %mul3A_192 : f32 to vector<16xf32>
      %mul3A_194 = arith.mulf %mul3A_193, %add3A_188 : vector<16xf32>
      %select_n3A_195 = arith.select %ge3A_191, %add3A_188, %mul3A_194 : vector<16xi1>, vector<16xf32>
      %exp3A_196 = math.exp %select_n3A_195 : vector<16xf32>
      %swap3A_197 = arith.constant 32 : index
      %swap3A_198 = tpu.vector_load %arg18[%swap3A_197] {strides = array<i32>} : memref<80xf32, #tpu.memory_space<vmem>>, vector<16xf32>,
      tpu.vector_store %arg18[%swap3A_197], %exp3A_196 {strides = array<i32>} : memref<80xf32, #tpu.memory_space<vmem>>, vector<16xf32>,
      %get3A_199 = arith.constant 48 : index
      %get3A_200 = tpu.vector_load %arg16[%get3A_199] {strides = array<i32>} : memref<80xf32, #tpu.memory_space<vmem>>, vector<16xf32>,
      %get3A_201 = arith.constant 48 : index
      %get3A_202 = tpu.vector_load %arg17[%get3A_201] {strides = array<i32>} : memref<80xf32, #tpu.memory_space<vmem>>, vector<16xf32>,
      %add3A_203 = arith.addf %get3A_200, %get3A_202 : vector<16xf32>
      %ge3A_204 = arith.constant 0.000000e+00 : f32
      %ge3A_205 = vector.broadcast %ge3A_204 : f32 to vector<16xf32>
      %ge3A_206 = arith.cmpf oge, %add3A_203, %ge3A_205 : vector<16xf32>
      %mul3A_207 = arith.constant 2.000000e-01 : f32
      %mul3A_208 = vector.broadcast %mul3A_207 : f32 to vector<16xf32>
      %mul3A_209 = arith.mulf %mul3A_208, %add3A_203 : vector<16xf32>
      %select_n3A_210 = arith.select %ge3A_206, %add3A_203, %mul3A_209 : vector<16xi1>, vector<16xf32>
      %exp3A_211 = math.exp %select_n3A_210 : vector<16xf32>
      %swap3A_212 = arith.constant 48 : index
      %swap3A_213 = tpu.vector_load %arg18[%swap3A_212] {strides = array<i32>} : memref<80xf32, #tpu.memory_space<vmem>>, vector<16xf32>,
      tpu.vector_store %arg18[%swap3A_212], %exp3A_211 {strides = array<i32>} : memref<80xf32, #tpu.memory_space<vmem>>, vector<16xf32>,
      %get3A_214 = arith.constant 64 : index
      %get3A_215 = tpu.vector_load %arg16[%get3A_214] {strides = array<i32>} : memref<80xf32, #tpu.memory_space<vmem>>, vector<16xf32>,
      %get3A_216 = arith.constant 64 : index
      %get3A_217 = tpu.vector_load %arg17[%get3A_216] {strides = array<i32>} : memref<80xf32, #tpu.memory_space<vmem>>, vector<16xf32>,
      %add3A_218 = arith.addf %get3A_215, %get3A_217 : vector<16xf32>
      %ge3A_219 = arith.constant 0.000000e+00 : f32
      %ge3A_220 = vector.broadcast %ge3A_219 : f32 to vector<16xf32>
      %ge3A_221 = arith.cmpf oge, %add3A_218, %ge3A_220 : vector<16xf32>
      %mul3A_222 = arith.constant 2.000000e-01 : f32
      %mul3A_223 = vector.broadcast %mul3A_222 : f32 to vector<16xf32>
      %mul3A_224 = arith.mulf %mul3A_223, %add3A_218 : vector<16xf32>
      %select_n3A_225 = arith.select %ge3A_221, %add3A_218, %mul3A_224 : vector<16xi1>, vector<16xf32>
      %exp3A_226 = math.exp %select_n3A_225 : vector<16xf32>
      %swap3A_227 = arith.constant 64 : index
      %swap3A_228 = tpu.vector_load %arg18[%swap3A_227] {strides = array<i32>} : memref<80xf32, #tpu.memory_space<vmem>>, vector<16xf32>,
      tpu.vector_store %arg18[%swap3A_227], %exp3A_226 {strides = array<i32>} : memref<80xf32, #tpu.memory_space<vmem>>, vector<16xf32>,
      %scan3A_229 = arith.constant 0 : i32
      %scan3A_230 = arith.constant 0 : i32
      %scan3A_231 = arith.constant 80 : i32
      %scan3A_232 = arith.addi %scan3A_230, %scan3A_231 : i32
      %scan3A_233 = arith.constant 1 : i32
      %scan3A_234 = scf.for %scan3A_240 = %scan3A_230 to %scan3A_232 step %scan3A_233 iter_args(%scan3A_241 = %scan3A_229) -> (i32)  : i32 {
        %broadcast_in_dim3A = vector.broadcast %scan3A_240 : i32 to vector<16xi32>
        %gather3A = tpu.vector_load_idx %arg18[%broadcast_in_dim3A] : memref<80xf32, #tpu.memory_space<vmem>>[vector<16xi32>], vector<16xf32>,
        %get3A_242 = arith.index_cast %scan3A_240 : i32 to index
        %get3A_243 = arith.constant 0 : index
        %get3A_244 = tpu.vector_load %arg19[%get3A_242, %get3A_243] {strides = array<i32>} : memref<80x144xf32, #tpu.memory_space<vmem>>, vector<16xf32>,
        %mul3A_245 = arith.mulf %get3A_244, %gather3A : vector<16xf32>
        %swap3A_246 = arith.index_cast %scan3A_240 : i32 to index
        %swap3A_247 = arith.constant 0 : index
        %swap3A_248 = tpu.vector_load %arg19[%swap3A_246, %swap3A_247] {strides = array<i32>} : memref<80x144xf32, #tpu.memory_space<vmem>>, vector<16xf32>,
        tpu.vector_store %arg19[%swap3A_246, %swap3A_247], %mul3A_245 {strides = array<i32>} : memref<80x144xf32, #tpu.memory_space<vmem>>, vector<16xf32>,
        %get3A_249 = arith.index_cast %scan3A_240 : i32 to index
        %get3A_250 = arith.constant 16 : index
        %get3A_251 = tpu.vector_load %arg19[%get3A_249, %get3A_250] {strides = array<i32>} : memref<80x144xf32, #tpu.memory_space<vmem>>, vector<16xf32>,
        %mul3A_252 = arith.mulf %get3A_251, %gather3A : vector<16xf32>
        %swap3A_253 = arith.index_cast %scan3A_240 : i32 to index
        %swap3A_254 = arith.constant 16 : index
        %swap3A_255 = tpu.vector_load %arg19[%swap3A_253, %swap3A_254] {strides = array<i32>} : memref<80x144xf32, #tpu.memory_space<vmem>>, vector<16xf32>,
        tpu.vector_store %arg19[%swap3A_253, %swap3A_254], %mul3A_252 {strides = array<i32>} : memref<80x144xf32, #tpu.memory_space<vmem>>, vector<16xf32>,
        %get3A_256 = arith.index_cast %scan3A_240 : i32 to index
        %get3A_257 = arith.constant 32 : index
        %get3A_258 = tpu.vector_load %arg19[%get3A_256, %get3A_257] {strides = array<i32>} : memref<80x144xf32, #tpu.memory_space<vmem>>, vector<16xf32>,
        %mul3A_259 = arith.mulf %get3A_258, %gather3A : vector<16xf32>
        %swap3A_260 = arith.index_cast %scan3A_240 : i32 to index
        %swap3A_261 = arith.constant 32 : index
        %swap3A_262 = tpu.vector_load %arg19[%swap3A_260, %swap3A_261] {strides = array<i32>} : memref<80x144xf32, #tpu.memory_space<vmem>>, vector<16xf32>,
        tpu.vector_store %arg19[%swap3A_260, %swap3A_261], %mul3A_259 {strides = array<i32>} : memref<80x144xf32, #tpu.memory_space<vmem>>, vector<16xf32>,
        %get3A_263 = arith.index_cast %scan3A_240 : i32 to index
        %get3A_264 = arith.constant 48 : index
        %get3A_265 = tpu.vector_load %arg19[%get3A_263, %get3A_264] {strides = array<i32>} : memref<80x144xf32, #tpu.memory_space<vmem>>, vector<16xf32>,
        %mul3A_266 = arith.mulf %get3A_265, %gather3A : vector<16xf32>
        %swap3A_267 = arith.index_cast %scan3A_240 : i32 to index
        %swap3A_268 = arith.constant 48 : index
        %swap3A_269 = tpu.vector_load %arg19[%swap3A_267, %swap3A_268] {strides = array<i32>} : memref<80x144xf32, #tpu.memory_space<vmem>>, vector<16xf32>,
        tpu.vector_store %arg19[%swap3A_267, %swap3A_268], %mul3A_266 {strides = array<i32>} : memref<80x144xf32, #tpu.memory_space<vmem>>, vector<16xf32>,
        %get3A_270 = arith.index_cast %scan3A_240 : i32 to index
        %get3A_271 = arith.constant 64 : index
        %get3A_272 = tpu.vector_load %arg19[%get3A_270, %get3A_271] {strides = array<i32>} : memref<80x144xf32, #tpu.memory_space<vmem>>, vector<16xf32>,
        %mul3A_273 = arith.mulf %get3A_272, %gather3A : vector<16xf32>
        %swap3A_274 = arith.index_cast %scan3A_240 : i32 to index
        %swap3A_275 = arith.constant 64 : index
        %swap3A_276 = tpu.vector_load %arg19[%swap3A_274, %swap3A_275] {strides = array<i32>} : memref<80x144xf32, #tpu.memory_space<vmem>>, vector<16xf32>,
        tpu.vector_store %arg19[%swap3A_274, %swap3A_275], %mul3A_273 {strides = array<i32>} : memref<80x144xf32, #tpu.memory_space<vmem>>, vector<16xf32>,
        %get3A_277 = arith.index_cast %scan3A_240 : i32 to index
        %get3A_278 = arith.constant 80 : index
        %get3A_279 = tpu.vector_load %arg19[%get3A_277, %get3A_278] {strides = array<i32>} : memref<80x144xf32, #tpu.memory_space<vmem>>, vector<16xf32>,
        %mul3A_280 = arith.mulf %get3A_279, %gather3A : vector<16xf32>
        %swap3A_281 = arith.index_cast %scan3A_240 : i32 to index
        %swap3A_282 = arith.constant 80 : index
        %swap3A_283 = tpu.vector_load %arg19[%swap3A_281, %swap3A_282] {strides = array<i32>} : memref<80x144xf32, #tpu.memory_space<vmem>>, vector<16xf32>,
        tpu.vector_store %arg19[%swap3A_281, %swap3A_282], %mul3A_280 {strides = array<i32>} : memref<80x144xf32, #tpu.memory_space<vmem>>, vector<16xf32>,
        %get3A_284 = arith.index_cast %scan3A_240 : i32 to index
        %get3A_285 = arith.constant 96 : index
        %get3A_286 = tpu.vector_load %arg19[%get3A_284, %get3A_285] {strides = array<i32>} : memref<80x144xf32, #tpu.memory_space<vmem>>, vector<16xf32>,
        %mul3A_287 = arith.mulf %get3A_286, %gather3A : vector<16xf32>
        %swap3A_288 = arith.index_cast %scan3A_240 : i32 to index
        %swap3A_289 = arith.constant 96 : index
        %swap3A_290 = tpu.vector_load %arg19[%swap3A_288, %swap3A_289] {strides = array<i32>} : memref<80x144xf32, #tpu.memory_space<vmem>>, vector<16xf32>,
        tpu.vector_store %arg19[%swap3A_288, %swap3A_289], %mul3A_287 {strides = array<i32>} : memref<80x144xf32, #tpu.memory_space<vmem>>, vector<16xf32>,
        %get3A_291 = arith.index_cast %scan3A_240 : i32 to index
        %get3A_292 = arith.constant 112 : index
        %get3A_293 = tpu.vector_load %arg19[%get3A_291, %get3A_292] {strides = array<i32>} : memref<80x144xf32, #tpu.memory_space<vmem>>, vector<16xf32>,
        %mul3A_294 = arith.mulf %get3A_293, %gather3A : vector<16xf32>
        %swap3A_295 = arith.index_cast %scan3A_240 : i32 to index
        %swap3A_296 = arith.constant 112 : index
        %swap3A_297 = tpu.vector_load %arg19[%swap3A_295, %swap3A_296] {strides = array<i32>} : memref<80x144xf32, #tpu.memory_space<vmem>>, vector<16xf32>,
        tpu.vector_store %arg19[%swap3A_295, %swap3A_296], %mul3A_294 {strides = array<i32>} : memref<80x144xf32, #tpu.memory_space<vmem>>, vector<16xf32>,
        %get3A_298 = arith.index_cast %scan3A_240 : i32 to index
        %get3A_299 = arith.constant 128 : index
        %get3A_300 = tpu.vector_load %arg19[%get3A_298, %get3A_299] {strides = array<i32>} : memref<80x144xf32, #tpu.memory_space<vmem>>, vector<16xf32>,
        %mul3A_301 = arith.mulf %get3A_300, %gather3A : vector<16xf32>
        %swap3A_302 = arith.index_cast %scan3A_240 : i32 to index
        %swap3A_303 = arith.constant 128 : index
        %swap3A_304 = tpu.vector_load %arg19[%swap3A_302, %swap3A_303] {strides = array<i32>} : memref<80x144xf32, #tpu.memory_space<vmem>>, vector<16xf32>,
        tpu.vector_store %arg19[%swap3A_302, %swap3A_303], %mul3A_301 {strides = array<i32>} : memref<80x144xf32, #tpu.memory_space<vmem>>, vector<16xf32>,
        %scan3A_305 = arith.constant 0 : i32
        scf.yield %scan3A_305 : i32
      }
      %scan3A_235 = arith.constant 80 : i32
      %dma_start3A_236 = arith.constant 0 : i32
      %dma_start3A_237 = arith.constant 0 : i32
      %dma_start3A_238 = tpu.memref_slice %arg21[%dma_start3A_236, %dma_start3A_237] : memref<10240x144xf32, #tpu.memory_space<vmem_shared>> -> memref<10240x144xf32, #tpu.memory_space<vmem_shared>>
      tpu.enqueue_indirect_dma source(%arg19 : memref<80x144xf32, #tpu.memory_space<vmem>>) target(%dma_start3A_238 : memref<10240x144xf32, #tpu.memory_space<vmem_shared>>) offsets(%arg15 : memref<80xi32, #tpu.memory_space<vmem>>) semaphore(%arg25 : memref<!tpu.dma_semaphore, #tpu.memory_space<semaphore_mem>>) {add = true}
      %scan3A_239 = arith.constant 0 : i32
      scf.yield %scan3A_239 : i32
    }
    %scan3A_30 = arith.constant 125 : i32
    %dma_wait3A = arith.constant 0 : i32
    %dma_wait3A_31 = arith.constant 0 : i32
    %dma_wait3A_32 = tpu.memref_slice %arg21[%dma_wait3A, %dma_wait3A_31] : memref<10240x144xf32, #tpu.memory_space<vmem_shared>> -> memref<10240x144xf32, #tpu.memory_space<vmem_shared>>
    tpu.wait_indirect_dma semaphore(%arg24 : memref<!tpu.dma_semaphore, #tpu.memory_space<semaphore_mem>>) src(%arg13 : memref<80x144xf32, #tpu.memory_space<vmem>>) dst(%dma_wait3A_32 : memref<10240x144xf32, #tpu.memory_space<vmem_shared>>)
    %dma_wait3A_33 = arith.constant 0 : i32
    %dma_wait3A_34 = arith.constant 0 : i32
    %dma_wait3A_35 = tpu.memref_slice %arg21[%dma_wait3A_33, %dma_wait3A_34] : memref<10240x144xf32, #tpu.memory_space<vmem_shared>> -> memref<10240x144xf32, #tpu.memory_space<vmem_shared>>
    tpu.wait_indirect_dma semaphore(%arg25 : memref<!tpu.dma_semaphore, #tpu.memory_space<semaphore_mem>>) src(%arg19 : memref<80x144xf32, #tpu.memory_space<vmem>>) dst(%dma_wait3A_35 : memref<10240x144xf32, #tpu.memory_space<vmem_shared>>)
    %barrier3A_36 = arith.constant 0 : index
    tpu.barrier barrier_id(%barrier3A_36)
    %mul3A_37 = arith.constant 640 : i32
    %mul3A_38 = arith.muli %arg1, %mul3A_37 : i32
    "tpu.region"() ({
      %run_scoped3A = tpu.sem_alloc : memref<!tpu.dma_semaphore, #tpu.memory_space<semaphore_mem>>
      %dma_start3A_39 = arith.constant 0 : i32
      %dma_start3A_40 = tpu.memref_slice %arg7[%arg0, %mul3A_38, %dma_start3A_39] : memref<2x10240x144xf32, #tpu.memory_space<hbm>> -> memref<1x640x144xf32, #tpu.memory_space<hbm>>
      %dma_start3A_41 = tpu.memref_squeeze %dma_start3A_40 : memref<1x640x144xf32, #tpu.memory_space<hbm>> -> memref<640x144xf32, #tpu.memory_space<hbm>>
      %dma_start3A_42 = arith.constant 0 : i32
      %dma_start3A_43 = tpu.memref_slice %arg21[%mul3A_38, %dma_start3A_42] : memref<10240x144xf32, #tpu.memory_space<vmem_shared>> -> memref<640x144xf32, #tpu.memory_space<vmem_shared>>
      tpu.enqueue_dma source(%dma_start3A_43 : memref<640x144xf32, #tpu.memory_space<vmem_shared>>) target(%dma_start3A_41 : memref<640x144xf32, #tpu.memory_space<hbm>>) target_semaphore(%run_scoped3A : memref<!tpu.dma_semaphore, #tpu.memory_space<semaphore_mem>>)
      %dma_wait3A_44 = arith.constant 0 : i32
      %dma_wait3A_45 = tpu.memref_slice %arg7[%arg0, %mul3A_38, %dma_wait3A_44] : memref<2x10240x144xf32, #tpu.memory_space<hbm>> -> memref<1x640x144xf32, #tpu.memory_space<hbm>>
      %dma_wait3A_46 = tpu.memref_squeeze %dma_wait3A_45 : memref<1x640x144xf32, #tpu.memory_space<hbm>> -> memref<640x144xf32, #tpu.memory_space<hbm>>
      %dma_wait3A_47 = arith.constant 0 : i32
      %dma_wait3A_48 = tpu.memref_slice %arg21[%mul3A_38, %dma_wait3A_47] : memref<10240x144xf32, #tpu.memory_space<vmem_shared>> -> memref<640x144xf32, #tpu.memory_space<vmem_shared>>
      tpu.wait_dma2 semaphore(%run_scoped3A : memref<!tpu.dma_semaphore, #tpu.memory_space<semaphore_mem>>) src(%dma_wait3A_48 : memref<640x144xf32, #tpu.memory_space<vmem_shared>>) dst(%dma_wait3A_46 : memref<640x144xf32, #tpu.memory_space<hbm>>)
      tpu.yield
    }) : () -> ()
    return
  }
}

#map = affine_map<(d0, d1) -> (0)>
#map1 = affine_map<(d0, d1) -> (0, 0)>
#map2 = affine_map<(d0, d1) -> (0, 0, 0)>
module attributes {stable_mosaic.version = 14 : i64} {
  func.func @_sc_edge_kernel(%arg0: i32, %arg1: i32, %arg2: memref<640000xi32, #tpu.memory_space<hbm>>, %arg3: memref<640000xi32, #tpu.memory_space<hbm>>, %arg4: memref<10240xf32, #tpu.memory_space<hbm>>, %arg5: memref<10240xf32, #tpu.memory_space<hbm>>, %arg6: memref<10240x144xf32, #tpu.memory_space<hbm>>, %arg7: memref<2x10240x144xf32, #tpu.memory_space<hbm>>, %arg8: memref<80xi32, #tpu.memory_space<vmem>>, %arg9: memref<80xi32, #tpu.memory_space<vmem>>, %arg10: memref<80xf32, #tpu.memory_space<vmem>>, %arg11: memref<80xf32, #tpu.memory_space<vmem>>, %arg12: memref<80xf32, #tpu.memory_space<vmem>>, %arg13: memref<80x144xf32, #tpu.memory_space<vmem>>, %arg14: memref<80xi32, #tpu.memory_space<vmem>>, %arg15: memref<80xi32, #tpu.memory_space<vmem>>, %arg16: memref<80xf32, #tpu.memory_space<vmem>>, %arg17: memref<80xf32, #tpu.memory_space<vmem>>, %arg18: memref<80xf32, #tpu.memory_space<vmem>>, %arg19: memref<80x144xf32, #tpu.memory_space<vmem>>, %arg20: memref<16x144xf32, #tpu.memory_space<vmem>>, %arg21: memref<10240x144xf32, #tpu.memory_space<vmem_shared>>, %arg22: memref<!tpu.dma_semaphore, #tpu.memory_space<semaphore_mem>>, %arg23: memref<!tpu.dma_semaphore, #tpu.memory_space<semaphore_mem>>, %arg24: memref<!tpu.dma_semaphore, #tpu.memory_space<semaphore_mem>>, %arg25: memref<!tpu.dma_semaphore, #tpu.memory_space<semaphore_mem>>) attributes {dimension_semantics = [#tpu.dimension_semantics<core_parallel>, #tpu.dimension_semantics<subcore_parallel>], iteration_bounds = array<i64: 2, 16>, scalar_prefetch = 0 : i64, scratch_operands = 18 : i64, tpu.core_type = #tpu.core_type<sc_vector_subcore>, window_params = [{transform_indices = #map}, {transform_indices = #map}, {transform_indices = #map}, {transform_indices = #map}, {transform_indices = #map1}, {transform_indices = #map2}]} {
    %mul3A = arith.constant 2 : i32
    %mul3A_0 = arith.muli %arg1, %mul3A : i32
    %add3A = arith.addi %mul3A_0, %arg0 : i32
    %mul3A_1 = arith.constant 20000 : i32
    %mul3A_2 = arith.muli %add3A, %mul3A_1 : i32
    %scan3A = arith.constant 0 : i32
    %scan3A_3 = arith.constant 0 : i32
    %scan3A_4 = arith.constant 144 : i32
    %scan3A_5 = arith.addi %scan3A_3, %scan3A_4 : i32
    %scan3A_6 = arith.constant 1 : i32
    %scan3A_7 = scf.for %scan3A_39 = %scan3A_3 to %scan3A_5 step %scan3A_6 iter_args(%scan3A_40 = %scan3A) -> (i32)  : i32 {
      %jit3A = arith.constant 9 : i32
      %div3A = arith.divsi %scan3A_39, %jit3A : i32
      %sign3A = arith.constant 0 : i32
      %sign3A_41 = arith.cmpi sgt, %scan3A_39, %sign3A : i32
      %sign3A_42 = arith.extui %sign3A_41 : i1 to i32
      %sign3A_43 = arith.constant 0 : i32
      %sign3A_44 = arith.cmpi slt, %scan3A_39, %sign3A_43 : i32
      %sign3A_45 = arith.extui %sign3A_44 : i1 to i32
      %sign3A_46 = arith.subi %sign3A_42, %sign3A_45 : i32
      %sign3A_47 = arith.constant 0 : i32
      %sign3A_48 = arith.cmpi sgt, %jit3A, %sign3A_47 : i32
      %sign3A_49 = arith.extui %sign3A_48 : i1 to i32
      %sign3A_50 = arith.constant 0 : i32
      %sign3A_51 = arith.cmpi slt, %jit3A, %sign3A_50 : i32
      %sign3A_52 = arith.extui %sign3A_51 : i1 to i32
      %sign3A_53 = arith.subi %sign3A_49, %sign3A_52 : i32
      %ne3A = arith.cmpi ne, %sign3A_46, %sign3A_53 : i32
      %rem3A = arith.remsi %scan3A_39, %jit3A : i32
      %ne3A_54 = arith.constant 0 : i32
      %ne3A_55 = arith.cmpi ne, %rem3A, %ne3A_54 : i32
      %and3A = arith.andi %ne3A, %ne3A_55 : i1
      %sub3A = arith.constant 1 : i32
      %sub3A_56 = arith.subi %div3A, %sub3A : i32
      %select_n3A = arith.select %and3A, %sub3A_56, %div3A : i32
      %jit3A_57 = arith.constant 9 : i32
      %eq3A = arith.constant 0 : i32
      %eq3A_58 = arith.cmpi eq, %jit3A_57, %eq3A : i32
      %jit3A_59 = arith.constant 1 : i32
      %select_n3A_60 = arith.select %eq3A_58, %jit3A_59, %jit3A_57 : i32
      %rem3A_61 = arith.remsi %scan3A_39, %select_n3A_60 : i32
      %ne3A_62 = arith.constant 0 : i32
      %ne3A_63 = arith.cmpi ne, %rem3A_61, %ne3A_62 : i32
      %lt3A = arith.constant 0 : i32
      %lt3A_64 = arith.cmpi slt, %rem3A_61, %lt3A : i32
      %lt3A_65 = arith.constant 0 : i32
      %lt3A_66 = arith.cmpi slt, %select_n3A_60, %lt3A_65 : i32
      %ne3A_67 = arith.xori %lt3A_64, %lt3A_66 : i1
      %and3A_68 = arith.andi %ne3A_67, %ne3A_63 : i1
      %add3A_69 = arith.addi %rem3A_61, %select_n3A_60 : i32
      %select_n3A_70 = arith.select %and3A_68, %add3A_69, %rem3A_61 : i32
      %mul3A_71 = arith.constant 16 : i32
      %mul3A_72 = arith.muli %select_n3A_70, %mul3A_71 : i32
      %broadcast_in_dim3A = arith.constant 0.000000e+00 : f32
      %broadcast_in_dim3A_73 = vector.broadcast %broadcast_in_dim3A : f32 to vector<16xf32>
      %swap3A = arith.index_cast %select_n3A : i32 to index
      %swap3A_74 = arith.index_cast %mul3A_72 : i32 to index
      %swap3A_75 = tpu.vector_load %arg20[%swap3A, %swap3A_74] {strides = array<i32>} : memref<16x144xf32, #tpu.memory_space<vmem>>, vector<16xf32>,
      tpu.vector_store %arg20[%swap3A, %swap3A_74], %broadcast_in_dim3A_73 {strides = array<i32>} : memref<16x144xf32, #tpu.memory_space<vmem>>, vector<16xf32>,
      %scan3A_76 = arith.constant 0 : i32
      scf.yield %scan3A_76 : i32
    }
    %scan3A_8 = arith.constant 144 : i32
    %scan3A_9 = arith.constant 0 : i32
    %scan3A_10 = arith.constant 0 : i32
    %scan3A_11 = arith.constant 40 : i32
    %scan3A_12 = arith.addi %scan3A_10, %scan3A_11 : i32
    %scan3A_13 = arith.constant 1 : i32
    %scan3A_14 = scf.for %scan3A_39 = %scan3A_10 to %scan3A_12 step %scan3A_13 iter_args(%scan3A_40 = %scan3A_9) -> (i32)  : i32 {
      %mul3A_41 = arith.constant 640 : i32
      %mul3A_42 = arith.muli %arg1, %mul3A_41 : i32
      %mul3A_43 = arith.constant 16 : i32
      %mul3A_44 = arith.muli %scan3A_39, %mul3A_43 : i32
      %add3A_45 = arith.addi %mul3A_42, %mul3A_44 : i32
      "tpu.region"() ({
        %run_scoped3A = tpu.sem_alloc : memref<!tpu.dma_semaphore, #tpu.memory_space<semaphore_mem>>
        %dma_start3A_47 = arith.constant 0 : i32
        %dma_start3A_48 = tpu.memref_slice %arg21[%add3A_45, %dma_start3A_47] : memref<10240x144xf32, #tpu.memory_space<vmem_shared>> -> memref<16x144xf32, #tpu.memory_space<vmem_shared>>
        %dma_start3A_49 = arith.constant 0 : i32
        %dma_start3A_50 = tpu.memref_slice %arg21[%add3A_45, %dma_start3A_49] : memref<10240x144xf32, #tpu.memory_space<vmem_shared>> -> memref<16x144xf32, #tpu.memory_space<vmem_shared>>
        tpu.enqueue_dma source(%arg20 : memref<16x144xf32, #tpu.memory_space<vmem>>) target(%dma_start3A_50 : memref<16x144xf32, #tpu.memory_space<vmem_shared>>) target_semaphore(%run_scoped3A : memref<!tpu.dma_semaphore, #tpu.memory_space<semaphore_mem>>)
        %dma_wait3A_51 = arith.constant 0 : i32
        %dma_wait3A_52 = tpu.memref_slice %arg21[%add3A_45, %dma_wait3A_51] : memref<10240x144xf32, #tpu.memory_space<vmem_shared>> -> memref<16x144xf32, #tpu.memory_space<vmem_shared>>
        %dma_wait3A_53 = arith.constant 0 : i32
        %dma_wait3A_54 = tpu.memref_slice %arg21[%add3A_45, %dma_wait3A_53] : memref<10240x144xf32, #tpu.memory_space<vmem_shared>> -> memref<16x144xf32, #tpu.memory_space<vmem_shared>>
        tpu.wait_dma2 semaphore(%run_scoped3A : memref<!tpu.dma_semaphore, #tpu.memory_space<semaphore_mem>>) src(%arg20 : memref<16x144xf32, #tpu.memory_space<vmem>>) dst(%dma_wait3A_54 : memref<16x144xf32, #tpu.memory_space<vmem_shared>>)
        tpu.yield
      }) : () -> ()
      %scan3A_46 = arith.constant 0 : i32
      scf.yield %scan3A_46 : i32
    }
    %scan3A_15 = arith.constant 40 : i32
    %barrier3A = arith.constant 0 : index
    tpu.barrier barrier_id(%barrier3A)
    %add3A_16 = arith.constant 0 : i32
    %add3A_17 = arith.addi %mul3A_2, %add3A_16 : i32
    "tpu.region"() ({
      %run_scoped3A = tpu.sem_alloc : memref<!tpu.dma_semaphore, #tpu.memory_space<semaphore_mem>>
      %dma_start3A_39 = tpu.memref_slice %arg2[%add3A_17] : memref<640000xi32, #tpu.memory_space<hbm>> -> memref<80xi32, #tpu.memory_space<hbm>>
      %dma_start3A_40 = tpu.memref_slice %arg2[%add3A_17] : memref<640000xi32, #tpu.memory_space<hbm>> -> memref<80xi32, #tpu.memory_space<hbm>>
      tpu.enqueue_dma source(%dma_start3A_40 : memref<80xi32, #tpu.memory_space<hbm>>) target(%arg8 : memref<80xi32, #tpu.memory_space<vmem>>) target_semaphore(%run_scoped3A : memref<!tpu.dma_semaphore, #tpu.memory_space<semaphore_mem>>)
      %dma_wait3A_41 = tpu.memref_slice %arg2[%add3A_17] : memref<640000xi32, #tpu.memory_space<hbm>> -> memref<80xi32, #tpu.memory_space<hbm>>
      %dma_wait3A_42 = tpu.memref_slice %arg2[%add3A_17] : memref<640000xi32, #tpu.memory_space<hbm>> -> memref<80xi32, #tpu.memory_space<hbm>>
      tpu.wait_dma2 semaphore(%run_scoped3A : memref<!tpu.dma_semaphore, #tpu.memory_space<semaphore_mem>>) src(%dma_wait3A_42 : memref<80xi32, #tpu.memory_space<hbm>>) dst(%arg8 : memref<80xi32, #tpu.memory_space<vmem>>)
      tpu.yield
    }) : () -> ()
    "tpu.region"() ({
      %run_scoped3A = tpu.sem_alloc : memref<!tpu.dma_semaphore, #tpu.memory_space<semaphore_mem>>
      %dma_start3A_39 = tpu.memref_slice %arg3[%add3A_17] : memref<640000xi32, #tpu.memory_space<hbm>> -> memref<80xi32, #tpu.memory_space<hbm>>
      %dma_start3A_40 = tpu.memref_slice %arg3[%add3A_17] : memref<640000xi32, #tpu.memory_space<hbm>> -> memref<80xi32, #tpu.memory_space<hbm>>
      tpu.enqueue_dma source(%dma_start3A_40 : memref<80xi32, #tpu.memory_space<hbm>>) target(%arg9 : memref<80xi32, #tpu.memory_space<vmem>>) target_semaphore(%run_scoped3A : memref<!tpu.dma_semaphore, #tpu.memory_space<semaphore_mem>>)
      %dma_wait3A_41 = tpu.memref_slice %arg3[%add3A_17] : memref<640000xi32, #tpu.memory_space<hbm>> -> memref<80xi32, #tpu.memory_space<hbm>>
      %dma_wait3A_42 = tpu.memref_slice %arg3[%add3A_17] : memref<640000xi32, #tpu.memory_space<hbm>> -> memref<80xi32, #tpu.memory_space<hbm>>
      tpu.wait_dma2 semaphore(%run_scoped3A : memref<!tpu.dma_semaphore, #tpu.memory_space<semaphore_mem>>) src(%dma_wait3A_42 : memref<80xi32, #tpu.memory_space<hbm>>) dst(%arg9 : memref<80xi32, #tpu.memory_space<vmem>>)
      tpu.yield
    }) : () -> ()
    %dma_start3A = arith.constant 0 : i32
    %dma_start3A_18 = arith.constant 0 : i32
    %dma_start3A_19 = tpu.memref_slice %arg6[%dma_start3A, %dma_start3A_18] : memref<10240x144xf32, #tpu.memory_space<hbm>> -> memref<10240x144xf32, #tpu.memory_space<hbm>>
    tpu.enqueue_indirect_dma source(%dma_start3A_19 : memref<10240x144xf32, #tpu.memory_space<hbm>>) target(%arg13 : memref<80x144xf32, #tpu.memory_space<vmem>>) offsets(%arg8 : memref<80xi32, #tpu.memory_space<vmem>>) semaphore(%arg22 : memref<!tpu.dma_semaphore, #tpu.memory_space<semaphore_mem>>)
    %dma_start3A_20 = arith.constant 0 : i32
    %dma_start3A_21 = tpu.memref_slice %arg4[%dma_start3A_20] : memref<10240xf32, #tpu.memory_space<hbm>> -> memref<10240xf32, #tpu.memory_space<hbm>>
    tpu.enqueue_indirect_dma source(%dma_start3A_21 : memref<10240xf32, #tpu.memory_space<hbm>>) target(%arg10 : memref<80xf32, #tpu.memory_space<vmem>>) offsets(%arg8 : memref<80xi32, #tpu.memory_space<vmem>>) semaphore(%arg22 : memref<!tpu.dma_semaphore, #tpu.memory_space<semaphore_mem>>)
    %dma_start3A_22 = arith.constant 0 : i32
    %dma_start3A_23 = tpu.memref_slice %arg5[%dma_start3A_22] : memref<10240xf32, #tpu.memory_space<hbm>> -> memref<10240xf32, #tpu.memory_space<hbm>>
    tpu.enqueue_indirect_dma source(%dma_start3A_23 : memref<10240xf32, #tpu.memory_space<hbm>>) target(%arg11 : memref<80xf32, #tpu.memory_space<vmem>>) offsets(%arg9 : memref<80xi32, #tpu.memory_space<vmem>>) semaphore(%arg22 : memref<!tpu.dma_semaphore, #tpu.memory_space<semaphore_mem>>)
    %scan3A_24 = arith.constant 0 : i32
    %scan3A_25 = arith.constant 0 : i32
    %scan3A_26 = arith.constant 125 : i32
    %scan3A_27 = arith.addi %scan3A_25, %scan3A_26 : i32
    %scan3A_28 = arith.constant 1 : i32
    %scan3A_29 = scf.for %scan3A_39 = %scan3A_25 to %scan3A_27 step %scan3A_28 iter_args(%scan3A_40 = %scan3A_24) -> (i32)  : i32 {
      %mul3A_41 = arith.constant 2 : i32
      %mul3A_42 = arith.muli %scan3A_39, %mul3A_41 : i32
      %add3A_43 = arith.constant 0 : i32
      %add3A_44 = arith.addi %mul3A_42, %add3A_43 : i32
      %add3A_45 = arith.constant 1 : i32
      %add3A_46 = arith.addi %add3A_44, %add3A_45 : i32
      %lt3A = arith.constant 250 : i32
      %lt3A_47 = arith.cmpi slt, %add3A_46, %lt3A : i32
      %convert_element_type3A = arith.extui %lt3A_47 : i1 to i32
      %cond3A = arith.constant 0 : i32
      %cond3A_48 = arith.cmpi ne, %convert_element_type3A, %cond3A : i32
      scf.if %cond3A_48 {
        %ge3A_240 = arith.constant 1 : i32
        %ge3A_241 = arith.cmpi sge, %add3A_44, %ge3A_240 : i32
        %convert_element_type3A_242 = arith.extui %ge3A_241 : i1 to i32
        %cond3A_243 = arith.constant 0 : i32
        %cond3A_244 = arith.cmpi ne, %convert_element_type3A_242, %cond3A_243 : i32
        scf.if %cond3A_244 {
          %dma_wait3A_257 = arith.constant 0 : i32
          %dma_wait3A_258 = arith.constant 0 : i32
          %dma_wait3A_259 = tpu.memref_slice %arg21[%dma_wait3A_257, %dma_wait3A_258] : memref<10240x144xf32, #tpu.memory_space<vmem_shared>> -> memref<10240x144xf32, #tpu.memory_space<vmem_shared>>
          tpu.wait_indirect_dma semaphore(%arg25 : memref<!tpu.dma_semaphore, #tpu.memory_space<semaphore_mem>>) src(%arg19 : memref<80x144xf32, #tpu.memory_space<vmem>>) dst(%dma_wait3A_259 : memref<10240x144xf32, #tpu.memory_space<vmem_shared>>)
        } else {
        }
        %add3A_245 = arith.constant 1 : i32
        %add3A_246 = arith.addi %add3A_44, %add3A_245 : i32
        %mul3A_247 = arith.constant 80 : i32
        %mul3A_248 = arith.muli %add3A_246, %mul3A_247 : i32
        %add3A_249 = arith.addi %mul3A_2, %mul3A_248 : i32
        "tpu.region"() ({
          %run_scoped3A = tpu.sem_alloc : memref<!tpu.dma_semaphore, #tpu.memory_space<semaphore_mem>>
          %dma_start3A_257 = tpu.memref_slice %arg2[%add3A_249] : memref<640000xi32, #tpu.memory_space<hbm>> -> memref<80xi32, #tpu.memory_space<hbm>>
          %dma_start3A_258 = tpu.memref_slice %arg2[%add3A_249] : memref<640000xi32, #tpu.memory_space<hbm>> -> memref<80xi32, #tpu.memory_space<hbm>>
          tpu.enqueue_dma source(%dma_start3A_258 : memref<80xi32, #tpu.memory_space<hbm>>) target(%arg14 : memref<80xi32, #tpu.memory_space<vmem>>) target_semaphore(%run_scoped3A : memref<!tpu.dma_semaphore, #tpu.memory_space<semaphore_mem>>)
          %dma_wait3A_259 = tpu.memref_slice %arg2[%add3A_249] : memref<640000xi32, #tpu.memory_space<hbm>> -> memref<80xi32, #tpu.memory_space<hbm>>
          %dma_wait3A_260 = tpu.memref_slice %arg2[%add3A_249] : memref<640000xi32, #tpu.memory_space<hbm>> -> memref<80xi32, #tpu.memory_space<hbm>>
          tpu.wait_dma2 semaphore(%run_scoped3A : memref<!tpu.dma_semaphore, #tpu.memory_space<semaphore_mem>>) src(%dma_wait3A_260 : memref<80xi32, #tpu.memory_space<hbm>>) dst(%arg14 : memref<80xi32, #tpu.memory_space<vmem>>)
          tpu.yield
        }) : () -> ()
        "tpu.region"() ({
          %run_scoped3A = tpu.sem_alloc : memref<!tpu.dma_semaphore, #tpu.memory_space<semaphore_mem>>
          %dma_start3A_257 = tpu.memref_slice %arg3[%add3A_249] : memref<640000xi32, #tpu.memory_space<hbm>> -> memref<80xi32, #tpu.memory_space<hbm>>
          %dma_start3A_258 = tpu.memref_slice %arg3[%add3A_249] : memref<640000xi32, #tpu.memory_space<hbm>> -> memref<80xi32, #tpu.memory_space<hbm>>
          tpu.enqueue_dma source(%dma_start3A_258 : memref<80xi32, #tpu.memory_space<hbm>>) target(%arg15 : memref<80xi32, #tpu.memory_space<vmem>>) target_semaphore(%run_scoped3A : memref<!tpu.dma_semaphore, #tpu.memory_space<semaphore_mem>>)
          %dma_wait3A_259 = tpu.memref_slice %arg3[%add3A_249] : memref<640000xi32, #tpu.memory_space<hbm>> -> memref<80xi32, #tpu.memory_space<hbm>>
          %dma_wait3A_260 = tpu.memref_slice %arg3[%add3A_249] : memref<640000xi32, #tpu.memory_space<hbm>> -> memref<80xi32, #tpu.memory_space<hbm>>
          tpu.wait_dma2 semaphore(%run_scoped3A : memref<!tpu.dma_semaphore, #tpu.memory_space<semaphore_mem>>) src(%dma_wait3A_260 : memref<80xi32, #tpu.memory_space<hbm>>) dst(%arg15 : memref<80xi32, #tpu.memory_space<vmem>>)
          tpu.yield
        }) : () -> ()
        %dma_start3A_250 = arith.constant 0 : i32
        %dma_start3A_251 = arith.constant 0 : i32
        %dma_start3A_252 = tpu.memref_slice %arg6[%dma_start3A_250, %dma_start3A_251] : memref<10240x144xf32, #tpu.memory_space<hbm>> -> memref<10240x144xf32, #tpu.memory_space<hbm>>
        tpu.enqueue_indirect_dma source(%dma_start3A_252 : memref<10240x144xf32, #tpu.memory_space<hbm>>) target(%arg19 : memref<80x144xf32, #tpu.memory_space<vmem>>) offsets(%arg14 : memref<80xi32, #tpu.memory_space<vmem>>) semaphore(%arg23 : memref<!tpu.dma_semaphore, #tpu.memory_space<semaphore_mem>>)
        %dma_start3A_253 = arith.constant 0 : i32
        %dma_start3A_254 = tpu.memref_slice %arg4[%dma_start3A_253] : memref<10240xf32, #tpu.memory_space<hbm>> -> memref<10240xf32, #tpu.memory_space<hbm>>
        tpu.enqueue_indirect_dma source(%dma_start3A_254 : memref<10240xf32, #tpu.memory_space<hbm>>) target(%arg16 : memref<80xf32, #tpu.memory_space<vmem>>) offsets(%arg14 : memref<80xi32, #tpu.memory_space<vmem>>) semaphore(%arg23 : memref<!tpu.dma_semaphore, #tpu.memory_space<semaphore_mem>>)
        %dma_start3A_255 = arith.constant 0 : i32
        %dma_start3A_256 = tpu.memref_slice %arg5[%dma_start3A_255] : memref<10240xf32, #tpu.memory_space<hbm>> -> memref<10240xf32, #tpu.memory_space<hbm>>
        tpu.enqueue_indirect_dma source(%dma_start3A_256 : memref<10240xf32, #tpu.memory_space<hbm>>) target(%arg17 : memref<80xf32, #tpu.memory_space<vmem>>) offsets(%arg15 : memref<80xi32, #tpu.memory_space<vmem>>) semaphore(%arg23 : memref<!tpu.dma_semaphore, #tpu.memory_space<semaphore_mem>>)
      } else {
      }
      %dma_wait3A_49 = arith.constant 0 : i32
      %dma_wait3A_50 = arith.constant 0 : i32
      %dma_wait3A_51 = tpu.memref_slice %arg6[%dma_wait3A_49, %dma_wait3A_50] : memref<10240x144xf32, #tpu.memory_space<hbm>> -> memref<10240x144xf32, #tpu.memory_space<hbm>>
      tpu.wait_indirect_dma semaphore(%arg22 : memref<!tpu.dma_semaphore, #tpu.memory_space<semaphore_mem>>) src(%dma_wait3A_51 : memref<10240x144xf32, #tpu.memory_space<hbm>>) dst(%arg13 : memref<80x144xf32, #tpu.memory_space<vmem>>)
      %dma_wait3A_52 = arith.constant 0 : i32
      %dma_wait3A_53 = tpu.memref_slice %arg4[%dma_wait3A_52] : memref<10240xf32, #tpu.memory_space<hbm>> -> memref<10240xf32, #tpu.memory_space<hbm>>
      tpu.wait_indirect_dma semaphore(%arg22 : memref<!tpu.dma_semaphore, #tpu.memory_space<semaphore_mem>>) src(%dma_wait3A_53 : memref<10240xf32, #tpu.memory_space<hbm>>) dst(%arg10 : memref<80xf32, #tpu.memory_space<vmem>>)
      %dma_wait3A_54 = arith.constant 0 : i32
      %dma_wait3A_55 = tpu.memref_slice %arg5[%dma_wait3A_54] : memref<10240xf32, #tpu.memory_space<hbm>> -> memref<10240xf32, #tpu.memory_space<hbm>>
      tpu.wait_indirect_dma semaphore(%arg22 : memref<!tpu.dma_semaphore, #tpu.memory_space<semaphore_mem>>) src(%dma_wait3A_55 : memref<10240xf32, #tpu.memory_space<hbm>>) dst(%arg11 : memref<80xf32, #tpu.memory_space<vmem>>)
      %get3A = arith.constant 0 : index
      %get3A_56 = tpu.vector_load %arg10[%get3A] {strides = array<i32>} : memref<80xf32, #tpu.memory_space<vmem>>, vector<16xf32>,
      %get3A_57 = arith.constant 0 : index
      %get3A_58 = tpu.vector_load %arg11[%get3A_57] {strides = array<i32>} : memref<80xf32, #tpu.memory_space<vmem>>, vector<16xf32>,
      %add3A_59 = arith.addf %get3A_56, %get3A_58 : vector<16xf32>
      %ge3A = arith.constant 0.000000e+00 : f32
      %ge3A_60 = vector.broadcast %ge3A : f32 to vector<16xf32>
      %ge3A_61 = arith.cmpf oge, %add3A_59, %ge3A_60 : vector<16xf32>
      %mul3A_62 = arith.constant 2.000000e-01 : f32
      %mul3A_63 = vector.broadcast %mul3A_62 : f32 to vector<16xf32>
      %mul3A_64 = arith.mulf %mul3A_63, %add3A_59 : vector<16xf32>
      %select_n3A = arith.select %ge3A_61, %add3A_59, %mul3A_64 : vector<16xi1>, vector<16xf32>
      %exp3A = math.exp %select_n3A : vector<16xf32>
      %swap3A = arith.constant 0 : index
      %swap3A_65 = tpu.vector_load %arg12[%swap3A] {strides = array<i32>} : memref<80xf32, #tpu.memory_space<vmem>>, vector<16xf32>,
      tpu.vector_store %arg12[%swap3A], %exp3A {strides = array<i32>} : memref<80xf32, #tpu.memory_space<vmem>>, vector<16xf32>,
      %get3A_66 = arith.constant 16 : index
      %get3A_67 = tpu.vector_load %arg10[%get3A_66] {strides = array<i32>} : memref<80xf32, #tpu.memory_space<vmem>>, vector<16xf32>,
      %get3A_68 = arith.constant 16 : index
      %get3A_69 = tpu.vector_load %arg11[%get3A_68] {strides = array<i32>} : memref<80xf32, #tpu.memory_space<vmem>>, vector<16xf32>,
      %add3A_70 = arith.addf %get3A_67, %get3A_69 : vector<16xf32>
      %ge3A_71 = arith.constant 0.000000e+00 : f32
      %ge3A_72 = vector.broadcast %ge3A_71 : f32 to vector<16xf32>
      %ge3A_73 = arith.cmpf oge, %add3A_70, %ge3A_72 : vector<16xf32>
      %mul3A_74 = arith.constant 2.000000e-01 : f32
      %mul3A_75 = vector.broadcast %mul3A_74 : f32 to vector<16xf32>
      %mul3A_76 = arith.mulf %mul3A_75, %add3A_70 : vector<16xf32>
      %select_n3A_77 = arith.select %ge3A_73, %add3A_70, %mul3A_76 : vector<16xi1>, vector<16xf32>
      %exp3A_78 = math.exp %select_n3A_77 : vector<16xf32>
      %swap3A_79 = arith.constant 16 : index
      %swap3A_80 = tpu.vector_load %arg12[%swap3A_79] {strides = array<i32>} : memref<80xf32, #tpu.memory_space<vmem>>, vector<16xf32>,
      tpu.vector_store %arg12[%swap3A_79], %exp3A_78 {strides = array<i32>} : memref<80xf32, #tpu.memory_space<vmem>>, vector<16xf32>,
      %get3A_81 = arith.constant 32 : index
      %get3A_82 = tpu.vector_load %arg10[%get3A_81] {strides = array<i32>} : memref<80xf32, #tpu.memory_space<vmem>>, vector<16xf32>,
      %get3A_83 = arith.constant 32 : index
      %get3A_84 = tpu.vector_load %arg11[%get3A_83] {strides = array<i32>} : memref<80xf32, #tpu.memory_space<vmem>>, vector<16xf32>,
      %add3A_85 = arith.addf %get3A_82, %get3A_84 : vector<16xf32>
      %ge3A_86 = arith.constant 0.000000e+00 : f32
      %ge3A_87 = vector.broadcast %ge3A_86 : f32 to vector<16xf32>
      %ge3A_88 = arith.cmpf oge, %add3A_85, %ge3A_87 : vector<16xf32>
      %mul3A_89 = arith.constant 2.000000e-01 : f32
      %mul3A_90 = vector.broadcast %mul3A_89 : f32 to vector<16xf32>
      %mul3A_91 = arith.mulf %mul3A_90, %add3A_85 : vector<16xf32>
      %select_n3A_92 = arith.select %ge3A_88, %add3A_85, %mul3A_91 : vector<16xi1>, vector<16xf32>
      %exp3A_93 = math.exp %select_n3A_92 : vector<16xf32>
      %swap3A_94 = arith.constant 32 : index
      %swap3A_95 = tpu.vector_load %arg12[%swap3A_94] {strides = array<i32>} : memref<80xf32, #tpu.memory_space<vmem>>, vector<16xf32>,
      tpu.vector_store %arg12[%swap3A_94], %exp3A_93 {strides = array<i32>} : memref<80xf32, #tpu.memory_space<vmem>>, vector<16xf32>,
      %get3A_96 = arith.constant 48 : index
      %get3A_97 = tpu.vector_load %arg10[%get3A_96] {strides = array<i32>} : memref<80xf32, #tpu.memory_space<vmem>>, vector<16xf32>,
      %get3A_98 = arith.constant 48 : index
      %get3A_99 = tpu.vector_load %arg11[%get3A_98] {strides = array<i32>} : memref<80xf32, #tpu.memory_space<vmem>>, vector<16xf32>,
      %add3A_100 = arith.addf %get3A_97, %get3A_99 : vector<16xf32>
      %ge3A_101 = arith.constant 0.000000e+00 : f32
      %ge3A_102 = vector.broadcast %ge3A_101 : f32 to vector<16xf32>
      %ge3A_103 = arith.cmpf oge, %add3A_100, %ge3A_102 : vector<16xf32>
      %mul3A_104 = arith.constant 2.000000e-01 : f32
      %mul3A_105 = vector.broadcast %mul3A_104 : f32 to vector<16xf32>
      %mul3A_106 = arith.mulf %mul3A_105, %add3A_100 : vector<16xf32>
      %select_n3A_107 = arith.select %ge3A_103, %add3A_100, %mul3A_106 : vector<16xi1>, vector<16xf32>
      %exp3A_108 = math.exp %select_n3A_107 : vector<16xf32>
      %swap3A_109 = arith.constant 48 : index
      %swap3A_110 = tpu.vector_load %arg12[%swap3A_109] {strides = array<i32>} : memref<80xf32, #tpu.memory_space<vmem>>, vector<16xf32>,
      tpu.vector_store %arg12[%swap3A_109], %exp3A_108 {strides = array<i32>} : memref<80xf32, #tpu.memory_space<vmem>>, vector<16xf32>,
      %get3A_111 = arith.constant 64 : index
      %get3A_112 = tpu.vector_load %arg10[%get3A_111] {strides = array<i32>} : memref<80xf32, #tpu.memory_space<vmem>>, vector<16xf32>,
      %get3A_113 = arith.constant 64 : index
      %get3A_114 = tpu.vector_load %arg11[%get3A_113] {strides = array<i32>} : memref<80xf32, #tpu.memory_space<vmem>>, vector<16xf32>,
      %add3A_115 = arith.addf %get3A_112, %get3A_114 : vector<16xf32>
      %ge3A_116 = arith.constant 0.000000e+00 : f32
      %ge3A_117 = vector.broadcast %ge3A_116 : f32 to vector<16xf32>
      %ge3A_118 = arith.cmpf oge, %add3A_115, %ge3A_117 : vector<16xf32>
      %mul3A_119 = arith.constant 2.000000e-01 : f32
      %mul3A_120 = vector.broadcast %mul3A_119 : f32 to vector<16xf32>
      %mul3A_121 = arith.mulf %mul3A_120, %add3A_115 : vector<16xf32>
      %select_n3A_122 = arith.select %ge3A_118, %add3A_115, %mul3A_121 : vector<16xi1>, vector<16xf32>
      %exp3A_123 = math.exp %select_n3A_122 : vector<16xf32>
      %swap3A_124 = arith.constant 64 : index
      %swap3A_125 = tpu.vector_load %arg12[%swap3A_124] {strides = array<i32>} : memref<80xf32, #tpu.memory_space<vmem>>, vector<16xf32>,
      tpu.vector_store %arg12[%swap3A_124], %exp3A_123 {strides = array<i32>} : memref<80xf32, #tpu.memory_space<vmem>>, vector<16xf32>,
      %scan3A_126 = arith.constant 0 : i32
      %scan3A_127 = arith.constant 0 : i32
      %scan3A_128 = arith.constant 80 : i32
      %scan3A_129 = arith.addi %scan3A_127, %scan3A_128 : i32
      %scan3A_130 = arith.constant 1 : i32
      %scan3A_131 = scf.for %scan3A_240 = %scan3A_127 to %scan3A_129 step %scan3A_130 iter_args(%scan3A_241 = %scan3A_126) -> (i32)  : i32 {
        %broadcast_in_dim3A = vector.broadcast %scan3A_240 : i32 to vector<16xi32>
        %gather3A = tpu.vector_load_idx %arg12[%broadcast_in_dim3A] : memref<80xf32, #tpu.memory_space<vmem>>[vector<16xi32>], vector<16xf32>,
        %get3A_242 = arith.index_cast %scan3A_240 : i32 to index
        %get3A_243 = arith.constant 0 : index
        %get3A_244 = tpu.vector_load %arg13[%get3A_242, %get3A_243] {strides = array<i32>} : memref<80x144xf32, #tpu.memory_space<vmem>>, vector<16xf32>,
        %mul3A_245 = arith.mulf %get3A_244, %gather3A : vector<16xf32>
        %swap3A_246 = arith.index_cast %scan3A_240 : i32 to index
        %swap3A_247 = arith.constant 0 : index
        %swap3A_248 = tpu.vector_load %arg13[%swap3A_246, %swap3A_247] {strides = array<i32>} : memref<80x144xf32, #tpu.memory_space<vmem>>, vector<16xf32>,
        tpu.vector_store %arg13[%swap3A_246, %swap3A_247], %mul3A_245 {strides = array<i32>} : memref<80x144xf32, #tpu.memory_space<vmem>>, vector<16xf32>,
        %get3A_249 = arith.index_cast %scan3A_240 : i32 to index
        %get3A_250 = arith.constant 16 : index
        %get3A_251 = tpu.vector_load %arg13[%get3A_249, %get3A_250] {strides = array<i32>} : memref<80x144xf32, #tpu.memory_space<vmem>>, vector<16xf32>,
        %mul3A_252 = arith.mulf %get3A_251, %gather3A : vector<16xf32>
        %swap3A_253 = arith.index_cast %scan3A_240 : i32 to index
        %swap3A_254 = arith.constant 16 : index
        %swap3A_255 = tpu.vector_load %arg13[%swap3A_253, %swap3A_254] {strides = array<i32>} : memref<80x144xf32, #tpu.memory_space<vmem>>, vector<16xf32>,
        tpu.vector_store %arg13[%swap3A_253, %swap3A_254], %mul3A_252 {strides = array<i32>} : memref<80x144xf32, #tpu.memory_space<vmem>>, vector<16xf32>,
        %get3A_256 = arith.index_cast %scan3A_240 : i32 to index
        %get3A_257 = arith.constant 32 : index
        %get3A_258 = tpu.vector_load %arg13[%get3A_256, %get3A_257] {strides = array<i32>} : memref<80x144xf32, #tpu.memory_space<vmem>>, vector<16xf32>,
        %mul3A_259 = arith.mulf %get3A_258, %gather3A : vector<16xf32>
        %swap3A_260 = arith.index_cast %scan3A_240 : i32 to index
        %swap3A_261 = arith.constant 32 : index
        %swap3A_262 = tpu.vector_load %arg13[%swap3A_260, %swap3A_261] {strides = array<i32>} : memref<80x144xf32, #tpu.memory_space<vmem>>, vector<16xf32>,
        tpu.vector_store %arg13[%swap3A_260, %swap3A_261], %mul3A_259 {strides = array<i32>} : memref<80x144xf32, #tpu.memory_space<vmem>>, vector<16xf32>,
        %get3A_263 = arith.index_cast %scan3A_240 : i32 to index
        %get3A_264 = arith.constant 48 : index
        %get3A_265 = tpu.vector_load %arg13[%get3A_263, %get3A_264] {strides = array<i32>} : memref<80x144xf32, #tpu.memory_space<vmem>>, vector<16xf32>,
        %mul3A_266 = arith.mulf %get3A_265, %gather3A : vector<16xf32>
        %swap3A_267 = arith.index_cast %scan3A_240 : i32 to index
        %swap3A_268 = arith.constant 48 : index
        %swap3A_269 = tpu.vector_load %arg13[%swap3A_267, %swap3A_268] {strides = array<i32>} : memref<80x144xf32, #tpu.memory_space<vmem>>, vector<16xf32>,
        tpu.vector_store %arg13[%swap3A_267, %swap3A_268], %mul3A_266 {strides = array<i32>} : memref<80x144xf32, #tpu.memory_space<vmem>>, vector<16xf32>,
        %get3A_270 = arith.index_cast %scan3A_240 : i32 to index
        %get3A_271 = arith.constant 64 : index
        %get3A_272 = tpu.vector_load %arg13[%get3A_270, %get3A_271] {strides = array<i32>} : memref<80x144xf32, #tpu.memory_space<vmem>>, vector<16xf32>,
        %mul3A_273 = arith.mulf %get3A_272, %gather3A : vector<16xf32>
        %swap3A_274 = arith.index_cast %scan3A_240 : i32 to index
        %swap3A_275 = arith.constant 64 : index
        %swap3A_276 = tpu.vector_load %arg13[%swap3A_274, %swap3A_275] {strides = array<i32>} : memref<80x144xf32, #tpu.memory_space<vmem>>, vector<16xf32>,
        tpu.vector_store %arg13[%swap3A_274, %swap3A_275], %mul3A_273 {strides = array<i32>} : memref<80x144xf32, #tpu.memory_space<vmem>>, vector<16xf32>,
        %get3A_277 = arith.index_cast %scan3A_240 : i32 to index
        %get3A_278 = arith.constant 80 : index
        %get3A_279 = tpu.vector_load %arg13[%get3A_277, %get3A_278] {strides = array<i32>} : memref<80x144xf32, #tpu.memory_space<vmem>>, vector<16xf32>,
        %mul3A_280 = arith.mulf %get3A_279, %gather3A : vector<16xf32>
        %swap3A_281 = arith.index_cast %scan3A_240 : i32 to index
        %swap3A_282 = arith.constant 80 : index
        %swap3A_283 = tpu.vector_load %arg13[%swap3A_281, %swap3A_282] {strides = array<i32>} : memref<80x144xf32, #tpu.memory_space<vmem>>, vector<16xf32>,
        tpu.vector_store %arg13[%swap3A_281, %swap3A_282], %mul3A_280 {strides = array<i32>} : memref<80x144xf32, #tpu.memory_space<vmem>>, vector<16xf32>,
        %get3A_284 = arith.index_cast %scan3A_240 : i32 to index
        %get3A_285 = arith.constant 96 : index
        %get3A_286 = tpu.vector_load %arg13[%get3A_284, %get3A_285] {strides = array<i32>} : memref<80x144xf32, #tpu.memory_space<vmem>>, vector<16xf32>,
        %mul3A_287 = arith.mulf %get3A_286, %gather3A : vector<16xf32>
        %swap3A_288 = arith.index_cast %scan3A_240 : i32 to index
        %swap3A_289 = arith.constant 96 : index
        %swap3A_290 = tpu.vector_load %arg13[%swap3A_288, %swap3A_289] {strides = array<i32>} : memref<80x144xf32, #tpu.memory_space<vmem>>, vector<16xf32>,
        tpu.vector_store %arg13[%swap3A_288, %swap3A_289], %mul3A_287 {strides = array<i32>} : memref<80x144xf32, #tpu.memory_space<vmem>>, vector<16xf32>,
        %get3A_291 = arith.index_cast %scan3A_240 : i32 to index
        %get3A_292 = arith.constant 112 : index
        %get3A_293 = tpu.vector_load %arg13[%get3A_291, %get3A_292] {strides = array<i32>} : memref<80x144xf32, #tpu.memory_space<vmem>>, vector<16xf32>,
        %mul3A_294 = arith.mulf %get3A_293, %gather3A : vector<16xf32>
        %swap3A_295 = arith.index_cast %scan3A_240 : i32 to index
        %swap3A_296 = arith.constant 112 : index
        %swap3A_297 = tpu.vector_load %arg13[%swap3A_295, %swap3A_296] {strides = array<i32>} : memref<80x144xf32, #tpu.memory_space<vmem>>, vector<16xf32>,
        tpu.vector_store %arg13[%swap3A_295, %swap3A_296], %mul3A_294 {strides = array<i32>} : memref<80x144xf32, #tpu.memory_space<vmem>>, vector<16xf32>,
        %get3A_298 = arith.index_cast %scan3A_240 : i32 to index
        %get3A_299 = arith.constant 128 : index
        %get3A_300 = tpu.vector_load %arg13[%get3A_298, %get3A_299] {strides = array<i32>} : memref<80x144xf32, #tpu.memory_space<vmem>>, vector<16xf32>,
        %mul3A_301 = arith.mulf %get3A_300, %gather3A : vector<16xf32>
        %swap3A_302 = arith.index_cast %scan3A_240 : i32 to index
        %swap3A_303 = arith.constant 128 : index
        %swap3A_304 = tpu.vector_load %arg13[%swap3A_302, %swap3A_303] {strides = array<i32>} : memref<80x144xf32, #tpu.memory_space<vmem>>, vector<16xf32>,
        tpu.vector_store %arg13[%swap3A_302, %swap3A_303], %mul3A_301 {strides = array<i32>} : memref<80x144xf32, #tpu.memory_space<vmem>>, vector<16xf32>,
        %scan3A_305 = arith.constant 0 : i32
        scf.yield %scan3A_305 : i32
      }
      %scan3A_132 = arith.constant 80 : i32
      %dma_start3A_133 = arith.constant 0 : i32
      %dma_start3A_134 = arith.constant 0 : i32
      %dma_start3A_135 = tpu.memref_slice %arg21[%dma_start3A_133, %dma_start3A_134] : memref<10240x144xf32, #tpu.memory_space<vmem_shared>> -> memref<10240x144xf32, #tpu.memory_space<vmem_shared>>
      tpu.enqueue_indirect_dma source(%arg13 : memref<80x144xf32, #tpu.memory_space<vmem>>) target(%dma_start3A_135 : memref<10240x144xf32, #tpu.memory_space<vmem_shared>>) offsets(%arg9 : memref<80xi32, #tpu.memory_space<vmem>>) semaphore(%arg24 : memref<!tpu.dma_semaphore, #tpu.memory_space<semaphore_mem>>) {add = true}
      %mul3A_136 = arith.constant 2 : i32
      %mul3A_137 = arith.muli %scan3A_39, %mul3A_136 : i32
      %add3A_138 = arith.constant 1 : i32
      %add3A_139 = arith.addi %mul3A_137, %add3A_138 : i32
      %add3A_140 = arith.constant 1 : i32
      %add3A_141 = arith.addi %add3A_139, %add3A_140 : i32
      %lt3A_142 = arith.constant 250 : i32
      %lt3A_143 = arith.cmpi slt, %add3A_141, %lt3A_142 : i32
      %convert_element_type3A_144 = arith.extui %lt3A_143 : i1 to i32
      %cond3A_145 = arith.constant 0 : i32
      %cond3A_146 = arith.cmpi ne, %convert_element_type3A_144, %cond3A_145 : i32
      scf.if %cond3A_146 {
        %ge3A_240 = arith.constant 1 : i32
        %ge3A_241 = arith.cmpi sge, %add3A_139, %ge3A_240 : i32
        %convert_element_type3A_242 = arith.extui %ge3A_241 : i1 to i32
        %cond3A_243 = arith.constant 0 : i32
        %cond3A_244 = arith.cmpi ne, %convert_element_type3A_242, %cond3A_243 : i32
        scf.if %cond3A_244 {
          %dma_wait3A_257 = arith.constant 0 : i32
          %dma_wait3A_258 = arith.constant 0 : i32
          %dma_wait3A_259 = tpu.memref_slice %arg21[%dma_wait3A_257, %dma_wait3A_258] : memref<10240x144xf32, #tpu.memory_space<vmem_shared>> -> memref<10240x144xf32, #tpu.memory_space<vmem_shared>>
          tpu.wait_indirect_dma semaphore(%arg24 : memref<!tpu.dma_semaphore, #tpu.memory_space<semaphore_mem>>) src(%arg13 : memref<80x144xf32, #tpu.memory_space<vmem>>) dst(%dma_wait3A_259 : memref<10240x144xf32, #tpu.memory_space<vmem_shared>>)
        } else {
        }
        %add3A_245 = arith.constant 1 : i32
        %add3A_246 = arith.addi %add3A_139, %add3A_245 : i32
        %mul3A_247 = arith.constant 80 : i32
        %mul3A_248 = arith.muli %add3A_246, %mul3A_247 : i32
        %add3A_249 = arith.addi %mul3A_2, %mul3A_248 : i32
        "tpu.region"() ({
          %run_scoped3A = tpu.sem_alloc : memref<!tpu.dma_semaphore, #tpu.memory_space<semaphore_mem>>
          %dma_start3A_257 = tpu.memref_slice %arg2[%add3A_249] : memref<640000xi32, #tpu.memory_space<hbm>> -> memref<80xi32, #tpu.memory_space<hbm>>
          %dma_start3A_258 = tpu.memref_slice %arg2[%add3A_249] : memref<640000xi32, #tpu.memory_space<hbm>> -> memref<80xi32, #tpu.memory_space<hbm>>
          tpu.enqueue_dma source(%dma_start3A_258 : memref<80xi32, #tpu.memory_space<hbm>>) target(%arg8 : memref<80xi32, #tpu.memory_space<vmem>>) target_semaphore(%run_scoped3A : memref<!tpu.dma_semaphore, #tpu.memory_space<semaphore_mem>>)
          %dma_wait3A_259 = tpu.memref_slice %arg2[%add3A_249] : memref<640000xi32, #tpu.memory_space<hbm>> -> memref<80xi32, #tpu.memory_space<hbm>>
          %dma_wait3A_260 = tpu.memref_slice %arg2[%add3A_249] : memref<640000xi32, #tpu.memory_space<hbm>> -> memref<80xi32, #tpu.memory_space<hbm>>
          tpu.wait_dma2 semaphore(%run_scoped3A : memref<!tpu.dma_semaphore, #tpu.memory_space<semaphore_mem>>) src(%dma_wait3A_260 : memref<80xi32, #tpu.memory_space<hbm>>) dst(%arg8 : memref<80xi32, #tpu.memory_space<vmem>>)
          tpu.yield
        }) : () -> ()
        "tpu.region"() ({
          %run_scoped3A = tpu.sem_alloc : memref<!tpu.dma_semaphore, #tpu.memory_space<semaphore_mem>>
          %dma_start3A_257 = tpu.memref_slice %arg3[%add3A_249] : memref<640000xi32, #tpu.memory_space<hbm>> -> memref<80xi32, #tpu.memory_space<hbm>>
          %dma_start3A_258 = tpu.memref_slice %arg3[%add3A_249] : memref<640000xi32, #tpu.memory_space<hbm>> -> memref<80xi32, #tpu.memory_space<hbm>>
          tpu.enqueue_dma source(%dma_start3A_258 : memref<80xi32, #tpu.memory_space<hbm>>) target(%arg9 : memref<80xi32, #tpu.memory_space<vmem>>) target_semaphore(%run_scoped3A : memref<!tpu.dma_semaphore, #tpu.memory_space<semaphore_mem>>)
          %dma_wait3A_259 = tpu.memref_slice %arg3[%add3A_249] : memref<640000xi32, #tpu.memory_space<hbm>> -> memref<80xi32, #tpu.memory_space<hbm>>
          %dma_wait3A_260 = tpu.memref_slice %arg3[%add3A_249] : memref<640000xi32, #tpu.memory_space<hbm>> -> memref<80xi32, #tpu.memory_space<hbm>>
          tpu.wait_dma2 semaphore(%run_scoped3A : memref<!tpu.dma_semaphore, #tpu.memory_space<semaphore_mem>>) src(%dma_wait3A_260 : memref<80xi32, #tpu.memory_space<hbm>>) dst(%arg9 : memref<80xi32, #tpu.memory_space<vmem>>)
          tpu.yield
        }) : () -> ()
        %dma_start3A_250 = arith.constant 0 : i32
        %dma_start3A_251 = arith.constant 0 : i32
        %dma_start3A_252 = tpu.memref_slice %arg6[%dma_start3A_250, %dma_start3A_251] : memref<10240x144xf32, #tpu.memory_space<hbm>> -> memref<10240x144xf32, #tpu.memory_space<hbm>>
        tpu.enqueue_indirect_dma source(%dma_start3A_252 : memref<10240x144xf32, #tpu.memory_space<hbm>>) target(%arg13 : memref<80x144xf32, #tpu.memory_space<vmem>>) offsets(%arg8 : memref<80xi32, #tpu.memory_space<vmem>>) semaphore(%arg22 : memref<!tpu.dma_semaphore, #tpu.memory_space<semaphore_mem>>)
        %dma_start3A_253 = arith.constant 0 : i32
        %dma_start3A_254 = tpu.memref_slice %arg4[%dma_start3A_253] : memref<10240xf32, #tpu.memory_space<hbm>> -> memref<10240xf32, #tpu.memory_space<hbm>>
        tpu.enqueue_indirect_dma source(%dma_start3A_254 : memref<10240xf32, #tpu.memory_space<hbm>>) target(%arg10 : memref<80xf32, #tpu.memory_space<vmem>>) offsets(%arg8 : memref<80xi32, #tpu.memory_space<vmem>>) semaphore(%arg22 : memref<!tpu.dma_semaphore, #tpu.memory_space<semaphore_mem>>)
        %dma_start3A_255 = arith.constant 0 : i32
        %dma_start3A_256 = tpu.memref_slice %arg5[%dma_start3A_255] : memref<10240xf32, #tpu.memory_space<hbm>> -> memref<10240xf32, #tpu.memory_space<hbm>>
        tpu.enqueue_indirect_dma source(%dma_start3A_256 : memref<10240xf32, #tpu.memory_space<hbm>>) target(%arg11 : memref<80xf32, #tpu.memory_space<vmem>>) offsets(%arg9 : memref<80xi32, #tpu.memory_space<vmem>>) semaphore(%arg22 : memref<!tpu.dma_semaphore, #tpu.memory_space<semaphore_mem>>)
      } else {
      }
      %dma_wait3A_147 = arith.constant 0 : i32
      %dma_wait3A_148 = arith.constant 0 : i32
      %dma_wait3A_149 = tpu.memref_slice %arg6[%dma_wait3A_147, %dma_wait3A_148] : memref<10240x144xf32, #tpu.memory_space<hbm>> -> memref<10240x144xf32, #tpu.memory_space<hbm>>
      tpu.wait_indirect_dma semaphore(%arg23 : memref<!tpu.dma_semaphore, #tpu.memory_space<semaphore_mem>>) src(%dma_wait3A_149 : memref<10240x144xf32, #tpu.memory_space<hbm>>) dst(%arg19 : memref<80x144xf32, #tpu.memory_space<vmem>>)
      %dma_wait3A_150 = arith.constant 0 : i32
      %dma_wait3A_151 = tpu.memref_slice %arg4[%dma_wait3A_150] : memref<10240xf32, #tpu.memory_space<hbm>> -> memref<10240xf32, #tpu.memory_space<hbm>>
      tpu.wait_indirect_dma semaphore(%arg23 : memref<!tpu.dma_semaphore, #tpu.memory_space<semaphore_mem>>) src(%dma_wait3A_151 : memref<10240xf32, #tpu.memory_space<hbm>>) dst(%arg16 : memref<80xf32, #tpu.memory_space<vmem>>)
      %dma_wait3A_152 = arith.constant 0 : i32
      %dma_wait3A_153 = tpu.memref_slice %arg5[%dma_wait3A_152] : memref<10240xf32, #tpu.memory_space<hbm>> -> memref<10240xf32, #tpu.memory_space<hbm>>
      tpu.wait_indirect_dma semaphore(%arg23 : memref<!tpu.dma_semaphore, #tpu.memory_space<semaphore_mem>>) src(%dma_wait3A_153 : memref<10240xf32, #tpu.memory_space<hbm>>) dst(%arg17 : memref<80xf32, #tpu.memory_space<vmem>>)
      %get3A_154 = arith.constant 0 : index
      %get3A_155 = tpu.vector_load %arg16[%get3A_154] {strides = array<i32>} : memref<80xf32, #tpu.memory_space<vmem>>, vector<16xf32>,
      %get3A_156 = arith.constant 0 : index
      %get3A_157 = tpu.vector_load %arg17[%get3A_156] {strides = array<i32>} : memref<80xf32, #tpu.memory_space<vmem>>, vector<16xf32>,
      %add3A_158 = arith.addf %get3A_155, %get3A_157 : vector<16xf32>
      %ge3A_159 = arith.constant 0.000000e+00 : f32
      %ge3A_160 = vector.broadcast %ge3A_159 : f32 to vector<16xf32>
      %ge3A_161 = arith.cmpf oge, %add3A_158, %ge3A_160 : vector<16xf32>
      %mul3A_162 = arith.constant 2.000000e-01 : f32
      %mul3A_163 = vector.broadcast %mul3A_162 : f32 to vector<16xf32>
      %mul3A_164 = arith.mulf %mul3A_163, %add3A_158 : vector<16xf32>
      %select_n3A_165 = arith.select %ge3A_161, %add3A_158, %mul3A_164 : vector<16xi1>, vector<16xf32>
      %exp3A_166 = math.exp %select_n3A_165 : vector<16xf32>
      %swap3A_167 = arith.constant 0 : index
      %swap3A_168 = tpu.vector_load %arg18[%swap3A_167] {strides = array<i32>} : memref<80xf32, #tpu.memory_space<vmem>>, vector<16xf32>,
      tpu.vector_store %arg18[%swap3A_167], %exp3A_166 {strides = array<i32>} : memref<80xf32, #tpu.memory_space<vmem>>, vector<16xf32>,
      %get3A_169 = arith.constant 16 : index
      %get3A_170 = tpu.vector_load %arg16[%get3A_169] {strides = array<i32>} : memref<80xf32, #tpu.memory_space<vmem>>, vector<16xf32>,
      %get3A_171 = arith.constant 16 : index
      %get3A_172 = tpu.vector_load %arg17[%get3A_171] {strides = array<i32>} : memref<80xf32, #tpu.memory_space<vmem>>, vector<16xf32>,
      %add3A_173 = arith.addf %get3A_170, %get3A_172 : vector<16xf32>
      %ge3A_174 = arith.constant 0.000000e+00 : f32
      %ge3A_175 = vector.broadcast %ge3A_174 : f32 to vector<16xf32>
      %ge3A_176 = arith.cmpf oge, %add3A_173, %ge3A_175 : vector<16xf32>
      %mul3A_177 = arith.constant 2.000000e-01 : f32
      %mul3A_178 = vector.broadcast %mul3A_177 : f32 to vector<16xf32>
      %mul3A_179 = arith.mulf %mul3A_178, %add3A_173 : vector<16xf32>
      %select_n3A_180 = arith.select %ge3A_176, %add3A_173, %mul3A_179 : vector<16xi1>, vector<16xf32>
      %exp3A_181 = math.exp %select_n3A_180 : vector<16xf32>
      %swap3A_182 = arith.constant 16 : index
      %swap3A_183 = tpu.vector_load %arg18[%swap3A_182] {strides = array<i32>} : memref<80xf32, #tpu.memory_space<vmem>>, vector<16xf32>,
      tpu.vector_store %arg18[%swap3A_182], %exp3A_181 {strides = array<i32>} : memref<80xf32, #tpu.memory_space<vmem>>, vector<16xf32>,
      %get3A_184 = arith.constant 32 : index
      %get3A_185 = tpu.vector_load %arg16[%get3A_184] {strides = array<i32>} : memref<80xf32, #tpu.memory_space<vmem>>, vector<16xf32>,
      %get3A_186 = arith.constant 32 : index
      %get3A_187 = tpu.vector_load %arg17[%get3A_186] {strides = array<i32>} : memref<80xf32, #tpu.memory_space<vmem>>, vector<16xf32>,
      %add3A_188 = arith.addf %get3A_185, %get3A_187 : vector<16xf32>
      %ge3A_189 = arith.constant 0.000000e+00 : f32
      %ge3A_190 = vector.broadcast %ge3A_189 : f32 to vector<16xf32>
      %ge3A_191 = arith.cmpf oge, %add3A_188, %ge3A_190 : vector<16xf32>
      %mul3A_192 = arith.constant 2.000000e-01 : f32
      %mul3A_193 = vector.broadcast %mul3A_192 : f32 to vector<16xf32>
      %mul3A_194 = arith.mulf %mul3A_193, %add3A_188 : vector<16xf32>
      %select_n3A_195 = arith.select %ge3A_191, %add3A_188, %mul3A_194 : vector<16xi1>, vector<16xf32>
      %exp3A_196 = math.exp %select_n3A_195 : vector<16xf32>
      %swap3A_197 = arith.constant 32 : index
      %swap3A_198 = tpu.vector_load %arg18[%swap3A_197] {strides = array<i32>} : memref<80xf32, #tpu.memory_space<vmem>>, vector<16xf32>,
      tpu.vector_store %arg18[%swap3A_197], %exp3A_196 {strides = array<i32>} : memref<80xf32, #tpu.memory_space<vmem>>, vector<16xf32>,
      %get3A_199 = arith.constant 48 : index
      %get3A_200 = tpu.vector_load %arg16[%get3A_199] {strides = array<i32>} : memref<80xf32, #tpu.memory_space<vmem>>, vector<16xf32>,
      %get3A_201 = arith.constant 48 : index
      %get3A_202 = tpu.vector_load %arg17[%get3A_201] {strides = array<i32>} : memref<80xf32, #tpu.memory_space<vmem>>, vector<16xf32>,
      %add3A_203 = arith.addf %get3A_200, %get3A_202 : vector<16xf32>
      %ge3A_204 = arith.constant 0.000000e+00 : f32
      %ge3A_205 = vector.broadcast %ge3A_204 : f32 to vector<16xf32>
      %ge3A_206 = arith.cmpf oge, %add3A_203, %ge3A_205 : vector<16xf32>
      %mul3A_207 = arith.constant 2.000000e-01 : f32
      %mul3A_208 = vector.broadcast %mul3A_207 : f32 to vector<16xf32>
      %mul3A_209 = arith.mulf %mul3A_208, %add3A_203 : vector<16xf32>
      %select_n3A_210 = arith.select %ge3A_206, %add3A_203, %mul3A_209 : vector<16xi1>, vector<16xf32>
      %exp3A_211 = math.exp %select_n3A_210 : vector<16xf32>
      %swap3A_212 = arith.constant 48 : index
      %swap3A_213 = tpu.vector_load %arg18[%swap3A_212] {strides = array<i32>} : memref<80xf32, #tpu.memory_space<vmem>>, vector<16xf32>,
      tpu.vector_store %arg18[%swap3A_212], %exp3A_211 {strides = array<i32>} : memref<80xf32, #tpu.memory_space<vmem>>, vector<16xf32>,
      %get3A_214 = arith.constant 64 : index
      %get3A_215 = tpu.vector_load %arg16[%get3A_214] {strides = array<i32>} : memref<80xf32, #tpu.memory_space<vmem>>, vector<16xf32>,
      %get3A_216 = arith.constant 64 : index
      %get3A_217 = tpu.vector_load %arg17[%get3A_216] {strides = array<i32>} : memref<80xf32, #tpu.memory_space<vmem>>, vector<16xf32>,
      %add3A_218 = arith.addf %get3A_215, %get3A_217 : vector<16xf32>
      %ge3A_219 = arith.constant 0.000000e+00 : f32
      %ge3A_220 = vector.broadcast %ge3A_219 : f32 to vector<16xf32>
      %ge3A_221 = arith.cmpf oge, %add3A_218, %ge3A_220 : vector<16xf32>
      %mul3A_222 = arith.constant 2.000000e-01 : f32
      %mul3A_223 = vector.broadcast %mul3A_222 : f32 to vector<16xf32>
      %mul3A_224 = arith.mulf %mul3A_223, %add3A_218 : vector<16xf32>
      %select_n3A_225 = arith.select %ge3A_221, %add3A_218, %mul3A_224 : vector<16xi1>, vector<16xf32>
      %exp3A_226 = math.exp %select_n3A_225 : vector<16xf32>
      %swap3A_227 = arith.constant 64 : index
      %swap3A_228 = tpu.vector_load %arg18[%swap3A_227] {strides = array<i32>} : memref<80xf32, #tpu.memory_space<vmem>>, vector<16xf32>,
      tpu.vector_store %arg18[%swap3A_227], %exp3A_226 {strides = array<i32>} : memref<80xf32, #tpu.memory_space<vmem>>, vector<16xf32>,
      %scan3A_229 = arith.constant 0 : i32
      %scan3A_230 = arith.constant 0 : i32
      %scan3A_231 = arith.constant 80 : i32
      %scan3A_232 = arith.addi %scan3A_230, %scan3A_231 : i32
      %scan3A_233 = arith.constant 1 : i32
      %scan3A_234 = scf.for %scan3A_240 = %scan3A_230 to %scan3A_232 step %scan3A_233 iter_args(%scan3A_241 = %scan3A_229) -> (i32)  : i32 {
        %broadcast_in_dim3A = vector.broadcast %scan3A_240 : i32 to vector<16xi32>
        %gather3A = tpu.vector_load_idx %arg18[%broadcast_in_dim3A] : memref<80xf32, #tpu.memory_space<vmem>>[vector<16xi32>], vector<16xf32>,
        %get3A_242 = arith.index_cast %scan3A_240 : i32 to index
        %get3A_243 = arith.constant 0 : index
        %get3A_244 = tpu.vector_load %arg19[%get3A_242, %get3A_243] {strides = array<i32>} : memref<80x144xf32, #tpu.memory_space<vmem>>, vector<16xf32>,
        %mul3A_245 = arith.mulf %get3A_244, %gather3A : vector<16xf32>
        %swap3A_246 = arith.index_cast %scan3A_240 : i32 to index
        %swap3A_247 = arith.constant 0 : index
        %swap3A_248 = tpu.vector_load %arg19[%swap3A_246, %swap3A_247] {strides = array<i32>} : memref<80x144xf32, #tpu.memory_space<vmem>>, vector<16xf32>,
        tpu.vector_store %arg19[%swap3A_246, %swap3A_247], %mul3A_245 {strides = array<i32>} : memref<80x144xf32, #tpu.memory_space<vmem>>, vector<16xf32>,
        %get3A_249 = arith.index_cast %scan3A_240 : i32 to index
        %get3A_250 = arith.constant 16 : index
        %get3A_251 = tpu.vector_load %arg19[%get3A_249, %get3A_250] {strides = array<i32>} : memref<80x144xf32, #tpu.memory_space<vmem>>, vector<16xf32>,
        %mul3A_252 = arith.mulf %get3A_251, %gather3A : vector<16xf32>
        %swap3A_253 = arith.index_cast %scan3A_240 : i32 to index
        %swap3A_254 = arith.constant 16 : index
        %swap3A_255 = tpu.vector_load %arg19[%swap3A_253, %swap3A_254] {strides = array<i32>} : memref<80x144xf32, #tpu.memory_space<vmem>>, vector<16xf32>,
        tpu.vector_store %arg19[%swap3A_253, %swap3A_254], %mul3A_252 {strides = array<i32>} : memref<80x144xf32, #tpu.memory_space<vmem>>, vector<16xf32>,
        %get3A_256 = arith.index_cast %scan3A_240 : i32 to index
        %get3A_257 = arith.constant 32 : index
        %get3A_258 = tpu.vector_load %arg19[%get3A_256, %get3A_257] {strides = array<i32>} : memref<80x144xf32, #tpu.memory_space<vmem>>, vector<16xf32>,
        %mul3A_259 = arith.mulf %get3A_258, %gather3A : vector<16xf32>
        %swap3A_260 = arith.index_cast %scan3A_240 : i32 to index
        %swap3A_261 = arith.constant 32 : index
        %swap3A_262 = tpu.vector_load %arg19[%swap3A_260, %swap3A_261] {strides = array<i32>} : memref<80x144xf32, #tpu.memory_space<vmem>>, vector<16xf32>,
        tpu.vector_store %arg19[%swap3A_260, %swap3A_261], %mul3A_259 {strides = array<i32>} : memref<80x144xf32, #tpu.memory_space<vmem>>, vector<16xf32>,
        %get3A_263 = arith.index_cast %scan3A_240 : i32 to index
        %get3A_264 = arith.constant 48 : index
        %get3A_265 = tpu.vector_load %arg19[%get3A_263, %get3A_264] {strides = array<i32>} : memref<80x144xf32, #tpu.memory_space<vmem>>, vector<16xf32>,
        %mul3A_266 = arith.mulf %get3A_265, %gather3A : vector<16xf32>
        %swap3A_267 = arith.index_cast %scan3A_240 : i32 to index
        %swap3A_268 = arith.constant 48 : index
        %swap3A_269 = tpu.vector_load %arg19[%swap3A_267, %swap3A_268] {strides = array<i32>} : memref<80x144xf32, #tpu.memory_space<vmem>>, vector<16xf32>,
        tpu.vector_store %arg19[%swap3A_267, %swap3A_268], %mul3A_266 {strides = array<i32>} : memref<80x144xf32, #tpu.memory_space<vmem>>, vector<16xf32>,
        %get3A_270 = arith.index_cast %scan3A_240 : i32 to index
        %get3A_271 = arith.constant 64 : index
        %get3A_272 = tpu.vector_load %arg19[%get3A_270, %get3A_271] {strides = array<i32>} : memref<80x144xf32, #tpu.memory_space<vmem>>, vector<16xf32>,
        %mul3A_273 = arith.mulf %get3A_272, %gather3A : vector<16xf32>
        %swap3A_274 = arith.index_cast %scan3A_240 : i32 to index
        %swap3A_275 = arith.constant 64 : index
        %swap3A_276 = tpu.vector_load %arg19[%swap3A_274, %swap3A_275] {strides = array<i32>} : memref<80x144xf32, #tpu.memory_space<vmem>>, vector<16xf32>,
        tpu.vector_store %arg19[%swap3A_274, %swap3A_275], %mul3A_273 {strides = array<i32>} : memref<80x144xf32, #tpu.memory_space<vmem>>, vector<16xf32>,
        %get3A_277 = arith.index_cast %scan3A_240 : i32 to index
        %get3A_278 = arith.constant 80 : index
        %get3A_279 = tpu.vector_load %arg19[%get3A_277, %get3A_278] {strides = array<i32>} : memref<80x144xf32, #tpu.memory_space<vmem>>, vector<16xf32>,
        %mul3A_280 = arith.mulf %get3A_279, %gather3A : vector<16xf32>
        %swap3A_281 = arith.index_cast %scan3A_240 : i32 to index
        %swap3A_282 = arith.constant 80 : index
        %swap3A_283 = tpu.vector_load %arg19[%swap3A_281, %swap3A_282] {strides = array<i32>} : memref<80x144xf32, #tpu.memory_space<vmem>>, vector<16xf32>,
        tpu.vector_store %arg19[%swap3A_281, %swap3A_282], %mul3A_280 {strides = array<i32>} : memref<80x144xf32, #tpu.memory_space<vmem>>, vector<16xf32>,
        %get3A_284 = arith.index_cast %scan3A_240 : i32 to index
        %get3A_285 = arith.constant 96 : index
        %get3A_286 = tpu.vector_load %arg19[%get3A_284, %get3A_285] {strides = array<i32>} : memref<80x144xf32, #tpu.memory_space<vmem>>, vector<16xf32>,
        %mul3A_287 = arith.mulf %get3A_286, %gather3A : vector<16xf32>
        %swap3A_288 = arith.index_cast %scan3A_240 : i32 to index
        %swap3A_289 = arith.constant 96 : index
        %swap3A_290 = tpu.vector_load %arg19[%swap3A_288, %swap3A_289] {strides = array<i32>} : memref<80x144xf32, #tpu.memory_space<vmem>>, vector<16xf32>,
        tpu.vector_store %arg19[%swap3A_288, %swap3A_289], %mul3A_287 {strides = array<i32>} : memref<80x144xf32, #tpu.memory_space<vmem>>, vector<16xf32>,
        %get3A_291 = arith.index_cast %scan3A_240 : i32 to index
        %get3A_292 = arith.constant 112 : index
        %get3A_293 = tpu.vector_load %arg19[%get3A_291, %get3A_292] {strides = array<i32>} : memref<80x144xf32, #tpu.memory_space<vmem>>, vector<16xf32>,
        %mul3A_294 = arith.mulf %get3A_293, %gather3A : vector<16xf32>
        %swap3A_295 = arith.index_cast %scan3A_240 : i32 to index
        %swap3A_296 = arith.constant 112 : index
        %swap3A_297 = tpu.vector_load %arg19[%swap3A_295, %swap3A_296] {strides = array<i32>} : memref<80x144xf32, #tpu.memory_space<vmem>>, vector<16xf32>,
        tpu.vector_store %arg19[%swap3A_295, %swap3A_296], %mul3A_294 {strides = array<i32>} : memref<80x144xf32, #tpu.memory_space<vmem>>, vector<16xf32>,
        %get3A_298 = arith.index_cast %scan3A_240 : i32 to index
        %get3A_299 = arith.constant 128 : index
        %get3A_300 = tpu.vector_load %arg19[%get3A_298, %get3A_299] {strides = array<i32>} : memref<80x144xf32, #tpu.memory_space<vmem>>, vector<16xf32>,
        %mul3A_301 = arith.mulf %get3A_300, %gather3A : vector<16xf32>
        %swap3A_302 = arith.index_cast %scan3A_240 : i32 to index
        %swap3A_303 = arith.constant 128 : index
        %swap3A_304 = tpu.vector_load %arg19[%swap3A_302, %swap3A_303] {strides = array<i32>} : memref<80x144xf32, #tpu.memory_space<vmem>>, vector<16xf32>,
        tpu.vector_store %arg19[%swap3A_302, %swap3A_303], %mul3A_301 {strides = array<i32>} : memref<80x144xf32, #tpu.memory_space<vmem>>, vector<16xf32>,
        %scan3A_305 = arith.constant 0 : i32
        scf.yield %scan3A_305 : i32
      }
      %scan3A_235 = arith.constant 80 : i32
      %dma_start3A_236 = arith.constant 0 : i32
      %dma_start3A_237 = arith.constant 0 : i32
      %dma_start3A_238 = tpu.memref_slice %arg21[%dma_start3A_236, %dma_start3A_237] : memref<10240x144xf32, #tpu.memory_space<vmem_shared>> -> memref<10240x144xf32, #tpu.memory_space<vmem_shared>>
      tpu.enqueue_indirect_dma source(%arg19 : memref<80x144xf32, #tpu.memory_space<vmem>>) target(%dma_start3A_238 : memref<10240x144xf32, #tpu.memory_space<vmem_shared>>) offsets(%arg15 : memref<80xi32, #tpu.memory_space<vmem>>) semaphore(%arg25 : memref<!tpu.dma_semaphore, #tpu.memory_space<semaphore_mem>>) {add = true}
      %scan3A_239 = arith.constant 0 : i32
      scf.yield %scan3A_239 : i32
    }
    %scan3A_30 = arith.constant 125 : i32
    %dma_wait3A = arith.constant 0 : i32
    %dma_wait3A_31 = arith.constant 0 : i32
    %dma_wait3A_32 = tpu.memref_slice %arg21[%dma_wait3A, %dma_wait3A_31] : memref<10240x144xf32, #tpu.memory_space<vmem_shared>> -> memref<10240x144xf32, #tpu.memory_space<vmem_shared>>
    tpu.wait_indirect_dma semaphore(%arg24 : memref<!tpu.dma_semaphore, #tpu.memory_space<semaphore_mem>>) src(%arg13 : memref<80x144xf32, #tpu.memory_space<vmem>>) dst(%dma_wait3A_32 : memref<10240x144xf32, #tpu.memory_space<vmem_shared>>)
    %dma_wait3A_33 = arith.constant 0 : i32
    %dma_wait3A_34 = arith.constant 0 : i32
    %dma_wait3A_35 = tpu.memref_slice %arg21[%dma_wait3A_33, %dma_wait3A_34] : memref<10240x144xf32, #tpu.memory_space<vmem_shared>> -> memref<10240x144xf32, #tpu.memory_space<vmem_shared>>
    tpu.wait_indirect_dma semaphore(%arg25 : memref<!tpu.dma_semaphore, #tpu.memory_space<semaphore_mem>>) src(%arg19 : memref<80x144xf32, #tpu.memory_space<vmem>>) dst(%dma_wait3A_35 : memref<10240x144xf32, #tpu.memory_space<vmem_shared>>)
    %barrier3A_36 = arith.constant 0 : index
    tpu.barrier barrier_id(%barrier3A_36)
    %mul3A_37 = arith.constant 640 : i32
    %mul3A_38 = arith.muli %arg1, %mul3A_37 : i32
    "tpu.region"() ({
      %run_scoped3A = tpu.sem_alloc : memref<!tpu.dma_semaphore, #tpu.memory_space<semaphore_mem>>
      %dma_start3A_39 = arith.constant 0 : i32
      %dma_start3A_40 = tpu.memref_slice %arg7[%arg0, %mul3A_38, %dma_start3A_39] : memref<2x10240x144xf32, #tpu.memory_space<hbm>> -> memref<1x640x144xf32, #tpu.memory_space<hbm>>
      %dma_start3A_41 = tpu.memref_squeeze %dma_start3A_40 : memref<1x640x144xf32, #tpu.memory_space<hbm>> -> memref<640x144xf32, #tpu.memory_space<hbm>>
      %dma_start3A_42 = arith.constant 0 : i32
      %dma_start3A_43 = tpu.memref_slice %arg21[%mul3A_38, %dma_start3A_42] : memref<10240x144xf32, #tpu.memory_space<vmem_shared>> -> memref<640x144xf32, #tpu.memory_space<vmem_shared>>
      tpu.enqueue_dma source(%dma_start3A_43 : memref<640x144xf32, #tpu.memory_space<vmem_shared>>) target(%dma_start3A_41 : memref<640x144xf32, #tpu.memory_space<hbm>>) target_semaphore(%run_scoped3A : memref<!tpu.dma_semaphore, #tpu.memory_space<semaphore_mem>>)
      %dma_wait3A_44 = arith.constant 0 : i32
      %dma_wait3A_45 = tpu.memref_slice %arg7[%arg0, %mul3A_38, %dma_wait3A_44] : memref<2x10240x144xf32, #tpu.memory_space<hbm>> -> memref<1x640x144xf32, #tpu.memory_space<hbm>>
      %dma_wait3A_46 = tpu.memref_squeeze %dma_wait3A_45 : memref<1x640x144xf32, #tpu.memory_space<hbm>> -> memref<640x144xf32, #tpu.memory_space<hbm>>
      %dma_wait3A_47 = arith.constant 0 : i32
      %dma_wait3A_48 = tpu.memref_slice %arg21[%mul3A_38, %dma_wait3A_47] : memref<10240x144xf32, #tpu.memory_space<vmem_shared>> -> memref<640x144xf32, #tpu.memory_space<vmem_shared>>
      tpu.wait_dma2 semaphore(%run_scoped3A : memref<!tpu.dma_semaphore, #tpu.memory_space<semaphore_mem>>) src(%dma_wait3A_48 : memref<640x144xf32, #tpu.memory_space<vmem_shared>>) dst(%dma_wait3A_46 : memref<640x144xf32, #tpu.memory_space<hbm>>)
      tpu.yield
    }) : () -> ()
    return
  }
}

module attributes {stable_mosaic.version = 14 : i64} {
  func.func @_tc_prep_kernel(%arg0: i32, %arg1: memref<1024x128xf32, #tpu.memory_space<vmem>>, %arg2: memref<128x128xf32, #tpu.memory_space<vmem>>, %arg3: memref<128xf32, #tpu.memory_space<vmem>>, %arg4: memref<128xf32, #tpu.memory_space<vmem>>, %arg5: memref<1024xf32, #tpu.memory_space<vmem>>, %arg6: memref<1024xf32, #tpu.memory_space<vmem>>, %arg7: memref<1024x144xf32, #tpu.memory_space<vmem>>) attributes {dimension_semantics = [#tpu.dimension_semantics<arbitrary>], iteration_bounds = array<i64: 10>, scalar_prefetch = 0 : i64, scratch_operands = 0 : i64, tpu.core_type = #tpu.core_type<tc>, window_params = [{transform_indices = @transform_0, window_bounds = array<i64: 1024, 128>}, {pipeline_mode = #tpu.pipeline_mode<synchronous>, transform_indices = @transform_1, window_bounds = array<i64: 128, 128>}, {pipeline_mode = #tpu.pipeline_mode<synchronous>, transform_indices = @transform_2, window_bounds = array<i64: 128>}, {pipeline_mode = #tpu.pipeline_mode<synchronous>, transform_indices = @transform_3, window_bounds = array<i64: 128>}, {transform_indices = @transform_4, window_bounds = array<i64: 1024>}, {transform_indices = @transform_5, window_bounds = array<i64: 1024>}, {transform_indices = @transform_6, window_bounds = array<i64: 1024, 144>}]} {
    %get3A = arith.constant 0 : index
    %get3A_0 = arith.constant 0 : index
    %get3A_1 = vector.load %arg1[%get3A, %get3A_0] : memref<1024x128xf32, #tpu.memory_space<vmem>>, vector<1024x128xf32>
    %get3A_2 = arith.constant 0 : index
    %get3A_3 = arith.constant 0 : index
    %get3A_4 = vector.load %arg2[%get3A_2, %get3A_3] : memref<128x128xf32, #tpu.memory_space<vmem>>, vector<128x128xf32>
    %dot_general3A = arith.constant dense<0.000000e+00> : vector<1024x128xf32>
    %dot_general3A_5 = tpu.matmul %get3A_1, %get3A_4, %dot_general3A {dimension_numbers = #tpu.dot_dimension_numbers<[1], [0], [0], [1], [0, 0, 1, 1], [], []>, transpose_lhs_hint = false} : vector<1024x128xf32>, vector<128x128xf32>, vector<1024x128xf32> -> vector<1024x128xf32>
    %get3A_6 = arith.constant 0 : index
    %get3A_7 = vector.load %arg3[%get3A_6] : memref<128xf32, #tpu.memory_space<vmem>>, vector<128xf32>
    %broadcast_in_dim3A = vector.shape_cast %get3A_7 : vector<128xf32> to vector<1x128xf32>
    %mul3A = vector.broadcast %broadcast_in_dim3A : vector<1x128xf32> to vector<1024x128xf32>
    %mul3A_8 = arith.mulf %dot_general3A_5, %mul3A : vector<1024x128xf32>
    %reduce_sum3A = arith.constant dense<0.000000e+00> : vector<1024xf32>
    %reduce_sum3A_9 = vector.multi_reduction <add>, %mul3A_8, %reduce_sum3A [1] : vector<1024x128xf32> to vector<1024xf32>
    %swap3A = arith.constant 0 : index
    %swap3A_10 = vector.load %arg5[%swap3A] : memref<1024xf32, #tpu.memory_space<vmem>>, vector<1024xf32>
    tpu.vector_store %arg5[%swap3A], %reduce_sum3A_9 {strides = array<i32>} : memref<1024xf32, #tpu.memory_space<vmem>>, vector<1024xf32>,
    %get3A_11 = arith.constant 0 : index
    %get3A_12 = vector.load %arg4[%get3A_11] : memref<128xf32, #tpu.memory_space<vmem>>, vector<128xf32>
    %broadcast_in_dim3A_13 = vector.shape_cast %get3A_12 : vector<128xf32> to vector<1x128xf32>
    %mul3A_14 = vector.broadcast %broadcast_in_dim3A_13 : vector<1x128xf32> to vector<1024x128xf32>
    %mul3A_15 = arith.mulf %dot_general3A_5, %mul3A_14 : vector<1024x128xf32>
    %reduce_sum3A_16 = arith.constant dense<0.000000e+00> : vector<1024xf32>
    %reduce_sum3A_17 = vector.multi_reduction <add>, %mul3A_15, %reduce_sum3A_16 [1] : vector<1024x128xf32> to vector<1024xf32>
    %swap3A_18 = arith.constant 0 : index
    %swap3A_19 = vector.load %arg6[%swap3A_18] : memref<1024xf32, #tpu.memory_space<vmem>>, vector<1024xf32>
    tpu.vector_store %arg6[%swap3A_18], %reduce_sum3A_17 {strides = array<i32>} : memref<1024xf32, #tpu.memory_space<vmem>>, vector<1024xf32>,
    %swap3A_20 = arith.constant 0 : index
    %swap3A_21 = arith.constant 0 : index
    %swap3A_22 = vector.load %arg7[%swap3A_20, %swap3A_21] : memref<1024x144xf32, #tpu.memory_space<vmem>>, vector<1024x128xf32>
    tpu.vector_store %arg7[%swap3A_20, %swap3A_21], %dot_general3A_5 {strides = array<i32>} : memref<1024x144xf32, #tpu.memory_space<vmem>>, vector<1024x128xf32>,
    %iota3A = tpu.iota {dimensions = array<i32: 1>} : vector<1024x16xi32>
    %eq3A = arith.constant 0 : i32
    %eq3A_23 = vector.broadcast %eq3A : i32 to vector<1024x16xi32>
    %eq3A_24 = arith.cmpi eq, %iota3A, %eq3A_23 : vector<1024x16xi32>
    %jit3A = arith.constant 1.000000e+00 : f32
    %jit3A_25 = arith.constant 0.000000e+00 : f32
    %broadcast_in_dim3A_26 = vector.broadcast %jit3A : f32 to vector<1024x16xf32>
    %broadcast_in_dim3A_27 = vector.broadcast %jit3A_25 : f32 to vector<1024x16xf32>
    %select_n3A = arith.select %eq3A_24, %broadcast_in_dim3A_26, %broadcast_in_dim3A_27 : vector<1024x16xi1>, vector<1024x16xf32>
    %swap3A_28 = arith.constant 0 : index
    %swap3A_29 = arith.constant 128 : index
    %swap3A_30 = vector.load %arg7[%swap3A_28, %swap3A_29] : memref<1024x144xf32, #tpu.memory_space<vmem>>, vector<1024x16xf32>
    tpu.vector_store %arg7[%swap3A_28, %swap3A_29], %select_n3A {strides = array<i32>} : memref<1024x144xf32, #tpu.memory_space<vmem>>, vector<1024x16xf32>,
    return
  }
  func.func @transform_0(%arg0: i32) -> (i32, i32) {
    %c0_i32 = arith.constant 0 : i32
    %c0_i32_0 = arith.constant 0 : i32
    return %arg0, %c0_i32 : i32, i32
  }
  func.func @transform_1(%arg0: i32) -> (i32, i32) {
    %c0_i32 = arith.constant 0 : i32
    %c0_i32_0 = arith.constant 0 : i32
    %c0_i32_1 = arith.constant 0 : i32
    return %c0_i32, %c0_i32_0 : i32, i32
  }
  func.func @transform_2(%arg0: i32) -> i32 {
    %c0_i32 = arith.constant 0 : i32
    %c0_i32_0 = arith.constant 0 : i32
    return %c0_i32 : i32
  }
  func.func @transform_3(%arg0: i32) -> i32 {
    %c0_i32 = arith.constant 0 : i32
    %c0_i32_0 = arith.constant 0 : i32
    return %c0_i32 : i32
  }
  func.func @transform_4(%arg0: i32) -> i32 {
    %c0_i32 = arith.constant 0 : i32
    return %arg0 : i32
  }
  func.func @transform_5(%arg0: i32) -> i32 {
    %c0_i32 = arith.constant 0 : i32
    return %arg0 : i32
  }
  func.func @transform_6(%arg0: i32) -> (i32, i32) {
    %c0_i32 = arith.constant 0 : i32
    %c0_i32_0 = arith.constant 0 : i32
    return %arg0, %c0_i32 : i32, i32
  }
}

module attributes {stable_mosaic.version = 14 : i64} {
  func.func @_tc_mid_kernel(%arg0: i32, %arg1: memref<2x1024x144xf32, #tpu.memory_space<vmem>>, %arg2: memref<128xf32, #tpu.memory_space<vmem>>, %arg3: memref<128x128xf32, #tpu.memory_space<vmem>>, %arg4: memref<128xf32, #tpu.memory_space<vmem>>, %arg5: memref<128xf32, #tpu.memory_space<vmem>>, %arg6: memref<1024xf32, #tpu.memory_space<vmem>>, %arg7: memref<1024xf32, #tpu.memory_space<vmem>>, %arg8: memref<1024x144xf32, #tpu.memory_space<vmem>>) attributes {dimension_semantics = [#tpu.dimension_semantics<arbitrary>], iteration_bounds = array<i64: 10>, scalar_prefetch = 0 : i64, scratch_operands = 0 : i64, tpu.core_type = #tpu.core_type<tc>, window_params = [{transform_indices = @transform_0, window_bounds = array<i64: 2, 1024, 144>}, {pipeline_mode = #tpu.pipeline_mode<synchronous>, transform_indices = @transform_1, window_bounds = array<i64: 128>}, {pipeline_mode = #tpu.pipeline_mode<synchronous>, transform_indices = @transform_2, window_bounds = array<i64: 128, 128>}, {pipeline_mode = #tpu.pipeline_mode<synchronous>, transform_indices = @transform_3, window_bounds = array<i64: 128>}, {pipeline_mode = #tpu.pipeline_mode<synchronous>, transform_indices = @transform_4, window_bounds = array<i64: 128>}, {transform_indices = @transform_5, window_bounds = array<i64: 1024>}, {transform_indices = @transform_6, window_bounds = array<i64: 1024>}, {transform_indices = @transform_7, window_bounds = array<i64: 1024, 144>}]} {
    %get3A = arith.constant 0 : index
    %get3A_0 = arith.constant 0 : index
    %get3A_1 = arith.constant 0 : index
    %get3A_2 = vector.load %arg1[%get3A, %get3A_0, %get3A_1] : memref<2x1024x144xf32, #tpu.memory_space<vmem>>, vector<1x1024x144xf32>
    %get3A_3 = vector.shape_cast %get3A_2 : vector<1x1024x144xf32> to vector<1024x144xf32>
    %get3A_4 = arith.constant 1 : index
    %get3A_5 = arith.constant 0 : index
    %get3A_6 = arith.constant 0 : index
    %get3A_7 = vector.load %arg1[%get3A_4, %get3A_5, %get3A_6] : memref<2x1024x144xf32, #tpu.memory_space<vmem>>, vector<1x1024x144xf32>
    %get3A_8 = vector.shape_cast %get3A_7 : vector<1x1024x144xf32> to vector<1024x144xf32>
    %add3A = arith.addf %get3A_3, %get3A_8 : vector<1024x144xf32>
    %slice3A = vector.extract_strided_slice %add3A {offsets = [0, 128], sizes = [1024, 1], strides = [1, 1]} : vector<1024x144xf32> to vector<1024x1xf32>
    %add3A_9 = arith.constant 1.000000e-16 : f32
    %add3A_10 = vector.broadcast %add3A_9 : f32 to vector<1024x1xf32>
    %add3A_11 = arith.addf %slice3A, %add3A_10 : vector<1024x1xf32>
    %slice3A_12 = vector.extract_strided_slice %add3A {offsets = [0, 0], sizes = [1024, 128], strides = [1, 1]} : vector<1024x144xf32> to vector<1024x128xf32>
    %div3A = vector.broadcast %add3A_11 : vector<1024x1xf32> to vector<1024x128xf32>
    %div3A_13 = arith.divf %slice3A_12, %div3A : vector<1024x128xf32>
    %get3A_14 = arith.constant 0 : index
    %get3A_15 = vector.load %arg2[%get3A_14] : memref<128xf32, #tpu.memory_space<vmem>>, vector<128xf32>
    %broadcast_in_dim3A = vector.shape_cast %get3A_15 : vector<128xf32> to vector<1x128xf32>
    %add3A_16 = vector.broadcast %broadcast_in_dim3A : vector<1x128xf32> to vector<1024x128xf32>
    %add3A_17 = arith.addf %div3A_13, %add3A_16 : vector<1024x128xf32>
    %max3A = arith.constant 0.000000e+00 : f32
    %max3A_18 = vector.broadcast %max3A : f32 to vector<1024x128xf32>
    %max3A_19 = arith.maximumf %add3A_17, %max3A_18 : vector<1024x128xf32>
    %get3A_20 = arith.constant 0 : index
    %get3A_21 = arith.constant 0 : index
    %get3A_22 = vector.load %arg3[%get3A_20, %get3A_21] : memref<128x128xf32, #tpu.memory_space<vmem>>, vector<128x128xf32>
    %dot_general3A = arith.constant dense<0.000000e+00> : vector<1024x128xf32>
    %dot_general3A_23 = tpu.matmul %max3A_19, %get3A_22, %dot_general3A {dimension_numbers = #tpu.dot_dimension_numbers<[1], [0], [0], [1], [0, 0, 1, 1], [], []>, transpose_lhs_hint = false} : vector<1024x128xf32>, vector<128x128xf32>, vector<1024x128xf32> -> vector<1024x128xf32>
    %get3A_24 = arith.constant 0 : index
    %get3A_25 = vector.load %arg4[%get3A_24] : memref<128xf32, #tpu.memory_space<vmem>>, vector<128xf32>
    %broadcast_in_dim3A_26 = vector.shape_cast %get3A_25 : vector<128xf32> to vector<1x128xf32>
    %mul3A = vector.broadcast %broadcast_in_dim3A_26 : vector<1x128xf32> to vector<1024x128xf32>
    %mul3A_27 = arith.mulf %dot_general3A_23, %mul3A : vector<1024x128xf32>
    %reduce_sum3A = arith.constant dense<0.000000e+00> : vector<1024xf32>
    %reduce_sum3A_28 = vector.multi_reduction <add>, %mul3A_27, %reduce_sum3A [1] : vector<1024x128xf32> to vector<1024xf32>
    %swap3A = arith.constant 0 : index
    %swap3A_29 = vector.load %arg6[%swap3A] : memref<1024xf32, #tpu.memory_space<vmem>>, vector<1024xf32>
    tpu.vector_store %arg6[%swap3A], %reduce_sum3A_28 {strides = array<i32>} : memref<1024xf32, #tpu.memory_space<vmem>>, vector<1024xf32>,
    %get3A_30 = arith.constant 0 : index
    %get3A_31 = vector.load %arg5[%get3A_30] : memref<128xf32, #tpu.memory_space<vmem>>, vector<128xf32>
    %broadcast_in_dim3A_32 = vector.shape_cast %get3A_31 : vector<128xf32> to vector<1x128xf32>
    %mul3A_33 = vector.broadcast %broadcast_in_dim3A_32 : vector<1x128xf32> to vector<1024x128xf32>
    %mul3A_34 = arith.mulf %dot_general3A_23, %mul3A_33 : vector<1024x128xf32>
    %reduce_sum3A_35 = arith.constant dense<0.000000e+00> : vector<1024xf32>
    %reduce_sum3A_36 = vector.multi_reduction <add>, %mul3A_34, %reduce_sum3A_35 [1] : vector<1024x128xf32> to vector<1024xf32>
    %swap3A_37 = arith.constant 0 : index
    %swap3A_38 = vector.load %arg7[%swap3A_37] : memref<1024xf32, #tpu.memory_space<vmem>>, vector<1024xf32>
    tpu.vector_store %arg7[%swap3A_37], %reduce_sum3A_36 {strides = array<i32>} : memref<1024xf32, #tpu.memory_space<vmem>>, vector<1024xf32>,
    %swap3A_39 = arith.constant 0 : index
    %swap3A_40 = arith.constant 0 : index
    %swap3A_41 = vector.load %arg8[%swap3A_39, %swap3A_40] : memref<1024x144xf32, #tpu.memory_space<vmem>>, vector<1024x128xf32>
    tpu.vector_store %arg8[%swap3A_39, %swap3A_40], %dot_general3A_23 {strides = array<i32>} : memref<1024x144xf32, #tpu.memory_space<vmem>>, vector<1024x128xf32>,
    %iota3A = tpu.iota {dimensions = array<i32: 1>} : vector<1024x16xi32>
    %eq3A = arith.constant 0 : i32
    %eq3A_42 = vector.broadcast %eq3A : i32 to vector<1024x16xi32>
    %eq3A_43 = arith.cmpi eq, %iota3A, %eq3A_42 : vector<1024x16xi32>
    %jit3A = arith.constant 1.000000e+00 : f32
    %jit3A_44 = arith.constant 0.000000e+00 : f32
    %broadcast_in_dim3A_45 = vector.broadcast %jit3A : f32 to vector<1024x16xf32>
    %broadcast_in_dim3A_46 = vector.broadcast %jit3A_44 : f32 to vector<1024x16xf32>
    %select_n3A = arith.select %eq3A_43, %broadcast_in_dim3A_45, %broadcast_in_dim3A_46 : vector<1024x16xi1>, vector<1024x16xf32>
    %swap3A_47 = arith.constant 0 : index
    %swap3A_48 = arith.constant 128 : index
    %swap3A_49 = vector.load %arg8[%swap3A_47, %swap3A_48] : memref<1024x144xf32, #tpu.memory_space<vmem>>, vector<1024x16xf32>
    tpu.vector_store %arg8[%swap3A_47, %swap3A_48], %select_n3A {strides = array<i32>} : memref<1024x144xf32, #tpu.memory_space<vmem>>, vector<1024x16xf32>,
    return
  }
  func.func @transform_0(%arg0: i32) -> (i32, i32, i32) {
    %c0_i32 = arith.constant 0 : i32
    %c0_i32_0 = arith.constant 0 : i32
    %c0_i32_1 = arith.constant 0 : i32
    return %c0_i32, %arg0, %c0_i32_0 : i32, i32, i32
  }
  func.func @transform_1(%arg0: i32) -> i32 {
    %c0_i32 = arith.constant 0 : i32
    %c0_i32_0 = arith.constant 0 : i32
    return %c0_i32 : i32
  }
  func.func @transform_2(%arg0: i32) -> (i32, i32) {
    %c0_i32 = arith.constant 0 : i32
    %c0_i32_0 = arith.constant 0 : i32
    %c0_i32_1 = arith.constant 0 : i32
    return %c0_i32, %c0_i32_0 : i32, i32
  }
  func.func @transform_3(%arg0: i32) -> i32 {
    %c0_i32 = arith.constant 0 : i32
    %c0_i32_0 = arith.constant 0 : i32
    return %c0_i32 : i32
  }
  func.func @transform_4(%arg0: i32) -> i32 {
    %c0_i32 = arith.constant 0 : i32
    %c0_i32_0 = arith.constant 0 : i32
    return %c0_i32 : i32
  }
  func.func @transform_5(%arg0: i32) -> i32 {
    %c0_i32 = arith.constant 0 : i32
    return %arg0 : i32
  }
  func.func @transform_6(%arg0: i32) -> i32 {
    %c0_i32 = arith.constant 0 : i32
    return %arg0 : i32
  }
  func.func @transform_7(%arg0: i32) -> (i32, i32) {
    %c0_i32 = arith.constant 0 : i32
    %c0_i32_0 = arith.constant 0 : i32
    return %arg0, %c0_i32 : i32, i32
  }
}

module attributes {stable_mosaic.version = 14 : i64} {
  func.func @_tc_head_kernel(%arg0: i32, %arg1: memref<2x1024x144xf32, #tpu.memory_space<vmem>>, %arg2: memref<128xf32, #tpu.memory_space<vmem>>, %arg3: memref<1024xi32, #tpu.memory_space<vmem>>, %arg4: memref<64x480xf32, #tpu.memory_space<vmem>>, %arg5: memref<256x480xf32, #tpu.memory_space<vmem>>, %arg6: memref<256xf32, #tpu.memory_space<vmem>>, %arg7: memref<256xf32, #tpu.memory_space<vmem>>, %arg8: memref<256x480xf32, #tpu.memory_space<vmem>>, %arg9: memref<256xf32, #tpu.memory_space<vmem>>, %arg10: memref<256xf32, #tpu.memory_space<vmem>>, %arg11: memref<64x8xf32, #tpu.memory_space<vmem>>, %arg12: memref<8x64xf32, #tpu.memory_space<vmem>>, %arg13: memref<64xf32, #tpu.memory_space<vmem>>, %arg14: memref<64xf32, #tpu.memory_space<vmem>>, %arg15: memref<64xf32, #tpu.memory_space<vmem>>, %arg16: memref<320x256xf32, #tpu.memory_space<vmem>>, %arg17: memref<256xf32, #tpu.memory_space<vmem>>, %arg18: memref<256xf32, #tpu.memory_space<vmem>>, %arg19: memref<256xf32, #tpu.memory_space<vmem>>, %arg20: memref<256x128xf32, #tpu.memory_space<vmem>>, %arg21: memref<128xf32, #tpu.memory_space<vmem>>, %arg22: memref<128x128xf32, #tpu.memory_space<vmem>>, %arg23: memref<128xf32, #tpu.memory_space<vmem>>, %arg24: memref<64x128xf32, #tpu.memory_space<vmem>>, %arg25: memref<64x128xf32, #tpu.memory_space<vmem>>, %arg26: memref<64x128xf32, #tpu.memory_space<vmem>>) attributes {dimension_semantics = [#tpu.dimension_semantics<arbitrary>], iteration_bounds = array<i64: 10>, scalar_prefetch = 0 : i64, scratch_operands = 2 : i64, tpu.core_type = #tpu.core_type<tc>, window_params = [{transform_indices = @transform_0, window_bounds = array<i64: 2, 1024, 144>}, {pipeline_mode = #tpu.pipeline_mode<synchronous>, transform_indices = @transform_1, window_bounds = array<i64: 128>}, {transform_indices = @transform_2, window_bounds = array<i64: 1024>}, {pipeline_mode = #tpu.pipeline_mode<synchronous>, transform_indices = @transform_3, window_bounds = array<i64: 64, 480>}, {pipeline_mode = #tpu.pipeline_mode<synchronous>, transform_indices = @transform_4, window_bounds = array<i64: 256, 480>}, {pipeline_mode = #tpu.pipeline_mode<synchronous>, transform_indices = @transform_5, window_bounds = array<i64: 256>}, {pipeline_mode = #tpu.pipeline_mode<synchronous>, transform_indices = @transform_6, window_bounds = array<i64: 256>}, {pipeline_mode = #tpu.pipeline_mode<synchronous>, transform_indices = @transform_7, window_bounds = array<i64: 256, 480>}, {pipeline_mode = #tpu.pipeline_mode<synchronous>, transform_indices = @transform_8, window_bounds = array<i64: 256>}, {pipeline_mode = #tpu.pipeline_mode<synchronous>, transform_indices = @transform_9, window_bounds = array<i64: 256>}, {pipeline_mode = #tpu.pipeline_mode<synchronous>, transform_indices = @transform_10, window_bounds = array<i64: 64, 8>}, {pipeline_mode = #tpu.pipeline_mode<synchronous>, transform_indices = @transform_11, window_bounds = array<i64: 8, 64>}, {pipeline_mode = #tpu.pipeline_mode<synchronous>, transform_indices = @transform_12, window_bounds = array<i64: 64>}, {pipeline_mode = #tpu.pipeline_mode<synchronous>, transform_indices = @transform_13, window_bounds = array<i64: 64>}, {pipeline_mode = #tpu.pipeline_mode<synchronous>, transform_indices = @transform_14, window_bounds = array<i64: 64>}, {pipeline_mode = #tpu.pipeline_mode<synchronous>, transform_indices = @transform_15, window_bounds = array<i64: 320, 256>}, {pipeline_mode = #tpu.pipeline_mode<synchronous>, transform_indices = @transform_16, window_bounds = array<i64: 256>}, {pipeline_mode = #tpu.pipeline_mode<synchronous>, transform_indices = @transform_17, window_bounds = array<i64: 256>}, {pipeline_mode = #tpu.pipeline_mode<synchronous>, transform_indices = @transform_18, window_bounds = array<i64: 256>}, {pipeline_mode = #tpu.pipeline_mode<synchronous>, transform_indices = @transform_19, window_bounds = array<i64: 256, 128>}, {pipeline_mode = #tpu.pipeline_mode<synchronous>, transform_indices = @transform_20, window_bounds = array<i64: 128>}, {pipeline_mode = #tpu.pipeline_mode<synchronous>, transform_indices = @transform_21, window_bounds = array<i64: 128, 128>}, {pipeline_mode = #tpu.pipeline_mode<synchronous>, transform_indices = @transform_22, window_bounds = array<i64: 128>}, {pipeline_mode = #tpu.pipeline_mode<synchronous>, transform_indices = @transform_23, window_bounds = array<i64: 64, 128>}]} {
    %get3A = arith.constant 0 : index
    %get3A_0 = arith.constant 0 : index
    %get3A_1 = arith.constant 0 : index
    %get3A_2 = vector.load %arg1[%get3A, %get3A_0, %get3A_1] : memref<2x1024x144xf32, #tpu.memory_space<vmem>>, vector<1x1024x144xf32>
    %get3A_3 = vector.shape_cast %get3A_2 : vector<1x1024x144xf32> to vector<1024x144xf32>
    %get3A_4 = arith.constant 1 : index
    %get3A_5 = arith.constant 0 : index
    %get3A_6 = arith.constant 0 : index
    %get3A_7 = vector.load %arg1[%get3A_4, %get3A_5, %get3A_6] : memref<2x1024x144xf32, #tpu.memory_space<vmem>>, vector<1x1024x144xf32>
    %get3A_8 = vector.shape_cast %get3A_7 : vector<1x1024x144xf32> to vector<1024x144xf32>
    %add3A = arith.addf %get3A_3, %get3A_8 : vector<1024x144xf32>
    %slice3A = vector.extract_strided_slice %add3A {offsets = [0, 128], sizes = [1024, 1], strides = [1, 1]} : vector<1024x144xf32> to vector<1024x1xf32>
    %add3A_9 = arith.constant 1.000000e-16 : f32
    %add3A_10 = vector.broadcast %add3A_9 : f32 to vector<1024x1xf32>
    %add3A_11 = arith.addf %slice3A, %add3A_10 : vector<1024x1xf32>
    %slice3A_12 = vector.extract_strided_slice %add3A {offsets = [0, 0], sizes = [1024, 128], strides = [1, 1]} : vector<1024x144xf32> to vector<1024x128xf32>
    %div3A = vector.broadcast %add3A_11 : vector<1024x1xf32> to vector<1024x128xf32>
    %div3A_13 = arith.divf %slice3A_12, %div3A : vector<1024x128xf32>
    %get3A_14 = arith.constant 0 : index
    %get3A_15 = vector.load %arg2[%get3A_14] : memref<128xf32, #tpu.memory_space<vmem>>, vector<128xf32>
    %broadcast_in_dim3A = vector.shape_cast %get3A_15 : vector<128xf32> to vector<1x128xf32>
    %add3A_16 = vector.broadcast %broadcast_in_dim3A : vector<1x128xf32> to vector<1024x128xf32>
    %add3A_17 = arith.addf %div3A_13, %add3A_16 : vector<1024x128xf32>
    %max3A = arith.constant 0.000000e+00 : f32
    %max3A_18 = vector.broadcast %max3A : f32 to vector<1024x128xf32>
    %max3A_19 = arith.maximumf %add3A_17, %max3A_18 : vector<1024x128xf32>
    %iota3A = tpu.iota {dimensions = array<i32: 1>} : vector<1024x64xi32>
    %get3A_20 = arith.constant 0 : index
    %get3A_21 = vector.load %arg3[%get3A_20] : memref<1024xi32, #tpu.memory_space<vmem>>, vector<1024xi32>
    %broadcast_in_dim3A_22 = vector.shape_cast %get3A_21 : vector<1024xi32> to vector<1024x1xi32>
    %eq3A = vector.broadcast %broadcast_in_dim3A_22 : vector<1024x1xi32> to vector<1024x64xi32>
    %eq3A_23 = arith.cmpi eq, %eq3A, %iota3A : vector<1024x64xi32>
    %convert_element_type3A = arith.extui %eq3A_23 : vector<1024x64xi1> to vector<1024x64xi32>
    %convert_element_type3A_24 = arith.sitofp %convert_element_type3A : vector<1024x64xi32> to vector<1024x64xf32>
    %dot_general3A = arith.constant dense<0.000000e+00> : vector<64x128xf32>
    %dot_general3A_25 = tpu.matmul %convert_element_type3A_24, %max3A_19, %dot_general3A {dimension_numbers = #tpu.dot_dimension_numbers<[0], [0], [1], [1], [0, 1, 1, 1], [], []>, transpose_lhs_hint = false} : vector<1024x64xf32>, vector<1024x128xf32>, vector<64x128xf32> -> vector<64x128xf32>
    %reduce_sum3A = arith.constant dense<0.000000e+00> : vector<64xf32>
    %reduce_sum3A_26 = vector.multi_reduction <add>, %convert_element_type3A_24, %reduce_sum3A [0] : vector<1024x64xf32> to vector<64xf32>
    %broadcast_in_dim3A_27 = vector.shape_cast %reduce_sum3A_26 : vector<64xf32> to vector<64x1xf32>
    %broadcast_in_dim3A_28 = arith.constant 1.000000e+00 : f32
    %broadcast_in_dim3A_29 = vector.broadcast %broadcast_in_dim3A_28 : f32 to vector<1x128xf32>
    %mul3A = vector.broadcast %broadcast_in_dim3A_27 : vector<64x1xf32> to vector<64x128xf32>
    %mul3A_30 = vector.broadcast %broadcast_in_dim3A_29 : vector<1x128xf32> to vector<64x128xf32>
    %mul3A_31 = arith.mulf %mul3A, %mul3A_30 : vector<64x128xf32>
    %eq3A_32 = arith.constant 0 : i32
    %eq3A_33 = arith.cmpi eq, %arg0, %eq3A_32 : i32
    %convert_element_type3A_34 = arith.extui %eq3A_33 : i1 to i32
    %cond3A = arith.constant 0 : i32
    %cond3A_35 = arith.cmpi ne, %convert_element_type3A_34, %cond3A : i32
    scf.if %cond3A_35 {
      %swap3A = arith.constant 0 : index
      %swap3A_45 = arith.constant 0 : index
      %swap3A_46 = vector.load %arg25[%swap3A, %swap3A_45] : memref<64x128xf32, #tpu.memory_space<vmem>>, vector<64x128xf32>
      tpu.vector_store %arg25[%swap3A, %swap3A_45], %dot_general3A_25 {strides = array<i32>} : memref<64x128xf32, #tpu.memory_space<vmem>>, vector<64x128xf32>,
      %swap3A_47 = arith.constant 0 : index
      %swap3A_48 = arith.constant 0 : index
      %swap3A_49 = vector.load %arg26[%swap3A_47, %swap3A_48] : memref<64x128xf32, #tpu.memory_space<vmem>>, vector<64x128xf32>
      tpu.vector_store %arg26[%swap3A_47, %swap3A_48], %mul3A_31 {strides = array<i32>} : memref<64x128xf32, #tpu.memory_space<vmem>>, vector<64x128xf32>,
    } else {
    }
    %gt3A = arith.constant 0 : i32
    %gt3A_36 = arith.cmpi sgt, %arg0, %gt3A : i32
    %convert_element_type3A_37 = arith.extui %gt3A_36 : i1 to i32
    %cond3A_38 = arith.constant 0 : i32
    %cond3A_39 = arith.cmpi ne, %convert_element_type3A_37, %cond3A_38 : i32
    scf.if %cond3A_39 {
      %get3A_45 = arith.constant 0 : index
      %get3A_46 = arith.constant 0 : index
      %get3A_47 = vector.load %arg25[%get3A_45, %get3A_46] : memref<64x128xf32, #tpu.memory_space<vmem>>, vector<64x128xf32>
      %add3A_48 = arith.addf %get3A_47, %dot_general3A_25 : vector<64x128xf32>
      %swap3A = arith.constant 0 : index
      %swap3A_49 = arith.constant 0 : index
      %swap3A_50 = vector.load %arg25[%swap3A, %swap3A_49] : memref<64x128xf32, #tpu.memory_space<vmem>>, vector<64x128xf32>
      tpu.vector_store %arg25[%swap3A, %swap3A_49], %add3A_48 {strides = array<i32>} : memref<64x128xf32, #tpu.memory_space<vmem>>, vector<64x128xf32>,
      %get3A_51 = arith.constant 0 : index
      %get3A_52 = arith.constant 0 : index
      %get3A_53 = vector.load %arg26[%get3A_51, %get3A_52] : memref<64x128xf32, #tpu.memory_space<vmem>>, vector<64x128xf32>
      %add3A_54 = arith.addf %get3A_53, %mul3A_31 : vector<64x128xf32>
      %swap3A_55 = arith.constant 0 : index
      %swap3A_56 = arith.constant 0 : index
      %swap3A_57 = vector.load %arg26[%swap3A_55, %swap3A_56] : memref<64x128xf32, #tpu.memory_space<vmem>>, vector<64x128xf32>
      tpu.vector_store %arg26[%swap3A_55, %swap3A_56], %add3A_54 {strides = array<i32>} : memref<64x128xf32, #tpu.memory_space<vmem>>, vector<64x128xf32>,
    } else {
    }
    %eq3A_40 = arith.constant 9 : i32
    %eq3A_41 = arith.cmpi eq, %arg0, %eq3A_40 : i32
    %convert_element_type3A_42 = arith.extui %eq3A_41 : i1 to i32
    %cond3A_43 = arith.constant 0 : i32
    %cond3A_44 = arith.cmpi ne, %convert_element_type3A_42, %cond3A_43 : i32
    scf.if %cond3A_44 {
      %get3A_45 = arith.constant 0 : index
      %get3A_46 = arith.constant 0 : index
      %get3A_47 = vector.load %arg25[%get3A_45, %get3A_46] : memref<64x128xf32, #tpu.memory_space<vmem>>, vector<64x128xf32>
      %get3A_48 = arith.constant 0 : index
      %get3A_49 = arith.constant 0 : index
      %get3A_50 = vector.load %arg26[%get3A_48, %get3A_49] : memref<64x128xf32, #tpu.memory_space<vmem>>, vector<64x128xf32>
      %max3A_51 = arith.constant 1.000000e+00 : f32
      %max3A_52 = vector.broadcast %max3A_51 : f32 to vector<64x128xf32>
      %max3A_53 = arith.maximumf %get3A_50, %max3A_52 : vector<64x128xf32>
      %div3A_54 = arith.divf %get3A_47, %max3A_53 : vector<64x128xf32>
      %get3A_55 = arith.constant 0 : index
      %get3A_56 = arith.constant 0 : index
      %get3A_57 = vector.load %arg5[%get3A_55, %get3A_56] : memref<256x480xf32, #tpu.memory_space<vmem>>, vector<256x480xf32>
      %get3A_58 = arith.constant 0 : index
      %get3A_59 = vector.load %arg6[%get3A_58] : memref<256xf32, #tpu.memory_space<vmem>>, vector<256xf32>
      %get3A_60 = arith.constant 0 : index
      %get3A_61 = vector.load %arg7[%get3A_60] : memref<256xf32, #tpu.memory_space<vmem>>, vector<256xf32>
      %get3A_62 = arith.constant 0 : index
      %get3A_63 = arith.constant 0 : index
      %get3A_64 = vector.load %arg4[%get3A_62, %get3A_63] : memref<64x480xf32, #tpu.memory_space<vmem>>, vector<64x480xf32>
      %dot_general3A_65 = arith.constant dense<0.000000e+00> : vector<64x256xf32>
      %dot_general3A_66 = tpu.matmul %get3A_64, %get3A_57, %dot_general3A_65 {dimension_numbers = #tpu.dot_dimension_numbers<[1], [1], [0], [0], [0, 0, 1, 0], [], []>, transpose_lhs_hint = false} : vector<64x480xf32>, vector<256x480xf32>, vector<64x256xf32> -> vector<64x256xf32>
      %broadcast_in_dim3A_67 = vector.shape_cast %get3A_59 : vector<256xf32> to vector<1x256xf32>
      %add3A_68 = vector.broadcast %broadcast_in_dim3A_67 : vector<1x256xf32> to vector<64x256xf32>
      %add3A_69 = arith.addf %dot_general3A_66, %add3A_68 : vector<64x256xf32>
      %broadcast_in_dim3A_70 = vector.shape_cast %get3A_61 : vector<256xf32> to vector<1x256xf32>
      %add3A_71 = vector.broadcast %broadcast_in_dim3A_70 : vector<1x256xf32> to vector<64x256xf32>
      %add3A_72 = arith.addf %add3A_69, %add3A_71 : vector<64x256xf32>
      %slice3A_73 = vector.extract_strided_slice %add3A_72 {offsets = [0, 0], sizes = [64, 64], strides = [1, 1]} : vector<64x256xf32> to vector<64x64xf32>
      %slice3A_74 = vector.extract_strided_slice %add3A_72 {offsets = [0, 128], sizes = [64, 64], strides = [1, 1]} : vector<64x256xf32> to vector<64x64xf32>
      %slice3A_75 = vector.extract_strided_slice %add3A_72 {offsets = [0, 192], sizes = [64, 64], strides = [1, 1]} : vector<64x256xf32> to vector<64x64xf32>
      %logistic3A = arith.negf %slice3A_73 : vector<64x64xf32>
      %logistic3A_76 = math.exp %logistic3A : vector<64x64xf32>
      %logistic3A_77 = arith.constant 1.000000e+00 : f32
      %logistic3A_78 = vector.broadcast %logistic3A_77 : f32 to vector<64x64xf32>
      %logistic3A_79 = arith.addf %logistic3A_78, %logistic3A_76 : vector<64x64xf32>
      %logistic3A_80 = arith.divf %logistic3A_78, %logistic3A_79 : vector<64x64xf32>
      %tanh3A = math.tanh %slice3A_74 : vector<64x64xf32>
      %mul3A_81 = arith.mulf %logistic3A_80, %tanh3A : vector<64x64xf32>
      %logistic3A_82 = arith.negf %slice3A_75 : vector<64x64xf32>
      %logistic3A_83 = math.exp %logistic3A_82 : vector<64x64xf32>
      %logistic3A_84 = arith.constant 1.000000e+00 : f32
      %logistic3A_85 = vector.broadcast %logistic3A_84 : f32 to vector<64x64xf32>
      %logistic3A_86 = arith.addf %logistic3A_85, %logistic3A_83 : vector<64x64xf32>
      %logistic3A_87 = arith.divf %logistic3A_85, %logistic3A_86 : vector<64x64xf32>
      %tanh3A_88 = math.tanh %mul3A_81 : vector<64x64xf32>
      %mul3A_89 = arith.mulf %logistic3A_87, %tanh3A_88 : vector<64x64xf32>
      %get3A_90 = arith.constant 0 : index
      %get3A_91 = arith.constant 0 : index
      %get3A_92 = vector.load %arg8[%get3A_90, %get3A_91] : memref<256x480xf32, #tpu.memory_space<vmem>>, vector<256x480xf32>
      %get3A_93 = arith.constant 0 : index
      %get3A_94 = vector.load %arg9[%get3A_93] : memref<256xf32, #tpu.memory_space<vmem>>, vector<256xf32>
      %get3A_95 = arith.constant 0 : index
      %get3A_96 = vector.load %arg10[%get3A_95] : memref<256xf32, #tpu.memory_space<vmem>>, vector<256xf32>
      %get3A_97 = arith.constant 0 : index
      %get3A_98 = arith.constant 0 : index
      %get3A_99 = vector.load %arg4[%get3A_97, %get3A_98] : memref<64x480xf32, #tpu.memory_space<vmem>>, vector<64x480xf32>
      %dot_general3A_100 = arith.constant dense<0.000000e+00> : vector<64x256xf32>
      %dot_general3A_101 = tpu.matmul %get3A_99, %get3A_92, %dot_general3A_100 {dimension_numbers = #tpu.dot_dimension_numbers<[1], [1], [0], [0], [0, 0, 1, 0], [], []>, transpose_lhs_hint = false} : vector<64x480xf32>, vector<256x480xf32>, vector<64x256xf32> -> vector<64x256xf32>
      %broadcast_in_dim3A_102 = vector.shape_cast %get3A_94 : vector<256xf32> to vector<1x256xf32>
      %add3A_103 = vector.broadcast %broadcast_in_dim3A_102 : vector<1x256xf32> to vector<64x256xf32>
      %add3A_104 = arith.addf %dot_general3A_101, %add3A_103 : vector<64x256xf32>
      %broadcast_in_dim3A_105 = vector.shape_cast %get3A_96 : vector<256xf32> to vector<1x256xf32>
      %add3A_106 = vector.broadcast %broadcast_in_dim3A_105 : vector<1x256xf32> to vector<64x256xf32>
      %add3A_107 = arith.addf %add3A_104, %add3A_106 : vector<64x256xf32>
      %slice3A_108 = vector.extract_strided_slice %add3A_107 {offsets = [0, 0], sizes = [64, 64], strides = [1, 1]} : vector<64x256xf32> to vector<64x64xf32>
      %slice3A_109 = vector.extract_strided_slice %add3A_107 {offsets = [0, 128], sizes = [64, 64], strides = [1, 1]} : vector<64x256xf32> to vector<64x64xf32>
      %slice3A_110 = vector.extract_strided_slice %add3A_107 {offsets = [0, 192], sizes = [64, 64], strides = [1, 1]} : vector<64x256xf32> to vector<64x64xf32>
      %logistic3A_111 = arith.negf %slice3A_108 : vector<64x64xf32>
      %logistic3A_112 = math.exp %logistic3A_111 : vector<64x64xf32>
      %logistic3A_113 = arith.constant 1.000000e+00 : f32
      %logistic3A_114 = vector.broadcast %logistic3A_113 : f32 to vector<64x64xf32>
      %logistic3A_115 = arith.addf %logistic3A_114, %logistic3A_112 : vector<64x64xf32>
      %logistic3A_116 = arith.divf %logistic3A_114, %logistic3A_115 : vector<64x64xf32>
      %tanh3A_117 = math.tanh %slice3A_109 : vector<64x64xf32>
      %mul3A_118 = arith.mulf %logistic3A_116, %tanh3A_117 : vector<64x64xf32>
      %logistic3A_119 = arith.negf %slice3A_110 : vector<64x64xf32>
      %logistic3A_120 = math.exp %logistic3A_119 : vector<64x64xf32>
      %logistic3A_121 = arith.constant 1.000000e+00 : f32
      %logistic3A_122 = vector.broadcast %logistic3A_121 : f32 to vector<64x64xf32>
      %logistic3A_123 = arith.addf %logistic3A_122, %logistic3A_120 : vector<64x64xf32>
      %logistic3A_124 = arith.divf %logistic3A_122, %logistic3A_123 : vector<64x64xf32>
      %tanh3A_125 = math.tanh %mul3A_118 : vector<64x64xf32>
      %mul3A_126 = arith.mulf %logistic3A_124, %tanh3A_125 : vector<64x64xf32>
      %concatenate3A = tpu.concatenate %mul3A_89, %mul3A_126 in 1 : vector<64x64xf32>, vector<64x64xf32> -> vector<64x128xf32>
      %get3A_127 = arith.constant 0 : index
      %get3A_128 = arith.constant 0 : index
      %get3A_129 = vector.load %arg11[%get3A_127, %get3A_128] : memref<64x8xf32, #tpu.memory_space<vmem>>, vector<64x8xf32>
      %get3A_130 = arith.constant 0 : index
      %get3A_131 = arith.constant 0 : index
      %get3A_132 = vector.load %arg12[%get3A_130, %get3A_131] : memref<8x64xf32, #tpu.memory_space<vmem>>, vector<8x64xf32>
      %dot_general3A_133 = arith.constant dense<0.000000e+00> : vector<64x64xf32>
      %dot_general3A_134 = tpu.matmul %get3A_129, %get3A_132, %dot_general3A_133 {dimension_numbers = #tpu.dot_dimension_numbers<[1], [0], [0], [1], [0, 0, 1, 1], [], []>, transpose_lhs_hint = false} : vector<64x8xf32>, vector<8x64xf32>, vector<64x64xf32> -> vector<64x64xf32>
      %get3A_135 = arith.constant 0 : index
      %get3A_136 = vector.load %arg13[%get3A_135] : memref<64xf32, #tpu.memory_space<vmem>>, vector<64xf32>
      %broadcast_in_dim3A_137 = vector.shape_cast %get3A_136 : vector<64xf32> to vector<1x64xf32>
      %add3A_138 = vector.broadcast %broadcast_in_dim3A_137 : vector<1x64xf32> to vector<64x64xf32>
      %add3A_139 = arith.addf %dot_general3A_134, %add3A_138 : vector<64x64xf32>
      %get3A_140 = arith.constant 0 : index
      %get3A_141 = vector.load %arg14[%get3A_140] : memref<64xf32, #tpu.memory_space<vmem>>, vector<64xf32>
      %broadcast_in_dim3A_142 = vector.shape_cast %get3A_141 : vector<64xf32> to vector<1x64xf32>
      %mul3A_143 = vector.broadcast %broadcast_in_dim3A_142 : vector<1x64xf32> to vector<64x64xf32>
      %mul3A_144 = arith.mulf %add3A_139, %mul3A_143 : vector<64x64xf32>
      %mul3A_145 = arith.constant 0.999994993 : f32
      %mul3A_146 = vector.broadcast %mul3A_145 : f32 to vector<64x64xf32>
      %mul3A_147 = arith.mulf %mul3A_144, %mul3A_146 : vector<64x64xf32>
      %get3A_148 = arith.constant 0 : index
      %get3A_149 = vector.load %arg15[%get3A_148] : memref<64xf32, #tpu.memory_space<vmem>>, vector<64xf32>
      %broadcast_in_dim3A_150 = vector.shape_cast %get3A_149 : vector<64xf32> to vector<1x64xf32>
      %add3A_151 = vector.broadcast %broadcast_in_dim3A_150 : vector<1x64xf32> to vector<64x64xf32>
      %add3A_152 = arith.addf %mul3A_147, %add3A_151 : vector<64x64xf32>
      %max3A_153 = arith.constant 0.000000e+00 : f32
      %max3A_154 = vector.broadcast %max3A_153 : f32 to vector<64x64xf32>
      %max3A_155 = arith.maximumf %add3A_152, %max3A_154 : vector<64x64xf32>
      %concatenate3A_156 = tpu.concatenate %div3A_54, %concatenate3A, %max3A_155 in 1 : vector<64x128xf32>, vector<64x128xf32>, vector<64x64xf32> -> vector<64x320xf32>
      %get3A_157 = arith.constant 0 : index
      %get3A_158 = arith.constant 0 : index
      %get3A_159 = vector.load %arg16[%get3A_157, %get3A_158] : memref<320x256xf32, #tpu.memory_space<vmem>>, vector<320x256xf32>
      %dot_general3A_160 = arith.constant dense<0.000000e+00> : vector<64x256xf32>
      %dot_general3A_161 = tpu.matmul %concatenate3A_156, %get3A_159, %dot_general3A_160 {dimension_numbers = #tpu.dot_dimension_numbers<[1], [0], [0], [1], [0, 0, 1, 1], [], []>, transpose_lhs_hint = false} : vector<64x320xf32>, vector<320x256xf32>, vector<64x256xf32> -> vector<64x256xf32>
      %get3A_162 = arith.constant 0 : index
      %get3A_163 = vector.load %arg17[%get3A_162] : memref<256xf32, #tpu.memory_space<vmem>>, vector<256xf32>
      %broadcast_in_dim3A_164 = vector.shape_cast %get3A_163 : vector<256xf32> to vector<1x256xf32>
      %add3A_165 = vector.broadcast %broadcast_in_dim3A_164 : vector<1x256xf32> to vector<64x256xf32>
      %add3A_166 = arith.addf %dot_general3A_161, %add3A_165 : vector<64x256xf32>
      %get3A_167 = arith.constant 0 : index
      %get3A_168 = vector.load %arg18[%get3A_167] : memref<256xf32, #tpu.memory_space<vmem>>, vector<256xf32>
      %broadcast_in_dim3A_169 = vector.shape_cast %get3A_168 : vector<256xf32> to vector<1x256xf32>
      %mul3A_170 = vector.broadcast %broadcast_in_dim3A_169 : vector<1x256xf32> to vector<64x256xf32>
      %mul3A_171 = arith.mulf %add3A_166, %mul3A_170 : vector<64x256xf32>
      %mul3A_172 = arith.constant 0.999994993 : f32
      %mul3A_173 = vector.broadcast %mul3A_172 : f32 to vector<64x256xf32>
      %mul3A_174 = arith.mulf %mul3A_171, %mul3A_173 : vector<64x256xf32>
      %get3A_175 = arith.constant 0 : index
      %get3A_176 = vector.load %arg19[%get3A_175] : memref<256xf32, #tpu.memory_space<vmem>>, vector<256xf32>
      %broadcast_in_dim3A_177 = vector.shape_cast %get3A_176 : vector<256xf32> to vector<1x256xf32>
      %add3A_178 = vector.broadcast %broadcast_in_dim3A_177 : vector<1x256xf32> to vector<64x256xf32>
      %add3A_179 = arith.addf %mul3A_174, %add3A_178 : vector<64x256xf32>
      %max3A_180 = arith.constant 0.000000e+00 : f32
      %max3A_181 = vector.broadcast %max3A_180 : f32 to vector<64x256xf32>
      %max3A_182 = arith.maximumf %add3A_179, %max3A_181 : vector<64x256xf32>
      %get3A_183 = arith.constant 0 : index
      %get3A_184 = arith.constant 0 : index
      %get3A_185 = vector.load %arg20[%get3A_183, %get3A_184] : memref<256x128xf32, #tpu.memory_space<vmem>>, vector<256x128xf32>
      %dot_general3A_186 = arith.constant dense<0.000000e+00> : vector<64x128xf32>
      %dot_general3A_187 = tpu.matmul %max3A_182, %get3A_185, %dot_general3A_186 {dimension_numbers = #tpu.dot_dimension_numbers<[1], [0], [0], [1], [0, 0, 1, 1], [], []>, transpose_lhs_hint = false} : vector<64x256xf32>, vector<256x128xf32>, vector<64x128xf32> -> vector<64x128xf32>
      %get3A_188 = arith.constant 0 : index
      %get3A_189 = vector.load %arg21[%get3A_188] : memref<128xf32, #tpu.memory_space<vmem>>, vector<128xf32>
      %broadcast_in_dim3A_190 = vector.shape_cast %get3A_189 : vector<128xf32> to vector<1x128xf32>
      %add3A_191 = vector.broadcast %broadcast_in_dim3A_190 : vector<1x128xf32> to vector<64x128xf32>
      %add3A_192 = arith.addf %dot_general3A_187, %add3A_191 : vector<64x128xf32>
      %max3A_193 = arith.constant 0.000000e+00 : f32
      %max3A_194 = vector.broadcast %max3A_193 : f32 to vector<64x128xf32>
      %max3A_195 = arith.maximumf %add3A_192, %max3A_194 : vector<64x128xf32>
      %get3A_196 = arith.constant 0 : index
      %get3A_197 = arith.constant 0 : index
      %get3A_198 = vector.load %arg22[%get3A_196, %get3A_197] : memref<128x128xf32, #tpu.memory_space<vmem>>, vector<128x128xf32>
      %dot_general3A_199 = arith.constant dense<0.000000e+00> : vector<64x128xf32>
      %dot_general3A_200 = tpu.matmul %max3A_195, %get3A_198, %dot_general3A_199 {dimension_numbers = #tpu.dot_dimension_numbers<[1], [0], [0], [1], [0, 0, 1, 1], [], []>, transpose_lhs_hint = false} : vector<64x128xf32>, vector<128x128xf32>, vector<64x128xf32> -> vector<64x128xf32>
      %get3A_201 = arith.constant 0 : index
      %get3A_202 = vector.load %arg23[%get3A_201] : memref<128xf32, #tpu.memory_space<vmem>>, vector<128xf32>
      %broadcast_in_dim3A_203 = vector.shape_cast %get3A_202 : vector<128xf32> to vector<1x128xf32>
      %add3A_204 = vector.broadcast %broadcast_in_dim3A_203 : vector<1x128xf32> to vector<64x128xf32>
      %add3A_205 = arith.addf %dot_general3A_200, %add3A_204 : vector<64x128xf32>
      %swap3A = arith.constant 0 : index
      %swap3A_206 = arith.constant 0 : index
      %swap3A_207 = vector.load %arg24[%swap3A, %swap3A_206] : memref<64x128xf32, #tpu.memory_space<vmem>>, vector<64x128xf32>
      tpu.vector_store %arg24[%swap3A, %swap3A_206], %add3A_205 {strides = array<i32>} : memref<64x128xf32, #tpu.memory_space<vmem>>, vector<64x128xf32>,
    } else {
    }
    return
  }
  func.func @transform_0(%arg0: i32) -> (i32, i32, i32) {
    %c0_i32 = arith.constant 0 : i32
    %c0_i32_0 = arith.constant 0 : i32
    %c0_i32_1 = arith.constant 0 : i32
    return %c0_i32, %arg0, %c0_i32_0 : i32, i32, i32
  }
  func.func @transform_1(%arg0: i32) -> i32 {
    %c0_i32 = arith.constant 0 : i32
    %c0_i32_0 = arith.constant 0 : i32
    return %c0_i32 : i32
  }
  func.func @transform_2(%arg0: i32) -> i32 {
    %c0_i32 = arith.constant 0 : i32
    return %arg0 : i32
  }
  func.func @transform_3(%arg0: i32) -> (i32, i32) {
    %c0_i32 = arith.constant 0 : i32
    %c0_i32_0 = arith.constant 0 : i32
    %c0_i32_1 = arith.constant 0 : i32
    return %c0_i32, %c0_i32_0 : i32, i32
  }
  func.func @transform_4(%arg0: i32) -> (i32, i32) {
    %c0_i32 = arith.constant 0 : i32
    %c0_i32_0 = arith.constant 0 : i32
    %c0_i32_1 = arith.constant 0 : i32
    return %c0_i32, %c0_i32_0 : i32, i32
  }
  func.func @transform_5(%arg0: i32) -> i32 {
    %c0_i32 = arith.constant 0 : i32
    %c0_i32_0 = arith.constant 0 : i32
    return %c0_i32 : i32
  }
  func.func @transform_6(%arg0: i32) -> i32 {
    %c0_i32 = arith.constant 0 : i32
    %c0_i32_0 = arith.constant 0 : i32
    return %c0_i32 : i32
  }
  func.func @transform_7(%arg0: i32) -> (i32, i32) {
    %c0_i32 = arith.constant 0 : i32
    %c0_i32_0 = arith.constant 0 : i32
    %c0_i32_1 = arith.constant 0 : i32
    return %c0_i32, %c0_i32_0 : i32, i32
  }
  func.func @transform_8(%arg0: i32) -> i32 {
    %c0_i32 = arith.constant 0 : i32
    %c0_i32_0 = arith.constant 0 : i32
    return %c0_i32 : i32
  }
  func.func @transform_9(%arg0: i32) -> i32 {
    %c0_i32 = arith.constant 0 : i32
    %c0_i32_0 = arith.constant 0 : i32
    return %c0_i32 : i32
  }
  func.func @transform_10(%arg0: i32) -> (i32, i32) {
    %c0_i32 = arith.constant 0 : i32
    %c0_i32_0 = arith.constant 0 : i32
    %c0_i32_1 = arith.constant 0 : i32
    return %c0_i32, %c0_i32_0 : i32, i32
  }
  func.func @transform_11(%arg0: i32) -> (i32, i32) {
    %c0_i32 = arith.constant 0 : i32
    %c0_i32_0 = arith.constant 0 : i32
    %c0_i32_1 = arith.constant 0 : i32
    return %c0_i32, %c0_i32_0 : i32, i32
  }
  func.func @transform_12(%arg0: i32) -> i32 {
    %c0_i32 = arith.constant 0 : i32
    %c0_i32_0 = arith.constant 0 : i32
    return %c0_i32 : i32
  }
  func.func @transform_13(%arg0: i32) -> i32 {
    %c0_i32 = arith.constant 0 : i32
    %c0_i32_0 = arith.constant 0 : i32
    return %c0_i32 : i32
  }
  func.func @transform_14(%arg0: i32) -> i32 {
    %c0_i32 = arith.constant 0 : i32
    %c0_i32_0 = arith.constant 0 : i32
    return %c0_i32 : i32
  }
  func.func @transform_15(%arg0: i32) -> (i32, i32) {
    %c0_i32 = arith.constant 0 : i32
    %c0_i32_0 = arith.constant 0 : i32
    %c0_i32_1 = arith.constant 0 : i32
    return %c0_i32, %c0_i32_0 : i32, i32
  }
  func.func @transform_16(%arg0: i32) -> i32 {
    %c0_i32 = arith.constant 0 : i32
    %c0_i32_0 = arith.constant 0 : i32
    return %c0_i32 : i32
  }
  func.func @transform_17(%arg0: i32) -> i32 {
    %c0_i32 = arith.constant 0 : i32
    %c0_i32_0 = arith.constant 0 : i32
    return %c0_i32 : i32
  }
  func.func @transform_18(%arg0: i32) -> i32 {
    %c0_i32 = arith.constant 0 : i32
    %c0_i32_0 = arith.constant 0 : i32
    return %c0_i32 : i32
  }
  func.func @transform_19(%arg0: i32) -> (i32, i32) {
    %c0_i32 = arith.constant 0 : i32
    %c0_i32_0 = arith.constant 0 : i32
    %c0_i32_1 = arith.constant 0 : i32
    return %c0_i32, %c0_i32_0 : i32, i32
  }
  func.func @transform_20(%arg0: i32) -> i32 {
    %c0_i32 = arith.constant 0 : i32
    %c0_i32_0 = arith.constant 0 : i32
    return %c0_i32 : i32
  }
  func.func @transform_21(%arg0: i32) -> (i32, i32) {
    %c0_i32 = arith.constant 0 : i32
    %c0_i32_0 = arith.constant 0 : i32
    %c0_i32_1 = arith.constant 0 : i32
    return %c0_i32, %c0_i32_0 : i32, i32
  }
  func.func @transform_22(%arg0: i32) -> i32 {
    %c0_i32 = arith.constant 0 : i32
    %c0_i32_0 = arith.constant 0 : i32
    return %c0_i32 : i32
  }
  func.func @transform_23(%arg0: i32) -> (i32, i32) {
    %c0_i32 = arith.constant 0 : i32
    %c0_i32_0 = arith.constant 0 : i32
    %c0_i32_1 = arith.constant 0 : i32
    return %c0_i32, %c0_i32_0 : i32, i32
  }
}

</mosaic_0001>

<sc_bundles>
// kernel: kernel.10.cloned.1.call-start
scs
__scs_entry_jumppad:
0x0: {  	(pc) =	sbr.rel $0x88, $3  }
0x1: {  	(tag) =	ssettag $0x0;
	lr =	simm.s32 $0x1  }
0x2: {  	[smem:$0x3F82] =	sst lr;
	_ =	strace $0xD0000000  }
0x3: {  	_ = 	snop  }
0x4: {  	_ = 	snop  }
0x5: {  	_ = 	snop  }
0x6: {  	_ = 	snop  }
0x7: {  	_ = 	snop  }
__scs_overlays_trampoline_lowered:
0x8: {  	[smem:$0x3F91] =	sst s0  }
0x9: {  	[smem:$0x3F92] =	sst s1  }
0xa: {  	[smem:$0x3F93] =	sst s2  }
0xb: {  	[smem:$0x3F94] =	sst s3  }
0xc: {  	[smem:$0x3F95] =	sst s4  }
0xd: {  	[smem:$0x3F96] =	sst s5  }
0xe: {  	[smem:$0x3F97] =	sst s6  }
0xf: {  	[smem:$0x3F98] =	sst s7  }
0x10: {  	[smem:$0x3F99] =	sst s8  }
0x11: {  	[smem:$0x3F9A] =	sst s9;
	s0 =	simm.s32 @!p0 $0x0  }
0x12: {  	s1 =	sld [smem:$0x3F80];
	s0 =	simm.s32 @p0 $0x1  }
0x13: {  	[smem:$0x3F9B] =	sst s0;
	s0 =	simm.s32 @!p1 $0x0  }
0x14: {  	s2 =	sld [smem:$0x3F7F];
	s0 =	simm.s32 @p1 $0x1  }
0x15: {  	[smem:$0x3F9C] =	sst s0;
	s0 =	simm.s32 @!p2 $0x0  }
0x16: {  	s3 =	sld [smem:$0x3FDB];
	s0 =	simm.s32 @p2 $0x1  }
0x17: {  	s4 =	simm.s32 $0x1BF5;
	[smem:$0x3F9E] =	sst s0  }
0x18: {  	s0 =	sld [smem:$0x3F81];
	_ =	swait.ge [sflag:s4], $0x0  }
0x19: {  	s7 =	sld [smem:$0x3F82]  }
0x1a: {  	s8 =	sadd.s32 $0xFFFFE003, lr  }
0x1b: {  	s9 =	sadd.s32 $0xFFFFFEF7, lr;
	s5 =	simm.s32 $0xFFFFFFFF;
	p2 =	slt.u32 s8, $0xFFFFF086  }
0x1c: {  	p1 =	slt.u32 s9, $0xF7A;
	s5 =	simm.s32 @!p2 $0x0  }
0x1d: {  	s5 =	simm.s32 @p1 $0x1;
	p0 =	seq.s32 s7, s2  }
0x1e: {  	s7 =	smul.u32 @!p0 $0xF7A, s2;
	p2 =	seq.s32 @!p0 s5, $0x0  }
0x1f: {  	s9 =	smul.u32 $0xF7A, s1;
	s8 =	simm.s32 @!p0 $0x1BF5;
	p2 =	por !p2, p0  }
0x20: {  	[sflag:s8] =	ssyncset.s32 @!p0 $0xFFFFF086;
	s6 =	sadd.s32 @!p0 s3, s7;
	s7 =	simm.s32 @!p0 $0x108  }
0x21: {  	s3 =	sadd.s32 s3, s9;
	s6 =	sadd.s32 @!p0 $0x88, s6;
	s7 =	simm.s32 @p2 $0x1082  }
0x22: {  	[simem:s7], [sflag:s8] =	dma.local @!p0 [hbm:s6], $0xF7A  }
0x23: {  	s9 =	sor.u32 $0xD0000000, s2;
	s6 =	simm.s32 $0x108;
	_ =	swait.ge @!p0 [sflag:s8], $0x0  }
0x24: {  	s3 =	sadd.s32 $0x88, s3;
	s6 =	simm.s32 @!p1 $0x1082;
	[sflag:s4] =	ssyncset.s32 $0xFFFFF086  }
0x25: {  	[simem:s6], [sflag:s4] =	dma.local [hbm:s3], $0xF7A  }
0x26: {  	[smem:$0x3F82] =	sst s1;
	(tag) =	ssettag s2;
	_ =	strace s9  }
0x27: {  	s1 =	sld [smem:$0x3F92]  }
0x28: {  	s2 =	sld [smem:$0x3F93]  }
0x29: {  	s4 =	sld [smem:$0x3F95]  }
0x2a: {  	p0 =	seq.s32 s5, $0x0;
	s5 =	sld [smem:$0x3F96]  }
0x2b: {  	s6 =	sld [smem:$0x3F97]  }
0x2c: {  	s7 =	sld [smem:$0x3F98]  }
0x2d: {  	s3 =	simm.s32 $0x108;
	s8 =	sld [smem:$0x3F99]  }
0x2e: {  	s3 =	simm.s32 @!p0 $0x1082;
	s9 =	sld [smem:$0x3F9A]  }
0x2f: {  	lr =	sadd.s32 s0, s3;
	s0 =	sld [smem:$0x3F91]  }
0x30: {  	s3 =	sld [smem:$0x3F94]  }
0x31: {  	[smem:$0x3F9D] =	sst s10  }
0x32: {  	s10 =	sld [smem:$0x3F9B];
	_ =	sdelay $0x3  }
0x33: {  	p0 =	seq.s32 s10, $0x1;
	s10 =	sld [smem:$0x3F9D];
	_ =	sdelay $0x3  }
0x34: {  	[smem:$0x3F9D] =	sst s10  }
0x35: {  	s10 =	sld [smem:$0x3F9C];
	_ =	sdelay $0x3  }
0x36: {  	p1 =	seq.s32 s10, $0x1;
	s10 =	sld [smem:$0x3F9D];
	_ =	sdelay $0x3  }
0x37: {  	[smem:$0x3F9D] =	sst s10  }
0x38: {  	s10 =	sld [smem:$0x3F9E]  }
0x39: {  	_ = 	snop;
	(pc) =	sbr.ind lr, $3  }
0x3a: {  	_ = 	snop  }
0x3b: {  	_ = 	snop  }
0x3c: {  	p2 =	seq.s32 s10, $0x1;
	s10 =	sld [smem:$0x3F9D]  }
0x3d: {  	_ =	shalt  }
0x3e: {  	_ =	shalt  }
0x3f: {  	_ =	shalt  }
0x40: {  	_ =	shalt  }
0x41: {  	_ =	shalt  }
0x42: {  	_ =	shalt  }
0x43: {  	_ =	shalt  }
0x44: {  	_ =	shalt  }
0x45: {  	_ =	shalt  }
0x46: {  	_ =	shalt  }
0x47: {  	_ =	shalt  }
0x48: {  	_ =	shalt  }
0x49: {  	_ =	shalt  }
0x4a: {  	_ =	shalt  }
0x4b: {  	_ =	shalt  }
0x4c: {  	_ =	shalt  }
0x4d: {  	_ =	shalt  }
0x4e: {  	_ =	shalt  }
0x4f: {  	_ =	shalt  }
0x50: {  	_ =	shalt  }
0x51: {  	_ =	shalt  }
0x52: {  	_ =	shalt  }
0x53: {  	_ =	shalt  }
0x54: {  	_ =	shalt  }
0x55: {  	_ =	shalt  }
0x56: {  	_ =	shalt  }
0x57: {  	_ =	shalt  }
0x58: {  	_ =	shalt  }
0x59: {  	_ =	shalt  }
0x5a: {  	_ =	shalt  }
0x5b: {  	_ =	shalt  }
0x5c: {  	_ =	shalt  }
0x5d: {  	_ =	shalt  }
0x5e: {  	_ =	shalt  }
0x5f: {  	_ =	shalt  }
0x60: {  	_ =	shalt  }
0x61: {  	_ =	shalt  }
0x62: {  	_ =	shalt  }
0x63: {  	_ =	shalt  }
0x64: {  	_ =	shalt  }
0x65: {  	_ =	shalt  }
0x66: {  	_ =	shalt  }
0x67: {  	_ =	shalt  }
0x68: {  	_ =	shalt  }
0x69: {  	_ =	shalt  }
0x6a: {  	_ =	shalt  }
0x6b: {  	_ =	shalt  }
0x6c: {  	_ =	shalt  }
0x6d: {  	_ =	shalt  }
0x6e: {  	_ =	shalt  }
0x6f: {  	_ =	shalt  }
0x70: {  	_ =	shalt  }
0x71: {  	_ =	shalt  }
0x72: {  	_ =	shalt  }
0x73: {  	_ =	shalt  }
0x74: {  	_ =	shalt  }
0x75: {  	_ =	shalt  }
0x76: {  	_ =	shalt  }
0x77: {  	_ =	shalt  }
0x78: {  	_ =	shalt  }
0x79: {  	_ =	shalt  }
0x7a: {  	_ =	shalt  }
0x7b: {  	_ =	shalt  }
0x7c: {  	_ =	shalt  }
0x7d: {  	_ =	shalt  }
0x7e: {  	_ =	shalt  }
0x7f: {  	_ =	shalt  }
0x80: {  	_ =	shalt  }
0x81: {  	_ =	shalt  }
0x82: {  	_ =	shalt  }
0x83: {  	_ =	shalt  }
0x84: {  	_ =	shalt  }
0x85: {  	_ =	shalt  }
0x86: {  	_ =	shalt  }
0x87: {  	_ =	shalt  }
.Lfunc_end0:
.L_simem_size_0:
called_computation.1_lowered:
.L_overlay_start_0:
0x88: {  	s2 =	sld [smem:$0x3FD9]  }
0x89: {  	s3 =	sld [smem:$0x3FFE];
	_ =	sdelay $0x1  }
0x8a: {  	s1 =	srdreg.scid  }
0x8b: {  	s0 =	sand.u32 $0x1, s1  }
0x8c: {  	s16 =	sshll.u32 s0, $0xA;
	s2 =	sadd.s32 s3, s2  }
0x8d: {  	s2 =	sadd.s32 s2, s16  }
0x8e: {  	[smem:$0x3FA9] =	sst s2  }
0x8f: {  	_ = 	snop  }
0x90: {  	(tm) =	ssettm $0x1  }
0x91: {  	s17 =	sld [smem:$0x3FFB];
	_ =	sdelay $0x3  }
0x92: {  	_ =	strace s17  }
0x93: {  	s2 =	sld [smem:$0x3FFC];
	_ =	sdelay $0x3  }
0x94: {  	_ =	strace s2  }
0x95: {  	s2 =	sld [smem:$0x3FFD];
	_ =	sdelay $0x3  }
0x96: {  	_ =	strace s2  }
0x97: {  	_ =	strace $0x8FFFFFFF  }
0x98: {  	s18 =	sld [smem:$0x3FDB];
	_ =	sdelay $0x1  }
0x99: {  	s19 =	simm.s32 $_scs_section_size  }
0x9a: {  	s4 =	simm.s32 $_size__tile_overlayer_lowered;
	s5 =	simm.s32 $_tile_overlayer_lowered  }
0x9b: {  	s22 =	simm.s32 $0x1BFF;
	s21 =	sshll.u32 s5, $0x1;
	s2 =	sadd.s32 s19, s18  }
0x9c: {  	s6 =	simm.s32 $0x0;
	s20 =	sshll.u32 s4, $0x1;
	s4 =	sadd.s32 s21, s2  }
0x9d: {  	[timem:s6], [sflag:s22] =	dma.local [hbm:s4], s20  }
0x9e: {  	_ =	swait.ge [sflag:s22], s20  }
0x9f: {  	s3 =	ssub.s32 $0x0, s20;
	[sflag:s22] =	ssyncset.done $0x0  }
0xa0: {  	[sflag:s22] =	ssyncadd.s32 s3;
	_ =	sdelay $0x1  }
0xa1: {  	s23 =	simm.s32 $0x1B8B  }
0xa2: {  	_ =	swait.ge [sflag:s23], $0x1  }
0xa3: {  	[sflag:s23] =	ssyncset.done $0x0  }
0xa4: {  	s25 =	simm.s32 $0x1B8E;
	s24 =	sld [smem:$0x3FFE];
	[sflag:s23] =	ssyncadd.s32 $0xFFFFFFFF  }
0xa5: {  	s26 =	simm.s32 $execute0_lowered;
	[smem:$0x3FD2] =	sst s25  }
0xa6: {  	s4 =	sshll.u32 s26, $0x1;
	_ =	strace $0x80000049;
	[dreg:$0x1] =	wrdreg $0xFFFFFFFF  }
0xa7: {  	s28 =	simm.s32 $_size_execute0_lowered;
	s2 =	sadd.s32 s2, s4;
	[dreg:$0x0] =	wrdreg $0x0  }
0xa8: {  	s4 =	sshll.u32 s28, $0x1;
	[dreg:$0x2] =	wrdreg s2  }
0xa9: {  	[dreg:$0x3] =	wrdreg s4  }
0xaa: {  	[dreg:$0x4] =	wrdreg $0xC0  }
0xab: {  	_ =	task [dreg:s6], $0x5FFFF  }
0xac: {  	[dreg:$0x1] =	wrdreg $0xFFFFFFFF  }
0xad: {  	[dreg:$0x0] =	wrdreg $0x60  }
0xae: {  	[dreg:$0x2] =	wrdreg s24  }
0xaf: {  	[dreg:$0x3] =	wrdreg $0x66200  }
0xb0: {  	[dreg:$0x4] =	wrdreg $0x9  }
0xb1: {  	_ =	task.clear_ibuf [dreg:s6], $0x5FFFF;
	_ =	strace $0x90000049  }
0xb2: {  	s29 =	simm.s32 $0x9;
	_ =	strace $0x8000004B  }
0xb3: {  	_ =	swait.ge [sflag:s29], $0x1  }
0xb4: {  	[sflag:s29] =	ssyncadd.s32 $0xFFFFFFFF  }
0xb5: {  	_ =	strace $0x9000004B  }
0xb6: {  	_ =	sfence  }
0xb7: {  	s30 =	sld [smem:$0x0];
	_ =	sdelay $0x2  }
0xb8: {  	s31 =	sshll.u32 s1, $0xD;
	s1 =	sshrl.u32 s1, $0x2  }
0xb9: {  	s3 =	sand.u32 $0x4000, s31;
	s1 =	sadd.s32 s1, s30  }
0xba: {  	s0 =	sor.u32 s3, s0;
	s1 =	sshll.u32 s1, $0x11  }
0xbb: {  	s0 =	sor.u32 s1, s0  }
0xbc: {  	s0 =	sadd.s32 $0x8F2B, s0  }
0xbd: {  	[sflag:s0] =	ssyncadd.remote.s32 $0x1  }
0xbe: {  	_ =	sfence.sel $0xFFFF  }
0xbf: {  	[dreg:$0x0] =	wrdreg $0xFFFFFFFF;
	(pc) =	sbr.abs _section_cstart, $3  }
0xc0: {  	[dreg:$0x1] =	wrdreg $0xFFFFFFFF  }
0xc1: {  	_ =	task.clear_ibuf [dreg:s6], $0x2FFFF;
	_ =	strace $0x9FFFFFFF  }
0xc2: {  	(tm) =	ssettm $0x7FFFFFFF  }
0xc3: {  	_ =	shalt  }
tec
execute0_lowered:
.L_overlay_start_1:
0x0: {  	(tag) =	ssettag $0x1  }
0x1: {  	s0 =	rddreg [dreg:$0x0]  }
0x2: {  	s1 =	rddreg [dreg:$0x1]  }
0x3: {  	s3 =	simm.s32 $0x0;
	s2 =	srdreg.scid;
	s12 =	stileid.u32  }
0x4: {  	s16 =	simm.s32 $0x5D20;
	s17 =	simm.s32 $0x5;
	s18 =	simm.s32 $0x50  }
0x5: {  	s19 =	simm.s32 $0x190;
	s28 =	simm.s32 $0x2F80;
	s29 =	simm.s32 $0x1  }
0x6: {  	s30 =	simm.s32 $0x140;
	s31 =	simm.s32 $0x2;
	s20 =	simm.s32 $0x4  }
0x7: {  	s21 =	simm.s32 $0x0;
	[smem:$0x7FF] =	sst s3;
	s2 =	sand.u32 $0x1, s2  }
0x8: {  	s4 =	sadd.s32 $0x46800, s0;
	s9 =	smul.u32 $0x16800, s12;
	s7 =	sshll.u32 s12, $0x1  }
0x9: {  	s5 =	sadd.s32 $0x32E00, s0;
	s6 =	sadd.s32 $0x5200, s0;
	s25 =	smul.u32 $0x5A000, s12  }
0xa: {  	_ =	strace $0x8000004A;
	s22 =	smul.u32 $0x168000, s2;
	s8 =	sor.u32 s2, s7  }
0xb: {  	s7 =	sadd.s32 $0x5800, s0;
	s2 =	ssub.s32 $0x2, s2;
	s10 =	smul.u32 $0x4E20, s8  }
0xc: {  	s8 =	sadd.s32 $0x5E00, s0;
	s23 =	sshrl.u32 s2, $0x1;
	s26 =	sadd.s32 s9, s1  }
0xd: {  	s3 =	sadd.s32 s9, s22;
	s2 =	ssub.s32 s2, s23;
	s22 =	simm.s32 $0x2E90  }
0xe: {  	s23 =	simm.s32 $0x2EE0;
	s11 =	sshrl.u32 s10, $0x3;
	s2 =	smax.u32 s2, $0x1  }
0xf: {  	s3 =	sshrl.u32 s3, $0x3;
	s24 =	sadd.s32 s4, s11;
	[dreg:$0x6] =	wrdreg s2  }
0x10: {  	s12 =	sadd.s32 $0xA0, s10;
	s11 =	sadd.s32 s5, s11;
	[dreg:$0x3] =	wrdreg s24  }
0x11: {  	s0 =	sadd.s32 s3, s0;
	s3 =	sshrl.u32 s25, $0x2;
	[dreg:$0x4] =	wrdreg s11  }
0x12: {  	s11 =	sadd.s32 $0x50, s10;
	s0 =	sadd.s32 $0x5A200, s0;
	s15 =	sadd.s32 s3, s1  }
0x13: {  	s24 =	simm.s32 $0x3020;
	[dreg:$0x5] =	wrdreg s0;
	s0 =	sshrl.u32 s26, $0x3  }
0x14: {  	v0 =	vimm.f32 $0.0e+00;
	s26 =	simm.s32 $0x2F30;
	[dreg:$0x7] =	wrdreg s0;
	s0 =	simm.s32 $0x2FD0  }
.LBB2_1:
0x15: {  	s2 =	simm.s32 $0x0  }
0x16: {  	s3 =	smul.u32 $0x39, s2;
	_ =	sdelay $0x1  }
0x17: {  	s3 =	sshrl.u32 s3, $0x9  }
0x18: {  	s9 =	sand.u32 $0x7F, s3  }
0x19: {  	s3 =	simm.s32 $0x1;
	s10 =	smul.u32 $0x9, s9  }
0x1a: {  	s13 =	smul.u32 $0x39, s3  }
0x1b: {  	s25 =	smul.u32 $0x240, s9;
	s10 =	ssub.s32 $0x0, s10  }
0x1c: {  	s9 =	simm.s32 $0x2;
	s2 =	sand.u32 $0xFF, s10  }
0x1d: {  	s14 =	sshrl.u32 s13, $0x9;
	s10 =	sshrl.u32 s25, $0x2;
	s13 =	sshll.u32 s2, $0x4  }
.LBB2_2:
0x1e: {  	s2 =	smul.u32 $0x39, s9;
	s14 =	sand.u32 $0x7F, s14  }
0x1f: {  	s10 =	sadd.s32 s13, s10;
	p0 =	sne.s32 s9, $0x8F;
	s13 =	smul.u32 $0x9, s14  }
.Ltmp0:
0x20: {  	[tilespmem:s10+$0x5D20] =	vst v0;
	(pc) =	sbr.rel @p0 .LBB2_2-.Ltmp0, $4  }
0x21: {  	s10 =	smul.u32 $0x240, s14;
	s14 =	smov.u32 s9  }
0x22: {  	s9 =	sadd.s32 $0x1, s9;
	s3 =	ssub.s32 s3, s13  }
0x23: {  	s13 =	sand.u32 $0xFF, s3;
	s3 =	smov.u32 s14  }
0x24: {  	s10 =	sshrl.u32 s10, $0x2;
	s14 =	sshrl.u32 s2, $0x9;
	s13 =	sshll.u32 s13, $0x4  }
0x25: {  	s2 =	sand.u32 $0x7F, s14  }
0x26: {  	s9 =	smul.u32 $0x9, s2;
	_ =	sdelay $0x1  }
0x27: {  	s2 =	smul.u32 $0x240, s2;
	s3 =	ssub.s32 s3, s9  }
0x28: {  	s3 =	sand.u32 $0xFF, s3  }
0x29: {  	s14 =	sadd.s32 s13, s10;
	s2 =	sshrl.u32 s2, $0x2;
	s3 =	sshll.u32 s3, $0x4  }
0x2a: {  	[tilespmem:s14+$0x5D20] =	vst v0;
	s2 =	sadd.s32 s3, s2  }
0x2b: {  	s25 =	sadd.s32 $0x0, s15;
	[tilespmem:s2+$0x5D20] =	vst v0  }
0x2c: {  	[spmem:s25] =	stream.linear.scatter [tilespmem:s16], [sflag:$0x5], $0x900, $0x38;
	[tilespmem:$0x1CE20] =	vst v63  }
0x2d: {  	s3 =	simm.s32 $0x2400;
	_ =	swait.ge [sflag:s17], $0x900  }
.LBB2_4:
0x2e: {  	s2 =	sshra.s32 s3, $0x2;
	[sflag:s17] =	ssyncset.done $0x0;
	p0 =	sne.s32 s3, $0x57C00  }
.Ltmp1:
0x2f: {  	s2 =	sadd.s32 s2, s15;
	[sflag:s17] =	ssyncadd.s32 $0xFFFFF700;
	(pc) =	sbr.rel @p0 .LBB2_4-.Ltmp1, $3  }
0x30: {  	[spmem:s2] =	stream.linear.scatter [tilespmem:s16], [sflag:$0x5], $0x900, $0x38;
	[tilespmem:$0x1CE20] =	vst v63  }
0x31: {  	s3 =	sadd.s32 $0x2400, s3;
	_ =	sdelay $0x1  }
0x32: {  	_ =	swait.ge [sflag:s17], $0x900  }
0x33: {  	[sflag:s17] =	ssyncset.done $0x0  }
0x34: {  	[sflag:s17] =	ssyncadd.s32 $0xFFFFF700  }
0x35: {  	[bflag:$0x0] =	sbarrier.arrive $0xFFFF  }
0x36: {  	s3 =	simm.s32 $0x0;
	s2 =	rddreg [dreg:$0x3]  }
0x37: {  	[tilespmem:s3], [sflag:$0x5] =	stream.linear.gather [hbm4b:s2+s3], $0x50, $0x38;
	[tilespmem:$0x1CE20] =	vst v63  }
0x38: {  	_ =	swait.ge [sflag:s17], $0x50  }
0x39: {  	[sflag:s17] =	ssyncset.done $0x0  }
0x3a: {  	s13 =	rddreg [dreg:$0x4];
	[sflag:s17] =	ssyncadd.s32 $0xFFFFFFB0  }
0x3b: {  	[tilespmem:s18], [sflag:$0x5] =	stream.linear.gather [hbm4b:s13+s3], $0x50, $0x38;
	[tilespmem:$0x1CE20] =	vst v63  }
0x3c: {  	_ =	swait.ge [sflag:s17], $0x50  }
0x3d: {  	[sflag:s17] =	ssyncset.done $0x0  }
0x3e: {  	[sflag:s17] =	ssyncadd.s32 $0xFFFFFFB0  }
0x3f: {  	[tilespmem:s19], [sflag:$0x1] =	stream.indirect.gather [hbm4b:s8+s18], $0x90, s3, s18, $0xb8;
	[tilespmem:$0x1CE20] =	vst v63  }
0x40: {  	s14 =	simm.s32 $0xA0  }
0x41: {  	[tilespmem:s14], [sflag:$0x1] =	stream.indirect.gather [hbm4b:s6+s18], $0x1, s3, s18, $0xb8;
	[tilespmem:$0x1CE20] =	vst v63  }
0x42: {  	s25 =	simm.s32 $0xF0;
	s9 =	simm.s32 $0x0  }
0x43: {  	[tilespmem:s25], [sflag:$0x1] =	stream.indirect.gather [hbm4b:s7+s18], $0x1, s18, s18, $0xb8;
	[tilespmem:$0x1CE20] =	vst v63  }
.LBB2_6:
0x44: {  	p0 =	seq.s32 s9, $0x0;
	s10 =	smul.u32 $0xA0, s9  }
0x45: {  	s2 =	simm.s32 @!p0 $0x4  }
0x46: {  	_ =	swait.ge @!p0 [sflag:s2], $0x2D00;
	s13 =	sadd.s32 s10, s11  }
0x47: {  	[sflag:s2] =	ssyncset.done @!p0 $0x0;
	s13 =	sshrl.u32 s13, $0x3  }
0x48: {  	[sflag:s2] =	ssyncadd.s32 @!p0 $0xFFFFD300;
	s14 =	sadd.s32 s4, s13  }
0x49: {  	[tilespmem:s22], [sflag:$0x5] =	stream.linear.gather [hbm4b:s14+s3], $0x50, $0x38;
	[tilespmem:$0x1CE20] =	vst v63  }
0x4a: {  	_ =	swait.ge [sflag:s17], $0x50  }
0x4b: {  	[sflag:s17] =	ssyncset.done $0x0  }
0x4c: {  	s25 =	sadd.s32 s5, s13;
	[sflag:s17] =	ssyncadd.s32 $0xFFFFFFB0  }
0x4d: {  	[tilespmem:s23], [sflag:$0x5] =	stream.linear.gather [hbm4b:s25+s3], $0x50, $0x38;
	[tilespmem:$0x1CE20] =	vst v63  }
0x4e: {  	_ =	swait.ge [sflag:s17], $0x50  }
0x4f: {  	[sflag:s17] =	ssyncset.done $0x0  }
0x50: {  	[sflag:s17] =	ssyncadd.s32 $0xFFFFFFB0  }
0x51: {  	[tilespmem:s24], [sflag:$0x2] =	stream.indirect.gather [hbm4b:s8+s18], $0x90, s22, s18, $0xb8;
	[tilespmem:$0x1CE20] =	vst v63  }
0x52: {  	_ = 	snop  }
0x53: {  	[tilespmem:s26], [sflag:$0x2] =	stream.indirect.gather [hbm4b:s6+s18], $0x1, s22, s18, $0xb8;
	[tilespmem:$0x1CE20] =	vst v63  }
0x54: {  	_ = 	snop  }
0x55: {  	[tilespmem:s28], [sflag:$0x2] =	stream.indirect.gather [hbm4b:s7+s18], $0x1, s23, s18, $0xb8;
	[tilespmem:$0x1CE20] =	vst v63  }
0x56: {  	_ =	swait.ge [sflag:s29], $0x2D00  }
0x57: {  	[sflag:s29] =	ssyncset.done $0x0  }
0x58: {  	[sflag:s29] =	ssyncadd.s32 $0xFFFFD300  }
0x59: {  	_ =	swait.ge [sflag:s29], $0x50  }
0x5a: {  	[sflag:s29] =	ssyncset.done $0x0  }
0x5b: {  	[sflag:s29] =	ssyncadd.s32 $0xFFFFFFB0  }
0x5c: {  	_ =	swait.ge [sflag:s29], $0x50  }
0x5d: {  	[sflag:s29] =	ssyncset.done $0x0  }
0x5e: {  	[sflag:s29] =	ssyncadd.s32 $0xFFFFFFB0  }
0x5f: {  	v1 =	vld [tilespmem:$0xA0]  }
0x60: {  	v2 =	vld [tilespmem:$0xF0]  }
0x61: {  	v3 =	vld [tilespmem:$0xB0]  }
0x62: {  	v4 =	vld [tilespmem:$0x100]  }
0x63: {  	v5 =	vld [tilespmem:$0xC0]  }
0x64: {  	v6 =	vld [tilespmem:$0x110]  }
0x65: {  	v7 =	vld [tilespmem:$0x120];
	v1 =	vadd.f32 v2, v1  }
0x66: {  	v9 =	vld [tilespmem:$0xE0]  }
0x67: {  	v2 =	vld [tilespmem:$0xD0];
	v8 =	vmul.f32 $2.000000030e-01, v1  }
0x68: {  	v10 =	vld [tilespmem:$0x130];
	vm0 =	vge.f32 v1, $0.0e+00  }
0x69: {  	v3 =	vadd.f32 v4, v3;
	v1 =	vsel vm0, v1, v8  }
0x6a: {  	v1 =	vmul.f32 $1.442695020e+00, v1  }
0x6b: {  	v5 =	vadd.f32 v6, v5;
	v4 =	vmul.f32 $2.000000030e-01, v3  }
0x6c: {  	vm12 =	vge.f32 v3, $0.0e+00;
	(erf) = vpow2.f32 v1;
	v1 =	vadd.f32 v7, v2  }
0x6d: {  	v2 =	vsel vm12, v3, v4;
	v3 =	vmul.f32 $2.000000030e-01, v5;
	v4 =	vadd.f32 v10, v9  }
0x6e: {  	vm13 =	vge.f32 v5, $0.0e+00;
	v2 =	vmul.f32 $1.442695020e+00, v2;
	v6 =	vmul.f32 $2.000000030e-01, v1  }
0x6f: {  	v3 =	vsel vm13, v5, v3;
	vm14 =	vge.f32 v1, $0.0e+00;
	v5 =	vmul.f32 $2.000000030e-01, v4  }
0x70: {  	vm15 =	vge.f32 v4, $0.0e+00;
	v3 =	vmul.f32 $1.442695020e+00, v3;
	v1 =	vsel vm14, v1, v6  }
0x71: {  	(erf) = vpow2.f32 v2;
	v2 =	vsel vm15, v4, v5;
	v1 =	vmul.f32 $1.442695020e+00, v1  }
0x72: {  	(erf) = vpow2.f32 v3;
	v2 =	vmul.f32 $1.442695020e+00, v2  }
0x73: {  	(erf) = vpow2.f32 v1  }
0x74: {  	(erf) = vpow2.f32 v2;
	_ =	sdelay $0x4  }
0x75: {  	v1 =	vpop (erf)  }
0x76: {  	[tilespmem:$0x140] =	vst v1;
	v2 =	vpop (erf)  }
0x77: {  	[tilespmem:$0x150] =	vst v2;
	v1 =	vpop (erf)  }
0x78: {  	[tilespmem:$0x160] =	vst v1;
	v2 =	vpop (erf)  }
0x79: {  	[tilespmem:$0x170] =	vst v2;
	v1 =	vpop (erf)  }
0x7a: {  	s13 =	simm.s32 $0x1D0;
	v2 =	vmov s3;
	[tilespmem:$0x180] =	vst v1  }
0x7b: {  	v6 =	vld [tilespmem:s13+$0xFFFFFFC0]  }
0x7c: {  	v9 =	vld [tilespmem:s13+$0x30]  }
0x7d: {  	v7 =	vld [tilespmem:s13+$0x40]  }
0x7e: {  	v11 =	vld [tilespmem:s13+$0xFFFFFFE0]  }
0x7f: {  	v2 =	vld.idx.msk [tilespmem:v2+s30+$0x0], $0xffff  }
0x80: {  	v1 =	vld [tilespmem:s13+$0xFFFFFFF0]  }
0x81: {  	v3 =	vld [tilespmem:s13+$0x20]  }
0x82: {  	v4 =	vld [tilespmem:s13+$0xFFFFFFD0]  }
0x83: {  	v5 =	vld [tilespmem:s13+$0x10]  }
0x84: {  	v10 =	vmul.f32 v6, v2;
	v8 =	vmul.f32 v7, v2;
	v6 =	vld [tilespmem:s13+$0x0]  }
0x85: {  	s14 =	simm.s32 $0x1;
	s25 =	simm.s32 $0x1D0;
	v7 =	vmul.f32 v11, v2;
	v9 =	vmul.f32 v9, v2  }
.LBB2_7:
0x86: {  	p0 =	sne.s32 s14, $0x4F  }
0x87: {  	[tilespmem:s13+$0xFFFFFFC0] =	vst v10;
	v4 =	vmul.f32 v4, v2;
	v3 =	vmul.f32 v3, v2;
	s25 =	sadd.s32 $0x90, s25;
	s2 =	smov.u32 s14;
	s14 =	sadd.s32 $0x1, s14  }
0x88: {  	v10 =	vmul.f32 v1, v2;
	v1 =	vmul.f32 v5, v2;
	[tilespmem:s13+$0x40] =	vst v8  }
0x89: {  	v2 =	vmul.f32 v6, v2;
	[tilespmem:s13+$0x30] =	vst v9  }
0x8a: {  	[tilespmem:s13+$0xFFFFFFE0] =	vst v7  }
0x8b: {  	v5 =	vmov s2;
	[tilespmem:s13+$0x10] =	vst v1  }
0x8c: {  	v1 =	vld [tilespmem:s25+$0xFFFFFFF0];
	[tilespmem:s13+$0x0] =	vst v2  }
0x8d: {  	v7 =	vld [tilespmem:s25+$0xFFFFFFC0];
	[tilespmem:s13+$0xFFFFFFF0] =	vst v10  }
0x8e: {  	v9 =	vld [tilespmem:s25+$0x30];
	[tilespmem:s13+$0x20] =	vst v3  }
0x8f: {  	v8 =	vld [tilespmem:s25+$0x40];
	[tilespmem:s13+$0xFFFFFFD0] =	vst v4;
	s13 =	smov.u32 s25  }
0x90: {  	v2 =	vld.idx.msk [tilespmem:v5+s30+$0x0], $0xffff  }
0x91: {  	v11 =	vld [tilespmem:s25+$0xFFFFFFE0]  }
0x92: {  	v3 =	vld [tilespmem:s25+$0x20]  }
.Ltmp2:
0x93: {  	v4 =	vld [tilespmem:s25+$0xFFFFFFD0];
	(pc) =	sbr.rel @p0 .LBB2_7-.Ltmp2, $4  }
0x94: {  	v5 =	vld [tilespmem:s25+$0x10]  }
0x95: {  	v6 =	vld [tilespmem:s25+$0x0]  }
0x96: {  	v10 =	vmul.f32 v7, v2;
	v8 =	vmul.f32 v8, v2  }
0x97: {  	v9 =	vmul.f32 v9, v2;
	v7 =	vmul.f32 v11, v2  }
0x98: {  	[tilespmem:s13+$0xFFFFFFC0] =	vst v10  }
0x99: {  	[tilespmem:s13+$0x40] =	vst v8  }
0x9a: {  	v1 =	vmul.f32 v1, v2;
	[tilespmem:s13+$0x30] =	vst v9  }
0x9b: {  	v3 =	vmul.f32 v3, v2;
	[tilespmem:s13+$0xFFFFFFE0] =	vst v7  }
0x9c: {  	v5 =	vmul.f32 v5, v2;
	[tilespmem:s13+$0xFFFFFFF0] =	vst v1  }
0x9d: {  	v6 =	vmul.f32 v6, v2;
	[tilespmem:s13+$0x20] =	vst v3  }
0x9e: {  	v2 =	vmul.f32 v4, v2;
	[tilespmem:s13+$0x10] =	vst v5  }
0x9f: {  	p0 =	seq.s32 s9, $0x7C;
	[tilespmem:s13+$0x0] =	vst v6  }
0xa0: {  	s2 =	simm.s32 @!p0 $0x3;
	[tilespmem:s13+$0xFFFFFFD0] =	vst v2  }
0xa1: {  	[spmem:s1] =	stream.indirect.scatter.add.f32 [tilespmem:s19], [sflag:$0x3], $0x90, s18, s18, $0xb8;
	[tilespmem:$0x1CE20] =	vst v63  }
0xa2: {  	s10 =	sadd.s32 @!p0 s10, s12;
	_ =	swait.ge @!p0 [sflag:s2], $0x2D00  }
0xa3: {  	s10 =	sshrl.u32 @!p0 s10, $0x3;
	[sflag:s2] =	ssyncset.done @!p0 $0x0  }
0xa4: {  	s13 =	simm.s32 @!p0 $0x0;
	[sflag:s2] =	ssyncadd.s32 @!p0 $0xFFFFD300;
	s2 =	sadd.s32 @!p0 s4, s10  }
0xa5: {  	[tilespmem:s13], [sflag:$0x5] =	stream.linear.gather @!p0 [hbm4b:s2+s13], $0x50, $0x38;
	[tilespmem:$0x1CE20] =	vst v63  }
0xa6: {  	s2 =	simm.s32 @!p0 $0x5  }
0xa7: {  	_ =	swait.ge @!p0 [sflag:s2], $0x50  }
0xa8: {  	[sflag:s2] =	ssyncset.done @!p0 $0x0  }
0xa9: {  	s14 =	simm.s32 @!p0 $0x50;
	s10 =	sadd.s32 @!p0 s5, s10;
	[sflag:s2] =	ssyncadd.s32 @!p0 $0xFFFFFFB0  }
0xaa: {  	[tilespmem:s14], [sflag:$0x5] =	stream.linear.gather @!p0 [hbm4b:s10+s13], $0x50, $0x38;
	[tilespmem:$0x1CE20] =	vst v63  }
0xab: {  	_ =	swait.ge @!p0 [sflag:s2], $0x50  }
0xac: {  	[sflag:s2] =	ssyncset.done @!p0 $0x0  }
0xad: {  	[sflag:s2] =	ssyncadd.s32 @!p0 $0xFFFFFFB0;
	s2 =	simm.s32 @!p0 $0x190  }
0xae: {  	[tilespmem:s2], [sflag:$0x1] =	stream.indirect.gather @!p0 [hbm4b:s8+s14], $0x90, s13, s14, $0xb8;
	[tilespmem:$0x1CE20] =	vst v63  }
0xaf: {  	s2 =	simm.s32 @!p0 $0xA0  }
0xb0: {  	[tilespmem:s2], [sflag:$0x1] =	stream.indirect.gather @!p0 [hbm4b:s6+s14], $0x1, s13, s14, $0xb8;
	[tilespmem:$0x1CE20] =	vst v63  }
0xb1: {  	s2 =	simm.s32 @!p0 $0xF0  }
0xb2: {  	[tilespmem:s2], [sflag:$0x1] =	stream.indirect.gather @!p0 [hbm4b:s7+s14], $0x1, s14, s14, $0xb8;
	[tilespmem:$0x1CE20] =	vst v63  }
0xb3: {  	_ =	swait.ge [sflag:s31], $0x2D00  }
0xb4: {  	[sflag:s31] =	ssyncset.done $0x0  }
0xb5: {  	[sflag:s31] =	ssyncadd.s32 $0xFFFFD300  }
0xb6: {  	_ =	swait.ge [sflag:s31], $0x50  }
0xb7: {  	[sflag:s31] =	ssyncset.done $0x0  }
0xb8: {  	[sflag:s31] =	ssyncadd.s32 $0xFFFFFFB0  }
0xb9: {  	_ =	swait.ge [sflag:s31], $0x50  }
0xba: {  	[sflag:s31] =	ssyncset.done $0x0  }
0xbb: {  	[sflag:s31] =	ssyncadd.s32 $0xFFFFFFB0  }
0xbc: {  	v1 =	vld [tilespmem:$0x2F30]  }
0xbd: {  	v2 =	vld [tilespmem:$0x2F80]  }
0xbe: {  	v3 =	vld [tilespmem:$0x2F40]  }
0xbf: {  	v4 =	vld [tilespmem:$0x2F90]  }
0xc0: {  	v5 =	vld [tilespmem:$0x2F50]  }
0xc1: {  	v6 =	vld [tilespmem:$0x2FA0]  }
0xc2: {  	v7 =	vld [tilespmem:$0x2FB0];
	v1 =	vadd.f32 v2, v1  }
0xc3: {  	v9 =	vld [tilespmem:$0x2F70]  }
0xc4: {  	v2 =	vld [tilespmem:$0x2F60];
	v8 =	vmul.f32 $2.000000030e-01, v1  }
0xc5: {  	v10 =	vld [tilespmem:$0x2FC0];
	vm0 =	vge.f32 v1, $0.0e+00  }
0xc6: {  	v3 =	vadd.f32 v4, v3;
	v1 =	vsel vm0, v1, v8  }
0xc7: {  	v1 =	vmul.f32 $1.442695020e+00, v1  }
0xc8: {  	v5 =	vadd.f32 v6, v5;
	v4 =	vmul.f32 $2.000000030e-01, v3  }
0xc9: {  	vm12 =	vge.f32 v3, $0.0e+00;
	(erf) = vpow2.f32 v1;
	v1 =	vadd.f32 v7, v2  }
0xca: {  	v2 =	vsel vm12, v3, v4;
	v3 =	vmul.f32 $2.000000030e-01, v5;
	v4 =	vadd.f32 v10, v9  }
0xcb: {  	vm13 =	vge.f32 v5, $0.0e+00;
	v2 =	vmul.f32 $1.442695020e+00, v2;
	v6 =	vmul.f32 $2.000000030e-01, v1  }
0xcc: {  	v3 =	vsel vm13, v5, v3;
	vm14 =	vge.f32 v1, $0.0e+00;
	v5 =	vmul.f32 $2.000000030e-01, v4  }
0xcd: {  	vm15 =	vge.f32 v4, $0.0e+00;
	v3 =	vmul.f32 $1.442695020e+00, v3;
	v1 =	vsel vm14, v1, v6  }
0xce: {  	(erf) = vpow2.f32 v2;
	v2 =	vsel vm15, v4, v5;
	v1 =	vmul.f32 $1.442695020e+00, v1  }
0xcf: {  	(erf) = vpow2.f32 v3;
	v2 =	vmul.f32 $1.442695020e+00, v2  }
0xd0: {  	(erf) = vpow2.f32 v1  }
0xd1: {  	(erf) = vpow2.f32 v2;
	_ =	sdelay $0x4  }
0xd2: {  	v1 =	vpop (erf)  }
0xd3: {  	[tilespmem:$0x2FD0] =	vst v1;
	v2 =	vpop (erf)  }
0xd4: {  	[tilespmem:$0x2FE0] =	vst v2;
	v1 =	vpop (erf)  }
0xd5: {  	[tilespmem:$0x2FF0] =	vst v1;
	v2 =	vpop (erf)  }
0xd6: {  	s25 =	simm.s32 $0x0;
	[tilespmem:$0x3000] =	vst v2;
	v1 =	vpop (erf)  }
0xd7: {  	s10 =	simm.s32 $0x3060;
	v2 =	vmov s25;
	[tilespmem:$0x3010] =	vst v1  }
0xd8: {  	v6 =	vld [tilespmem:s10+$0xFFFFFFC0]  }
0xd9: {  	v9 =	vld [tilespmem:s10+$0x30]  }
0xda: {  	v7 =	vld [tilespmem:s10+$0x40]  }
0xdb: {  	v11 =	vld [tilespmem:s10+$0xFFFFFFE0]  }
0xdc: {  	v2 =	vld.idx.msk [tilespmem:v2+s0+$0x0], $0xffff  }
0xdd: {  	v1 =	vld [tilespmem:s10+$0xFFFFFFF0]  }
0xde: {  	v3 =	vld [tilespmem:s10+$0x20]  }
0xdf: {  	v4 =	vld [tilespmem:s10+$0xFFFFFFD0]  }
0xe0: {  	v5 =	vld [tilespmem:s10+$0x10]  }
0xe1: {  	v10 =	vmul.f32 v6, v2;
	v8 =	vmul.f32 v7, v2;
	v6 =	vld [tilespmem:s10+$0x0]  }
0xe2: {  	s13 =	simm.s32 $0x1;
	s14 =	simm.s32 $0x3060;
	v7 =	vmul.f32 v11, v2;
	v9 =	vmul.f32 v9, v2  }
.LBB2_9:
0xe3: {  	p0 =	sne.s32 s13, $0x4F  }
0xe4: {  	[tilespmem:s10+$0xFFFFFFC0] =	vst v10;
	v4 =	vmul.f32 v4, v2;
	v3 =	vmul.f32 v3, v2;
	s14 =	sadd.s32 $0x90, s14;
	s2 =	smov.u32 s13;
	s13 =	sadd.s32 $0x1, s13  }
0xe5: {  	v10 =	vmul.f32 v1, v2;
	v1 =	vmul.f32 v5, v2;
	[tilespmem:s10+$0x40] =	vst v8  }
0xe6: {  	v2 =	vmul.f32 v6, v2;
	[tilespmem:s10+$0x30] =	vst v9  }
0xe7: {  	[tilespmem:s10+$0xFFFFFFE0] =	vst v7  }
0xe8: {  	v5 =	vmov s2;
	[tilespmem:s10+$0x10] =	vst v1  }
0xe9: {  	v1 =	vld [tilespmem:s14+$0xFFFFFFF0];
	[tilespmem:s10+$0x0] =	vst v2  }
0xea: {  	v7 =	vld [tilespmem:s14+$0xFFFFFFC0];
	[tilespmem:s10+$0xFFFFFFF0] =	vst v10  }
0xeb: {  	v9 =	vld [tilespmem:s14+$0x30];
	[tilespmem:s10+$0x20] =	vst v3  }
0xec: {  	v8 =	vld [tilespmem:s14+$0x40];
	[tilespmem:s10+$0xFFFFFFD0] =	vst v4;
	s10 =	smov.u32 s14  }
0xed: {  	v2 =	vld.idx.msk [tilespmem:v5+s0+$0x0], $0xffff  }
0xee: {  	v11 =	vld [tilespmem:s14+$0xFFFFFFE0]  }
0xef: {  	v3 =	vld [tilespmem:s14+$0x20]  }
.Ltmp3:
0xf0: {  	v4 =	vld [tilespmem:s14+$0xFFFFFFD0];
	(pc) =	sbr.rel @p0 .LBB2_9-.Ltmp3, $4  }
0xf1: {  	v5 =	vld [tilespmem:s14+$0x10]  }
0xf2: {  	v6 =	vld [tilespmem:s14+$0x0]  }
0xf3: {  	v10 =	vmul.f32 v7, v2;
	v8 =	vmul.f32 v8, v2  }
0xf4: {  	v9 =	vmul.f32 v9, v2;
	v7 =	vmul.f32 v11, v2  }
0xf5: {  	[tilespmem:s10+$0xFFFFFFC0] =	vst v10  }
0xf6: {  	[tilespmem:s10+$0x40] =	vst v8  }
0xf7: {  	v1 =	vmul.f32 v1, v2;
	[tilespmem:s10+$0x30] =	vst v9  }
0xf8: {  	v3 =	vmul.f32 v3, v2;
	s9 =	sadd.s32 $0x1, s9;
	[tilespmem:s10+$0xFFFFFFE0] =	vst v7  }
0xf9: {  	v5 =	vmul.f32 v5, v2;
	p0 =	sne.s32 s9, $0x7D;
	[tilespmem:s10+$0xFFFFFFF0] =	vst v1  }
.Ltmp4:
0xfa: {  	v6 =	vmul.f32 v6, v2;
	[tilespmem:s10+$0x20] =	vst v3;
	(pc) =	sbr.rel @p0 .LBB2_6-.Ltmp4, $4  }
0xfb: {  	v2 =	vmul.f32 v4, v2;
	[tilespmem:s10+$0x10] =	vst v5  }
0xfc: {  	[tilespmem:s10+$0x0] =	vst v6  }
0xfd: {  	[tilespmem:s10+$0xFFFFFFD0] =	vst v2  }
0xfe: {  	[spmem:s1] =	stream.indirect.scatter.add.f32 [tilespmem:s24], [sflag:$0x4], $0x90, s23, s18, $0xb8;
	[tilespmem:$0x1CE20] =	vst v63  }
0xff: {  	s2 =	simm.s32 $0x3  }
0x100: {  	_ =	swait.ge [sflag:s2], $0x2D00  }
0x101: {  	[sflag:s2] =	ssyncset.done $0x0  }
0x102: {  	[sflag:s2] =	ssyncadd.s32 $0xFFFFD300  }
0x103: {  	_ =	swait.ge [sflag:s20], $0x2D00  }
0x104: {  	[sflag:s20] =	ssyncset.done $0x0  }
0x105: {  	[sflag:s20] =	ssyncadd.s32 $0xFFFFD300  }
0x106: {  	s14 =	stileid.u32;
	[bflag:$0x0] =	sbarrier.arrive $0xFFFF  }
0x107: {  	s2 =	sshll.u32 s14, $0x6;
	s3 =	rddreg [dreg:$0x5]  }
0x108: {  	s2 =	sor.u32 $0x1C05, s2;
	s9 =	rddreg [dreg:$0x7]  }
0x109: {  	[hbm:s3], [sflag:s2] =	dma.local [spmem:s9], $0x2D00  }
0x10a: {  	_ =	swait.ge [sflag:s17], $0x2D00  }
0x10b: {  	s21 =	sadd.s32 $0x1, s21;
	s25 =	rddreg [dreg:$0x6]  }
0x10c: {  	p0 =	sne.s32 s21, s25  }
.Ltmp5:
0x10d: {  	_ = 	snop;
	(pc) =	sbr.rel @p0 .LBB2_1-.Ltmp5, $3  }
0x10e: {  	_ =	sdelay $0x1  }
0x10f: {  	[sflag:s17] =	ssyncset.done $0x0  }
0x110: {  	[sflag:s17] =	ssyncadd.s32 $0xFFFFD300  }
0x111: {  	_ =	sfence.sel $0x180000  }
0x112: {  	[bflag:$0x0] =	sbarrier.arrive $0xFFFF  }
0x113: {  	_ =	strace $0x9000004A  }
0x114: {  	s0 =	stileid.u32;
	[bflag:$0x2] =	sbarrier.arrive $0xFFFF  }
0x115: {  	p0 =	sne.s32 s0, $0x0;
	s0 =	rddreg [dreg:$0x2]  }
0x116: {  	s0 =	sadd.s32 @!p0 $0x100000, s0  }
0x117: {  	[sflag:s0] =	ssyncadd.tile.s32 @!p0 $0x1;
	_ =	shalt  }
.Lfunc_end2:
_tile_overlayer_lowered:
.L_overlay_start_2:
0x118: {  	(tag) =	ssettag $0x2  }
0x119: {  	s0 =	rddreg [dreg:$0x0];
	s2 =	stileid.u32  }
0x11a: {  	s1 =	rddreg [dreg:$0x1];
	p0 =	sne.s32 s2, $0x0  }
0x11b: {  	s3 =	rddreg [dreg:$0x2];
	[bflag:$0x3] =	sbarrier.arrive $0xFFFF;
	s2 =	simm.s32 @!p0 $0x1C05  }
0x11c: {  	[timem:s3], [sflag:s2] =	dma.local @!p0 [hbm:s0], s1  }
0x11d: {  	s0 =	simm.s32 @!p0 $0x5  }
0x11e: {  	_ =	swait.ge @!p0 [sflag:s0], s1  }
0x11f: {  	s1 =	ssub.s32 @!p0 $0x0, s1;
	[sflag:s0] =	ssyncset.done @!p0 $0x0  }
0x120: {  	[sflag:s0] =	ssyncadd.s32 @!p0 s1  }
0x121: {  	[bflag:$0x3] =	sbarrier.arrive $0xFFFF  }
0x122: {  	_ =	shalt  }

// kernel: kernel.7.cloned.1.call-start
scs
__scs_entry_jumppad:
0x0: {  	(pc) =	sbr.rel $0x88, $3  }
0x1: {  	(tag) =	ssettag $0x0;
	lr =	simm.s32 $0x1  }
0x2: {  	[smem:$0x3F82] =	sst lr;
	_ =	strace $0xD0000000  }
0x3: {  	_ = 	snop  }
0x4: {  	_ = 	snop  }
0x5: {  	_ = 	snop  }
0x6: {  	_ = 	snop  }
0x7: {  	_ = 	snop  }
__scs_overlays_trampoline_lowered:
0x8: {  	[smem:$0x3F91] =	sst s0  }
0x9: {  	[smem:$0x3F92] =	sst s1  }
0xa: {  	[smem:$0x3F93] =	sst s2  }
0xb: {  	[smem:$0x3F94] =	sst s3  }
0xc: {  	[smem:$0x3F95] =	sst s4  }
0xd: {  	[smem:$0x3F96] =	sst s5  }
0xe: {  	[smem:$0x3F97] =	sst s6  }
0xf: {  	[smem:$0x3F98] =	sst s7  }
0x10: {  	[smem:$0x3F99] =	sst s8  }
0x11: {  	[smem:$0x3F9A] =	sst s9;
	s0 =	simm.s32 @!p0 $0x0  }
0x12: {  	s1 =	sld [smem:$0x3F80];
	s0 =	simm.s32 @p0 $0x1  }
0x13: {  	[smem:$0x3F9B] =	sst s0;
	s0 =	simm.s32 @!p1 $0x0  }
0x14: {  	s2 =	sld [smem:$0x3F7F];
	s0 =	simm.s32 @p1 $0x1  }
0x15: {  	[smem:$0x3F9C] =	sst s0;
	s0 =	simm.s32 @!p2 $0x0  }
0x16: {  	s3 =	sld [smem:$0x3FDB];
	s0 =	simm.s32 @p2 $0x1  }
0x17: {  	s4 =	simm.s32 $0x1BF5;
	[smem:$0x3F9E] =	sst s0  }
0x18: {  	s0 =	sld [smem:$0x3F81];
	_ =	swait.ge [sflag:s4], $0x0  }
0x19: {  	s7 =	sld [smem:$0x3F82]  }
0x1a: {  	s8 =	sadd.s32 $0xFFFFE003, lr  }
0x1b: {  	s9 =	sadd.s32 $0xFFFFFEF7, lr;
	s5 =	simm.s32 $0xFFFFFFFF;
	p2 =	slt.u32 s8, $0xFFFFF086  }
0x1c: {  	p1 =	slt.u32 s9, $0xF7A;
	s5 =	simm.s32 @!p2 $0x0  }
0x1d: {  	s5 =	simm.s32 @p1 $0x1;
	p0 =	seq.s32 s7, s2  }
0x1e: {  	s7 =	smul.u32 @!p0 $0xF7A, s2;
	p2 =	seq.s32 @!p0 s5, $0x0  }
0x1f: {  	s9 =	smul.u32 $0xF7A, s1;
	s8 =	simm.s32 @!p0 $0x1BF5;
	p2 =	por !p2, p0  }
0x20: {  	[sflag:s8] =	ssyncset.s32 @!p0 $0xFFFFF086;
	s6 =	sadd.s32 @!p0 s3, s7;
	s7 =	simm.s32 @!p0 $0x108  }
0x21: {  	s3 =	sadd.s32 s3, s9;
	s6 =	sadd.s32 @!p0 $0x88, s6;
	s7 =	simm.s32 @p2 $0x1082  }
0x22: {  	[simem:s7], [sflag:s8] =	dma.local @!p0 [hbm:s6], $0xF7A  }
0x23: {  	s9 =	sor.u32 $0xD0000000, s2;
	s6 =	simm.s32 $0x108;
	_ =	swait.ge @!p0 [sflag:s8], $0x0  }
0x24: {  	s3 =	sadd.s32 $0x88, s3;
	s6 =	simm.s32 @!p1 $0x1082;
	[sflag:s4] =	ssyncset.s32 $0xFFFFF086  }
0x25: {  	[simem:s6], [sflag:s4] =	dma.local [hbm:s3], $0xF7A  }
0x26: {  	[smem:$0x3F82] =	sst s1;
	(tag) =	ssettag s2;
	_ =	strace s9  }
0x27: {  	s1 =	sld [smem:$0x3F92]  }
0x28: {  	s2 =	sld [smem:$0x3F93]  }
0x29: {  	s4 =	sld [smem:$0x3F95]  }
0x2a: {  	p0 =	seq.s32 s5, $0x0;
	s5 =	sld [smem:$0x3F96]  }
0x2b: {  	s6 =	sld [smem:$0x3F97]  }
0x2c: {  	s7 =	sld [smem:$0x3F98]  }
0x2d: {  	s3 =	simm.s32 $0x108;
	s8 =	sld [smem:$0x3F99]  }
0x2e: {  	s3 =	simm.s32 @!p0 $0x1082;
	s9 =	sld [smem:$0x3F9A]  }
0x2f: {  	lr =	sadd.s32 s0, s3;
	s0 =	sld [smem:$0x3F91]  }
0x30: {  	s3 =	sld [smem:$0x3F94]  }
0x31: {  	[smem:$0x3F9D] =	sst s10  }
0x32: {  	s10 =	sld [smem:$0x3F9B];
	_ =	sdelay $0x3  }
0x33: {  	p0 =	seq.s32 s10, $0x1;
	s10 =	sld [smem:$0x3F9D];
	_ =	sdelay $0x3  }
0x34: {  	[smem:$0x3F9D] =	sst s10  }
0x35: {  	s10 =	sld [smem:$0x3F9C];
	_ =	sdelay $0x3  }
0x36: {  	p1 =	seq.s32 s10, $0x1;
	s10 =	sld [smem:$0x3F9D];
	_ =	sdelay $0x3  }
0x37: {  	[smem:$0x3F9D] =	sst s10  }
0x38: {  	s10 =	sld [smem:$0x3F9E]  }
0x39: {  	_ = 	snop;
	(pc) =	sbr.ind lr, $3  }
0x3a: {  	_ = 	snop  }
0x3b: {  	_ = 	snop  }
0x3c: {  	p2 =	seq.s32 s10, $0x1;
	s10 =	sld [smem:$0x3F9D]  }
0x3d: {  	_ =	shalt  }
0x3e: {  	_ =	shalt  }
0x3f: {  	_ =	shalt  }
0x40: {  	_ =	shalt  }
0x41: {  	_ =	shalt  }
0x42: {  	_ =	shalt  }
0x43: {  	_ =	shalt  }
0x44: {  	_ =	shalt  }
0x45: {  	_ =	shalt  }
0x46: {  	_ =	shalt  }
0x47: {  	_ =	shalt  }
0x48: {  	_ =	shalt  }
0x49: {  	_ =	shalt  }
0x4a: {  	_ =	shalt  }
0x4b: {  	_ =	shalt  }
0x4c: {  	_ =	shalt  }
0x4d: {  	_ =	shalt  }
0x4e: {  	_ =	shalt  }
0x4f: {  	_ =	shalt  }
0x50: {  	_ =	shalt  }
0x51: {  	_ =	shalt  }
0x52: {  	_ =	shalt  }
0x53: {  	_ =	shalt  }
0x54: {  	_ =	shalt  }
0x55: {  	_ =	shalt  }
0x56: {  	_ =	shalt  }
0x57: {  	_ =	shalt  }
0x58: {  	_ =	shalt  }
0x59: {  	_ =	shalt  }
0x5a: {  	_ =	shalt  }
0x5b: {  	_ =	shalt  }
0x5c: {  	_ =	shalt  }
0x5d: {  	_ =	shalt  }
0x5e: {  	_ =	shalt  }
0x5f: {  	_ =	shalt  }
0x60: {  	_ =	shalt  }
0x61: {  	_ =	shalt  }
0x62: {  	_ =	shalt  }
0x63: {  	_ =	shalt  }
0x64: {  	_ =	shalt  }
0x65: {  	_ =	shalt  }
0x66: {  	_ =	shalt  }
0x67: {  	_ =	shalt  }
0x68: {  	_ =	shalt  }
0x69: {  	_ =	shalt  }
0x6a: {  	_ =	shalt  }
0x6b: {  	_ =	shalt  }
0x6c: {  	_ =	shalt  }
0x6d: {  	_ =	shalt  }
0x6e: {  	_ =	shalt  }
0x6f: {  	_ =	shalt  }
0x70: {  	_ =	shalt  }
0x71: {  	_ =	shalt  }
0x72: {  	_ =	shalt  }
0x73: {  	_ =	shalt  }
0x74: {  	_ =	shalt  }
0x75: {  	_ =	shalt  }
0x76: {  	_ =	shalt  }
0x77: {  	_ =	shalt  }
0x78: {  	_ =	shalt  }
0x79: {  	_ =	shalt  }
0x7a: {  	_ =	shalt  }
0x7b: {  	_ =	shalt  }
0x7c: {  	_ =	shalt  }
0x7d: {  	_ =	shalt  }
0x7e: {  	_ =	shalt  }
0x7f: {  	_ =	shalt  }
0x80: {  	_ =	shalt  }
0x81: {  	_ =	shalt  }
0x82: {  	_ =	shalt  }
0x83: {  	_ =	shalt  }
0x84: {  	_ =	shalt  }
0x85: {  	_ =	shalt  }
0x86: {  	_ =	shalt  }
0x87: {  	_ =	shalt  }
.Lfunc_end0:
.L_simem_size_0:
called_computation_lowered:
.L_overlay_start_0:
0x88: {  	s2 =	sld [smem:$0x3FD9]  }
0x89: {  	s3 =	sld [smem:$0x3FFE];
	_ =	sdelay $0x1  }
0x8a: {  	s1 =	srdreg.scid  }
0x8b: {  	s0 =	sand.u32 $0x1, s1  }
0x8c: {  	s16 =	sshll.u32 s0, $0xA;
	s2 =	sadd.s32 s3, s2  }
0x8d: {  	s2 =	sadd.s32 s2, s16  }
0x8e: {  	[smem:$0x3FA9] =	sst s2  }
0x8f: {  	_ = 	snop  }
0x90: {  	(tm) =	ssettm $0x1  }
0x91: {  	s17 =	sld [smem:$0x3FFB];
	_ =	sdelay $0x3  }
0x92: {  	_ =	strace s17  }
0x93: {  	s2 =	sld [smem:$0x3FFC];
	_ =	sdelay $0x3  }
0x94: {  	_ =	strace s2  }
0x95: {  	s2 =	sld [smem:$0x3FFD];
	_ =	sdelay $0x3  }
0x96: {  	_ =	strace s2  }
0x97: {  	_ =	strace $0x8FFFFFFF  }
0x98: {  	s18 =	sld [smem:$0x3FDB];
	_ =	sdelay $0x1  }
0x99: {  	s19 =	simm.s32 $_scs_section_size  }
0x9a: {  	s4 =	simm.s32 $_size__tile_overlayer_lowered;
	s5 =	simm.s32 $_tile_overlayer_lowered  }
0x9b: {  	s22 =	simm.s32 $0x1BFF;
	s21 =	sshll.u32 s5, $0x1;
	s2 =	sadd.s32 s19, s18  }
0x9c: {  	s6 =	simm.s32 $0x0;
	s20 =	sshll.u32 s4, $0x1;
	s4 =	sadd.s32 s21, s2  }
0x9d: {  	[timem:s6], [sflag:s22] =	dma.local [hbm:s4], s20  }
0x9e: {  	_ =	swait.ge [sflag:s22], s20  }
0x9f: {  	s3 =	ssub.s32 $0x0, s20;
	[sflag:s22] =	ssyncset.done $0x0  }
0xa0: {  	[sflag:s22] =	ssyncadd.s32 s3;
	_ =	sdelay $0x1  }
0xa1: {  	s23 =	simm.s32 $0x1B8B  }
0xa2: {  	_ =	swait.ge [sflag:s23], $0x1  }
0xa3: {  	[sflag:s23] =	ssyncset.done $0x0  }
0xa4: {  	s25 =	simm.s32 $0x1B8E;
	s24 =	sld [smem:$0x3FFE];
	[sflag:s23] =	ssyncadd.s32 $0xFFFFFFFF  }
0xa5: {  	s26 =	simm.s32 $execute0_lowered;
	[smem:$0x3FD2] =	sst s25  }
0xa6: {  	s4 =	sshll.u32 s26, $0x1;
	_ =	strace $0x80000046;
	[dreg:$0x1] =	wrdreg $0xFFFFFFFF  }
0xa7: {  	s28 =	simm.s32 $_size_execute0_lowered;
	s2 =	sadd.s32 s2, s4;
	[dreg:$0x0] =	wrdreg $0x0  }
0xa8: {  	s4 =	sshll.u32 s28, $0x1;
	[dreg:$0x2] =	wrdreg s2  }
0xa9: {  	[dreg:$0x3] =	wrdreg s4  }
0xaa: {  	[dreg:$0x4] =	wrdreg $0xC0  }
0xab: {  	_ =	task [dreg:s6], $0x5FFFF  }
0xac: {  	[dreg:$0x1] =	wrdreg $0xFFFFFFFF  }
0xad: {  	[dreg:$0x0] =	wrdreg $0x60  }
0xae: {  	[dreg:$0x2] =	wrdreg s24  }
0xaf: {  	[dreg:$0x3] =	wrdreg $0x66200  }
0xb0: {  	[dreg:$0x4] =	wrdreg $0x9  }
0xb1: {  	_ =	task.clear_ibuf [dreg:s6], $0x5FFFF;
	_ =	strace $0x90000046  }
0xb2: {  	s29 =	simm.s32 $0x9;
	_ =	strace $0x80000048  }
0xb3: {  	_ =	swait.ge [sflag:s29], $0x1  }
0xb4: {  	[sflag:s29] =	ssyncadd.s32 $0xFFFFFFFF  }
0xb5: {  	_ =	strace $0x90000048  }
0xb6: {  	_ =	sfence  }
0xb7: {  	s30 =	sld [smem:$0x0];
	_ =	sdelay $0x2  }
0xb8: {  	s31 =	sshll.u32 s1, $0xD;
	s1 =	sshrl.u32 s1, $0x2  }
0xb9: {  	s3 =	sand.u32 $0x4000, s31;
	s1 =	sadd.s32 s1, s30  }
0xba: {  	s0 =	sor.u32 s3, s0;
	s1 =	sshll.u32 s1, $0x11  }
0xbb: {  	s0 =	sor.u32 s1, s0  }
0xbc: {  	s0 =	sadd.s32 $0x8F2B, s0  }
0xbd: {  	[sflag:s0] =	ssyncadd.remote.s32 $0x1  }
0xbe: {  	_ =	sfence.sel $0xFFFF  }
0xbf: {  	[dreg:$0x0] =	wrdreg $0xFFFFFFFF;
	(pc) =	sbr.abs _section_cstart, $3  }
0xc0: {  	[dreg:$0x1] =	wrdreg $0xFFFFFFFF  }
0xc1: {  	_ =	task.clear_ibuf [dreg:s6], $0x2FFFF;
	_ =	strace $0x9FFFFFFF  }
0xc2: {  	(tm) =	ssettm $0x7FFFFFFF  }
0xc3: {  	_ =	shalt  }
tec
execute0_lowered:
.L_overlay_start_1:
0x0: {  	(tag) =	ssettag $0x1  }
0x1: {  	s0 =	rddreg [dreg:$0x0]  }
0x2: {  	s1 =	rddreg [dreg:$0x1]  }
0x3: {  	s3 =	simm.s32 $0x0;
	s2 =	srdreg.scid;
	s12 =	stileid.u32  }
0x4: {  	s16 =	simm.s32 $0x5D20;
	s17 =	simm.s32 $0x5;
	s18 =	simm.s32 $0x50  }
0x5: {  	s19 =	simm.s32 $0x190;
	s28 =	simm.s32 $0x2F80;
	s29 =	simm.s32 $0x1  }
0x6: {  	s30 =	simm.s32 $0x140;
	s31 =	simm.s32 $0x2;
	s20 =	simm.s32 $0x4  }
0x7: {  	s21 =	simm.s32 $0x0;
	[smem:$0x7FF] =	sst s3;
	s2 =	sand.u32 $0x1, s2  }
0x8: {  	s4 =	sadd.s32 $0x46800, s0;
	s9 =	smul.u32 $0x16800, s12;
	s7 =	sshll.u32 s12, $0x1  }
0x9: {  	s5 =	sadd.s32 $0x32E00, s0;
	s6 =	sadd.s32 $0x5200, s0;
	s25 =	smul.u32 $0x5A000, s12  }
0xa: {  	_ =	strace $0x80000047;
	s22 =	smul.u32 $0x168000, s2;
	s8 =	sor.u32 s2, s7  }
0xb: {  	s7 =	sadd.s32 $0x5800, s0;
	s2 =	ssub.s32 $0x2, s2;
	s10 =	smul.u32 $0x4E20, s8  }
0xc: {  	s8 =	sadd.s32 $0x5E00, s0;
	s23 =	sshrl.u32 s2, $0x1;
	s26 =	sadd.s32 s9, s1  }
0xd: {  	s3 =	sadd.s32 s9, s22;
	s2 =	ssub.s32 s2, s23;
	s22 =	simm.s32 $0x2E90  }
0xe: {  	s23 =	simm.s32 $0x2EE0;
	s11 =	sshrl.u32 s10, $0x3;
	s2 =	smax.u32 s2, $0x1  }
0xf: {  	s3 =	sshrl.u32 s3, $0x3;
	s24 =	sadd.s32 s4, s11;
	[dreg:$0x6] =	wrdreg s2  }
0x10: {  	s12 =	sadd.s32 $0xA0, s10;
	s11 =	sadd.s32 s5, s11;
	[dreg:$0x3] =	wrdreg s24  }
0x11: {  	s0 =	sadd.s32 s3, s0;
	s3 =	sshrl.u32 s25, $0x2;
	[dreg:$0x4] =	wrdreg s11  }
0x12: {  	s11 =	sadd.s32 $0x50, s10;
	s0 =	sadd.s32 $0x5A200, s0;
	s15 =	sadd.s32 s3, s1  }
0x13: {  	s24 =	simm.s32 $0x3020;
	[dreg:$0x5] =	wrdreg s0;
	s0 =	sshrl.u32 s26, $0x3  }
0x14: {  	v0 =	vimm.f32 $0.0e+00;
	s26 =	simm.s32 $0x2F30;
	[dreg:$0x7] =	wrdreg s0;
	s0 =	simm.s32 $0x2FD0  }
.LBB2_1:
0x15: {  	s2 =	simm.s32 $0x0  }
0x16: {  	s3 =	smul.u32 $0x39, s2;
	_ =	sdelay $0x1  }
0x17: {  	s3 =	sshrl.u32 s3, $0x9  }
0x18: {  	s9 =	sand.u32 $0x7F, s3  }
0x19: {  	s3 =	simm.s32 $0x1;
	s10 =	smul.u32 $0x9, s9  }
0x1a: {  	s13 =	smul.u32 $0x39, s3  }
0x1b: {  	s25 =	smul.u32 $0x240, s9;
	s10 =	ssub.s32 $0x0, s10  }
0x1c: {  	s9 =	simm.s32 $0x2;
	s2 =	sand.u32 $0xFF, s10  }
0x1d: {  	s14 =	sshrl.u32 s13, $0x9;
	s10 =	sshrl.u32 s25, $0x2;
	s13 =	sshll.u32 s2, $0x4  }
.LBB2_2:
0x1e: {  	s2 =	smul.u32 $0x39, s9;
	s14 =	sand.u32 $0x7F, s14  }
0x1f: {  	s10 =	sadd.s32 s13, s10;
	p0 =	sne.s32 s9, $0x8F;
	s13 =	smul.u32 $0x9, s14  }
.Ltmp0:
0x20: {  	[tilespmem:s10+$0x5D20] =	vst v0;
	(pc) =	sbr.rel @p0 .LBB2_2-.Ltmp0, $4  }
0x21: {  	s10 =	smul.u32 $0x240, s14;
	s14 =	smov.u32 s9  }
0x22: {  	s9 =	sadd.s32 $0x1, s9;
	s3 =	ssub.s32 s3, s13  }
0x23: {  	s13 =	sand.u32 $0xFF, s3;
	s3 =	smov.u32 s14  }
0x24: {  	s10 =	sshrl.u32 s10, $0x2;
	s14 =	sshrl.u32 s2, $0x9;
	s13 =	sshll.u32 s13, $0x4  }
0x25: {  	s2 =	sand.u32 $0x7F, s14  }
0x26: {  	s9 =	smul.u32 $0x9, s2;
	_ =	sdelay $0x1  }
0x27: {  	s2 =	smul.u32 $0x240, s2;
	s3 =	ssub.s32 s3, s9  }
0x28: {  	s3 =	sand.u32 $0xFF, s3  }
0x29: {  	s14 =	sadd.s32 s13, s10;
	s2 =	sshrl.u32 s2, $0x2;
	s3 =	sshll.u32 s3, $0x4  }
0x2a: {  	[tilespmem:s14+$0x5D20] =	vst v0;
	s2 =	sadd.s32 s3, s2  }
0x2b: {  	s25 =	sadd.s32 $0x0, s15;
	[tilespmem:s2+$0x5D20] =	vst v0  }
0x2c: {  	[spmem:s25] =	stream.linear.scatter [tilespmem:s16], [sflag:$0x5], $0x900, $0x38;
	[tilespmem:$0x1CE20] =	vst v63  }
0x2d: {  	s3 =	simm.s32 $0x2400;
	_ =	swait.ge [sflag:s17], $0x900  }
.LBB2_4:
0x2e: {  	s2 =	sshra.s32 s3, $0x2;
	[sflag:s17] =	ssyncset.done $0x0;
	p0 =	sne.s32 s3, $0x57C00  }
.Ltmp1:
0x2f: {  	s2 =	sadd.s32 s2, s15;
	[sflag:s17] =	ssyncadd.s32 $0xFFFFF700;
	(pc) =	sbr.rel @p0 .LBB2_4-.Ltmp1, $3  }
0x30: {  	[spmem:s2] =	stream.linear.scatter [tilespmem:s16], [sflag:$0x5], $0x900, $0x38;
	[tilespmem:$0x1CE20] =	vst v63  }
0x31: {  	s3 =	sadd.s32 $0x2400, s3;
	_ =	sdelay $0x1  }
0x32: {  	_ =	swait.ge [sflag:s17], $0x900  }
0x33: {  	[sflag:s17] =	ssyncset.done $0x0  }
0x34: {  	[sflag:s17] =	ssyncadd.s32 $0xFFFFF700  }
0x35: {  	[bflag:$0x0] =	sbarrier.arrive $0xFFFF  }
0x36: {  	s3 =	simm.s32 $0x0;
	s2 =	rddreg [dreg:$0x3]  }
0x37: {  	[tilespmem:s3], [sflag:$0x5] =	stream.linear.gather [hbm4b:s2+s3], $0x50, $0x38;
	[tilespmem:$0x1CE20] =	vst v63  }
0x38: {  	_ =	swait.ge [sflag:s17], $0x50  }
0x39: {  	[sflag:s17] =	ssyncset.done $0x0  }
0x3a: {  	s13 =	rddreg [dreg:$0x4];
	[sflag:s17] =	ssyncadd.s32 $0xFFFFFFB0  }
0x3b: {  	[tilespmem:s18], [sflag:$0x5] =	stream.linear.gather [hbm4b:s13+s3], $0x50, $0x38;
	[tilespmem:$0x1CE20] =	vst v63  }
0x3c: {  	_ =	swait.ge [sflag:s17], $0x50  }
0x3d: {  	[sflag:s17] =	ssyncset.done $0x0  }
0x3e: {  	[sflag:s17] =	ssyncadd.s32 $0xFFFFFFB0  }
0x3f: {  	[tilespmem:s19], [sflag:$0x1] =	stream.indirect.gather [hbm4b:s8+s18], $0x90, s3, s18, $0xb8;
	[tilespmem:$0x1CE20] =	vst v63  }
0x40: {  	s14 =	simm.s32 $0xA0  }
0x41: {  	[tilespmem:s14], [sflag:$0x1] =	stream.indirect.gather [hbm4b:s6+s18], $0x1, s3, s18, $0xb8;
	[tilespmem:$0x1CE20] =	vst v63  }
0x42: {  	s25 =	simm.s32 $0xF0;
	s9 =	simm.s32 $0x0  }
0x43: {  	[tilespmem:s25], [sflag:$0x1] =	stream.indirect.gather [hbm4b:s7+s18], $0x1, s18, s18, $0xb8;
	[tilespmem:$0x1CE20] =	vst v63  }
.LBB2_6:
0x44: {  	p0 =	seq.s32 s9, $0x0;
	s10 =	smul.u32 $0xA0, s9  }
0x45: {  	s2 =	simm.s32 @!p0 $0x4  }
0x46: {  	_ =	swait.ge @!p0 [sflag:s2], $0x2D00;
	s13 =	sadd.s32 s10, s11  }
0x47: {  	[sflag:s2] =	ssyncset.done @!p0 $0x0;
	s13 =	sshrl.u32 s13, $0x3  }
0x48: {  	[sflag:s2] =	ssyncadd.s32 @!p0 $0xFFFFD300;
	s14 =	sadd.s32 s4, s13  }
0x49: {  	[tilespmem:s22], [sflag:$0x5] =	stream.linear.gather [hbm4b:s14+s3], $0x50, $0x38;
	[tilespmem:$0x1CE20] =	vst v63  }
0x4a: {  	_ =	swait.ge [sflag:s17], $0x50  }
0x4b: {  	[sflag:s17] =	ssyncset.done $0x0  }
0x4c: {  	s25 =	sadd.s32 s5, s13;
	[sflag:s17] =	ssyncadd.s32 $0xFFFFFFB0  }
0x4d: {  	[tilespmem:s23], [sflag:$0x5] =	stream.linear.gather [hbm4b:s25+s3], $0x50, $0x38;
	[tilespmem:$0x1CE20] =	vst v63  }
0x4e: {  	_ =	swait.ge [sflag:s17], $0x50  }
0x4f: {  	[sflag:s17] =	ssyncset.done $0x0  }
0x50: {  	[sflag:s17] =	ssyncadd.s32 $0xFFFFFFB0  }
0x51: {  	[tilespmem:s24], [sflag:$0x2] =	stream.indirect.gather [hbm4b:s8+s18], $0x90, s22, s18, $0xb8;
	[tilespmem:$0x1CE20] =	vst v63  }
0x52: {  	_ = 	snop  }
0x53: {  	[tilespmem:s26], [sflag:$0x2] =	stream.indirect.gather [hbm4b:s6+s18], $0x1, s22, s18, $0xb8;
	[tilespmem:$0x1CE20] =	vst v63  }
0x54: {  	_ = 	snop  }
0x55: {  	[tilespmem:s28], [sflag:$0x2] =	stream.indirect.gather [hbm4b:s7+s18], $0x1, s23, s18, $0xb8;
	[tilespmem:$0x1CE20] =	vst v63  }
0x56: {  	_ =	swait.ge [sflag:s29], $0x2D00  }
0x57: {  	[sflag:s29] =	ssyncset.done $0x0  }
0x58: {  	[sflag:s29] =	ssyncadd.s32 $0xFFFFD300  }
0x59: {  	_ =	swait.ge [sflag:s29], $0x50  }
0x5a: {  	[sflag:s29] =	ssyncset.done $0x0  }
0x5b: {  	[sflag:s29] =	ssyncadd.s32 $0xFFFFFFB0  }
0x5c: {  	_ =	swait.ge [sflag:s29], $0x50  }
0x5d: {  	[sflag:s29] =	ssyncset.done $0x0  }
0x5e: {  	[sflag:s29] =	ssyncadd.s32 $0xFFFFFFB0  }
0x5f: {  	v1 =	vld [tilespmem:$0xA0]  }
0x60: {  	v2 =	vld [tilespmem:$0xF0]  }
0x61: {  	v3 =	vld [tilespmem:$0xB0]  }
0x62: {  	v4 =	vld [tilespmem:$0x100]  }
0x63: {  	v5 =	vld [tilespmem:$0xC0]  }
0x64: {  	v6 =	vld [tilespmem:$0x110]  }
0x65: {  	v7 =	vld [tilespmem:$0x120];
	v1 =	vadd.f32 v2, v1  }
0x66: {  	v9 =	vld [tilespmem:$0xE0]  }
0x67: {  	v2 =	vld [tilespmem:$0xD0];
	v8 =	vmul.f32 $2.000000030e-01, v1  }
0x68: {  	v10 =	vld [tilespmem:$0x130];
	vm0 =	vge.f32 v1, $0.0e+00  }
0x69: {  	v3 =	vadd.f32 v4, v3;
	v1 =	vsel vm0, v1, v8  }
0x6a: {  	v1 =	vmul.f32 $1.442695020e+00, v1  }
0x6b: {  	v5 =	vadd.f32 v6, v5;
	v4 =	vmul.f32 $2.000000030e-01, v3  }
0x6c: {  	vm12 =	vge.f32 v3, $0.0e+00;
	(erf) = vpow2.f32 v1;
	v1 =	vadd.f32 v7, v2  }
0x6d: {  	v2 =	vsel vm12, v3, v4;
	v3 =	vmul.f32 $2.000000030e-01, v5;
	v4 =	vadd.f32 v10, v9  }
0x6e: {  	vm13 =	vge.f32 v5, $0.0e+00;
	v2 =	vmul.f32 $1.442695020e+00, v2;
	v6 =	vmul.f32 $2.000000030e-01, v1  }
0x6f: {  	v3 =	vsel vm13, v5, v3;
	vm14 =	vge.f32 v1, $0.0e+00;
	v5 =	vmul.f32 $2.000000030e-01, v4  }
0x70: {  	vm15 =	vge.f32 v4, $0.0e+00;
	v3 =	vmul.f32 $1.442695020e+00, v3;
	v1 =	vsel vm14, v1, v6  }
0x71: {  	(erf) = vpow2.f32 v2;
	v2 =	vsel vm15, v4, v5;
	v1 =	vmul.f32 $1.442695020e+00, v1  }
0x72: {  	(erf) = vpow2.f32 v3;
	v2 =	vmul.f32 $1.442695020e+00, v2  }
0x73: {  	(erf) = vpow2.f32 v1  }
0x74: {  	(erf) = vpow2.f32 v2;
	_ =	sdelay $0x4  }
0x75: {  	v1 =	vpop (erf)  }
0x76: {  	[tilespmem:$0x140] =	vst v1;
	v2 =	vpop (erf)  }
0x77: {  	[tilespmem:$0x150] =	vst v2;
	v1 =	vpop (erf)  }
0x78: {  	[tilespmem:$0x160] =	vst v1;
	v2 =	vpop (erf)  }
0x79: {  	[tilespmem:$0x170] =	vst v2;
	v1 =	vpop (erf)  }
0x7a: {  	s13 =	simm.s32 $0x1D0;
	v2 =	vmov s3;
	[tilespmem:$0x180] =	vst v1  }
0x7b: {  	v6 =	vld [tilespmem:s13+$0xFFFFFFC0]  }
0x7c: {  	v9 =	vld [tilespmem:s13+$0x30]  }
0x7d: {  	v7 =	vld [tilespmem:s13+$0x40]  }
0x7e: {  	v11 =	vld [tilespmem:s13+$0xFFFFFFE0]  }
0x7f: {  	v2 =	vld.idx.msk [tilespmem:v2+s30+$0x0], $0xffff  }
0x80: {  	v1 =	vld [tilespmem:s13+$0xFFFFFFF0]  }
0x81: {  	v3 =	vld [tilespmem:s13+$0x20]  }
0x82: {  	v4 =	vld [tilespmem:s13+$0xFFFFFFD0]  }
0x83: {  	v5 =	vld [tilespmem:s13+$0x10]  }
0x84: {  	v10 =	vmul.f32 v6, v2;
	v8 =	vmul.f32 v7, v2;
	v6 =	vld [tilespmem:s13+$0x0]  }
0x85: {  	s14 =	simm.s32 $0x1;
	s25 =	simm.s32 $0x1D0;
	v7 =	vmul.f32 v11, v2;
	v9 =	vmul.f32 v9, v2  }
.LBB2_7:
0x86: {  	p0 =	sne.s32 s14, $0x4F  }
0x87: {  	[tilespmem:s13+$0xFFFFFFC0] =	vst v10;
	v4 =	vmul.f32 v4, v2;
	v3 =	vmul.f32 v3, v2;
	s25 =	sadd.s32 $0x90, s25;
	s2 =	smov.u32 s14;
	s14 =	sadd.s32 $0x1, s14  }
0x88: {  	v10 =	vmul.f32 v1, v2;
	v1 =	vmul.f32 v5, v2;
	[tilespmem:s13+$0x40] =	vst v8  }
0x89: {  	v2 =	vmul.f32 v6, v2;
	[tilespmem:s13+$0x30] =	vst v9  }
0x8a: {  	[tilespmem:s13+$0xFFFFFFE0] =	vst v7  }
0x8b: {  	v5 =	vmov s2;
	[tilespmem:s13+$0x10] =	vst v1  }
0x8c: {  	v1 =	vld [tilespmem:s25+$0xFFFFFFF0];
	[tilespmem:s13+$0x0] =	vst v2  }
0x8d: {  	v7 =	vld [tilespmem:s25+$0xFFFFFFC0];
	[tilespmem:s13+$0xFFFFFFF0] =	vst v10  }
0x8e: {  	v9 =	vld [tilespmem:s25+$0x30];
	[tilespmem:s13+$0x20] =	vst v3  }
0x8f: {  	v8 =	vld [tilespmem:s25+$0x40];
	[tilespmem:s13+$0xFFFFFFD0] =	vst v4;
	s13 =	smov.u32 s25  }
0x90: {  	v2 =	vld.idx.msk [tilespmem:v5+s30+$0x0], $0xffff  }
0x91: {  	v11 =	vld [tilespmem:s25+$0xFFFFFFE0]  }
0x92: {  	v3 =	vld [tilespmem:s25+$0x20]  }
.Ltmp2:
0x93: {  	v4 =	vld [tilespmem:s25+$0xFFFFFFD0];
	(pc) =	sbr.rel @p0 .LBB2_7-.Ltmp2, $4  }
0x94: {  	v5 =	vld [tilespmem:s25+$0x10]  }
0x95: {  	v6 =	vld [tilespmem:s25+$0x0]  }
0x96: {  	v10 =	vmul.f32 v7, v2;
	v8 =	vmul.f32 v8, v2  }
0x97: {  	v9 =	vmul.f32 v9, v2;
	v7 =	vmul.f32 v11, v2  }
0x98: {  	[tilespmem:s13+$0xFFFFFFC0] =	vst v10  }
0x99: {  	[tilespmem:s13+$0x40] =	vst v8  }
0x9a: {  	v1 =	vmul.f32 v1, v2;
	[tilespmem:s13+$0x30] =	vst v9  }
0x9b: {  	v3 =	vmul.f32 v3, v2;
	[tilespmem:s13+$0xFFFFFFE0] =	vst v7  }
0x9c: {  	v5 =	vmul.f32 v5, v2;
	[tilespmem:s13+$0xFFFFFFF0] =	vst v1  }
0x9d: {  	v6 =	vmul.f32 v6, v2;
	[tilespmem:s13+$0x20] =	vst v3  }
0x9e: {  	v2 =	vmul.f32 v4, v2;
	[tilespmem:s13+$0x10] =	vst v5  }
0x9f: {  	p0 =	seq.s32 s9, $0x7C;
	[tilespmem:s13+$0x0] =	vst v6  }
0xa0: {  	s2 =	simm.s32 @!p0 $0x3;
	[tilespmem:s13+$0xFFFFFFD0] =	vst v2  }
0xa1: {  	[spmem:s1] =	stream.indirect.scatter.add.f32 [tilespmem:s19], [sflag:$0x3], $0x90, s18, s18, $0xb8;
	[tilespmem:$0x1CE20] =	vst v63  }
0xa2: {  	s10 =	sadd.s32 @!p0 s10, s12;
	_ =	swait.ge @!p0 [sflag:s2], $0x2D00  }
0xa3: {  	s10 =	sshrl.u32 @!p0 s10, $0x3;
	[sflag:s2] =	ssyncset.done @!p0 $0x0  }
0xa4: {  	s13 =	simm.s32 @!p0 $0x0;
	[sflag:s2] =	ssyncadd.s32 @!p0 $0xFFFFD300;
	s2 =	sadd.s32 @!p0 s4, s10  }
0xa5: {  	[tilespmem:s13], [sflag:$0x5] =	stream.linear.gather @!p0 [hbm4b:s2+s13], $0x50, $0x38;
	[tilespmem:$0x1CE20] =	vst v63  }
0xa6: {  	s2 =	simm.s32 @!p0 $0x5  }
0xa7: {  	_ =	swait.ge @!p0 [sflag:s2], $0x50  }
0xa8: {  	[sflag:s2] =	ssyncset.done @!p0 $0x0  }
0xa9: {  	s14 =	simm.s32 @!p0 $0x50;
	s10 =	sadd.s32 @!p0 s5, s10;
	[sflag:s2] =	ssyncadd.s32 @!p0 $0xFFFFFFB0  }
0xaa: {  	[tilespmem:s14], [sflag:$0x5] =	stream.linear.gather @!p0 [hbm4b:s10+s13], $0x50, $0x38;
	[tilespmem:$0x1CE20] =	vst v63  }
0xab: {  	_ =	swait.ge @!p0 [sflag:s2], $0x50  }
0xac: {  	[sflag:s2] =	ssyncset.done @!p0 $0x0  }
0xad: {  	[sflag:s2] =	ssyncadd.s32 @!p0 $0xFFFFFFB0;
	s2 =	simm.s32 @!p0 $0x190  }
0xae: {  	[tilespmem:s2], [sflag:$0x1] =	stream.indirect.gather @!p0 [hbm4b:s8+s14], $0x90, s13, s14, $0xb8;
	[tilespmem:$0x1CE20] =	vst v63  }
0xaf: {  	s2 =	simm.s32 @!p0 $0xA0  }
0xb0: {  	[tilespmem:s2], [sflag:$0x1] =	stream.indirect.gather @!p0 [hbm4b:s6+s14], $0x1, s13, s14, $0xb8;
	[tilespmem:$0x1CE20] =	vst v63  }
0xb1: {  	s2 =	simm.s32 @!p0 $0xF0  }
0xb2: {  	[tilespmem:s2], [sflag:$0x1] =	stream.indirect.gather @!p0 [hbm4b:s7+s14], $0x1, s14, s14, $0xb8;
	[tilespmem:$0x1CE20] =	vst v63  }
0xb3: {  	_ =	swait.ge [sflag:s31], $0x2D00  }
0xb4: {  	[sflag:s31] =	ssyncset.done $0x0  }
0xb5: {  	[sflag:s31] =	ssyncadd.s32 $0xFFFFD300  }
0xb6: {  	_ =	swait.ge [sflag:s31], $0x50  }
0xb7: {  	[sflag:s31] =	ssyncset.done $0x0  }
0xb8: {  	[sflag:s31] =	ssyncadd.s32 $0xFFFFFFB0  }
0xb9: {  	_ =	swait.ge [sflag:s31], $0x50  }
0xba: {  	[sflag:s31] =	ssyncset.done $0x0  }
0xbb: {  	[sflag:s31] =	ssyncadd.s32 $0xFFFFFFB0  }
0xbc: {  	v1 =	vld [tilespmem:$0x2F30]  }
0xbd: {  	v2 =	vld [tilespmem:$0x2F80]  }
0xbe: {  	v3 =	vld [tilespmem:$0x2F40]  }
0xbf: {  	v4 =	vld [tilespmem:$0x2F90]  }
0xc0: {  	v5 =	vld [tilespmem:$0x2F50]  }
0xc1: {  	v6 =	vld [tilespmem:$0x2FA0]  }
0xc2: {  	v7 =	vld [tilespmem:$0x2FB0];
	v1 =	vadd.f32 v2, v1  }
0xc3: {  	v9 =	vld [tilespmem:$0x2F70]  }
0xc4: {  	v2 =	vld [tilespmem:$0x2F60];
	v8 =	vmul.f32 $2.000000030e-01, v1  }
0xc5: {  	v10 =	vld [tilespmem:$0x2FC0];
	vm0 =	vge.f32 v1, $0.0e+00  }
0xc6: {  	v3 =	vadd.f32 v4, v3;
	v1 =	vsel vm0, v1, v8  }
0xc7: {  	v1 =	vmul.f32 $1.442695020e+00, v1  }
0xc8: {  	v5 =	vadd.f32 v6, v5;
	v4 =	vmul.f32 $2.000000030e-01, v3  }
0xc9: {  	vm12 =	vge.f32 v3, $0.0e+00;
	(erf) = vpow2.f32 v1;
	v1 =	vadd.f32 v7, v2  }
0xca: {  	v2 =	vsel vm12, v3, v4;
	v3 =	vmul.f32 $2.000000030e-01, v5;
	v4 =	vadd.f32 v10, v9  }
0xcb: {  	vm13 =	vge.f32 v5, $0.0e+00;
	v2 =	vmul.f32 $1.442695020e+00, v2;
	v6 =	vmul.f32 $2.000000030e-01, v1  }
0xcc: {  	v3 =	vsel vm13, v5, v3;
	vm14 =	vge.f32 v1, $0.0e+00;
	v5 =	vmul.f32 $2.000000030e-01, v4  }
0xcd: {  	vm15 =	vge.f32 v4, $0.0e+00;
	v3 =	vmul.f32 $1.442695020e+00, v3;
	v1 =	vsel vm14, v1, v6  }
0xce: {  	(erf) = vpow2.f32 v2;
	v2 =	vsel vm15, v4, v5;
	v1 =	vmul.f32 $1.442695020e+00, v1  }
0xcf: {  	(erf) = vpow2.f32 v3;
	v2 =	vmul.f32 $1.442695020e+00, v2  }
0xd0: {  	(erf) = vpow2.f32 v1  }
0xd1: {  	(erf) = vpow2.f32 v2;
	_ =	sdelay $0x4  }
0xd2: {  	v1 =	vpop (erf)  }
0xd3: {  	[tilespmem:$0x2FD0] =	vst v1;
	v2 =	vpop (erf)  }
0xd4: {  	[tilespmem:$0x2FE0] =	vst v2;
	v1 =	vpop (erf)  }
0xd5: {  	[tilespmem:$0x2FF0] =	vst v1;
	v2 =	vpop (erf)  }
0xd6: {  	s25 =	simm.s32 $0x0;
	[tilespmem:$0x3000] =	vst v2;
	v1 =	vpop (erf)  }
0xd7: {  	s10 =	simm.s32 $0x3060;
	v2 =	vmov s25;
	[tilespmem:$0x3010] =	vst v1  }
0xd8: {  	v6 =	vld [tilespmem:s10+$0xFFFFFFC0]  }
0xd9: {  	v9 =	vld [tilespmem:s10+$0x30]  }
0xda: {  	v7 =	vld [tilespmem:s10+$0x40]  }
0xdb: {  	v11 =	vld [tilespmem:s10+$0xFFFFFFE0]  }
0xdc: {  	v2 =	vld.idx.msk [tilespmem:v2+s0+$0x0], $0xffff  }
0xdd: {  	v1 =	vld [tilespmem:s10+$0xFFFFFFF0]  }
0xde: {  	v3 =	vld [tilespmem:s10+$0x20]  }
0xdf: {  	v4 =	vld [tilespmem:s10+$0xFFFFFFD0]  }
0xe0: {  	v5 =	vld [tilespmem:s10+$0x10]  }
0xe1: {  	v10 =	vmul.f32 v6, v2;
	v8 =	vmul.f32 v7, v2;
	v6 =	vld [tilespmem:s10+$0x0]  }
0xe2: {  	s13 =	simm.s32 $0x1;
	s14 =	simm.s32 $0x3060;
	v7 =	vmul.f32 v11, v2;
	v9 =	vmul.f32 v9, v2  }
.LBB2_9:
0xe3: {  	p0 =	sne.s32 s13, $0x4F  }
0xe4: {  	[tilespmem:s10+$0xFFFFFFC0] =	vst v10;
	v4 =	vmul.f32 v4, v2;
	v3 =	vmul.f32 v3, v2;
	s14 =	sadd.s32 $0x90, s14;
	s2 =	smov.u32 s13;
	s13 =	sadd.s32 $0x1, s13  }
0xe5: {  	v10 =	vmul.f32 v1, v2;
	v1 =	vmul.f32 v5, v2;
	[tilespmem:s10+$0x40] =	vst v8  }
0xe6: {  	v2 =	vmul.f32 v6, v2;
	[tilespmem:s10+$0x30] =	vst v9  }
0xe7: {  	[tilespmem:s10+$0xFFFFFFE0] =	vst v7  }
0xe8: {  	v5 =	vmov s2;
	[tilespmem:s10+$0x10] =	vst v1  }
0xe9: {  	v1 =	vld [tilespmem:s14+$0xFFFFFFF0];
	[tilespmem:s10+$0x0] =	vst v2  }
0xea: {  	v7 =	vld [tilespmem:s14+$0xFFFFFFC0];
	[tilespmem:s10+$0xFFFFFFF0] =	vst v10  }
0xeb: {  	v9 =	vld [tilespmem:s14+$0x30];
	[tilespmem:s10+$0x20] =	vst v3  }
0xec: {  	v8 =	vld [tilespmem:s14+$0x40];
	[tilespmem:s10+$0xFFFFFFD0] =	vst v4;
	s10 =	smov.u32 s14  }
0xed: {  	v2 =	vld.idx.msk [tilespmem:v5+s0+$0x0], $0xffff  }
0xee: {  	v11 =	vld [tilespmem:s14+$0xFFFFFFE0]  }
0xef: {  	v3 =	vld [tilespmem:s14+$0x20]  }
.Ltmp3:
0xf0: {  	v4 =	vld [tilespmem:s14+$0xFFFFFFD0];
	(pc) =	sbr.rel @p0 .LBB2_9-.Ltmp3, $4  }
0xf1: {  	v5 =	vld [tilespmem:s14+$0x10]  }
0xf2: {  	v6 =	vld [tilespmem:s14+$0x0]  }
0xf3: {  	v10 =	vmul.f32 v7, v2;
	v8 =	vmul.f32 v8, v2  }
0xf4: {  	v9 =	vmul.f32 v9, v2;
	v7 =	vmul.f32 v11, v2  }
0xf5: {  	[tilespmem:s10+$0xFFFFFFC0] =	vst v10  }
0xf6: {  	[tilespmem:s10+$0x40] =	vst v8  }
0xf7: {  	v1 =	vmul.f32 v1, v2;
	[tilespmem:s10+$0x30] =	vst v9  }
0xf8: {  	v3 =	vmul.f32 v3, v2;
	s9 =	sadd.s32 $0x1, s9;
	[tilespmem:s10+$0xFFFFFFE0] =	vst v7  }
0xf9: {  	v5 =	vmul.f32 v5, v2;
	p0 =	sne.s32 s9, $0x7D;
	[tilespmem:s10+$0xFFFFFFF0] =	vst v1  }
.Ltmp4:
0xfa: {  	v6 =	vmul.f32 v6, v2;
	[tilespmem:s10+$0x20] =	vst v3;
	(pc) =	sbr.rel @p0 .LBB2_6-.Ltmp4, $4  }
0xfb: {  	v2 =	vmul.f32 v4, v2;
	[tilespmem:s10+$0x10] =	vst v5  }
0xfc: {  	[tilespmem:s10+$0x0] =	vst v6  }
0xfd: {  	[tilespmem:s10+$0xFFFFFFD0] =	vst v2  }
0xfe: {  	[spmem:s1] =	stream.indirect.scatter.add.f32 [tilespmem:s24], [sflag:$0x4], $0x90, s23, s18, $0xb8;
	[tilespmem:$0x1CE20] =	vst v63  }
0xff: {  	s2 =	simm.s32 $0x3  }
0x100: {  	_ =	swait.ge [sflag:s2], $0x2D00  }
0x101: {  	[sflag:s2] =	ssyncset.done $0x0  }
0x102: {  	[sflag:s2] =	ssyncadd.s32 $0xFFFFD300  }
0x103: {  	_ =	swait.ge [sflag:s20], $0x2D00  }
0x104: {  	[sflag:s20] =	ssyncset.done $0x0  }
0x105: {  	[sflag:s20] =	ssyncadd.s32 $0xFFFFD300  }
0x106: {  	s14 =	stileid.u32;
	[bflag:$0x0] =	sbarrier.arrive $0xFFFF  }
0x107: {  	s2 =	sshll.u32 s14, $0x6;
	s3 =	rddreg [dreg:$0x5]  }
0x108: {  	s2 =	sor.u32 $0x1C05, s2;
	s9 =	rddreg [dreg:$0x7]  }
0x109: {  	[hbm:s3], [sflag:s2] =	dma.local [spmem:s9], $0x2D00  }
0x10a: {  	_ =	swait.ge [sflag:s17], $0x2D00  }
0x10b: {  	s21 =	sadd.s32 $0x1, s21;
	s25 =	rddreg [dreg:$0x6]  }
0x10c: {  	p0 =	sne.s32 s21, s25  }
.Ltmp5:
0x10d: {  	_ = 	snop;
	(pc) =	sbr.rel @p0 .LBB2_1-.Ltmp5, $3  }
0x10e: {  	_ =	sdelay $0x1  }
0x10f: {  	[sflag:s17] =	ssyncset.done $0x0  }
0x110: {  	[sflag:s17] =	ssyncadd.s32 $0xFFFFD300  }
0x111: {  	_ =	sfence.sel $0x180000  }
0x112: {  	[bflag:$0x0] =	sbarrier.arrive $0xFFFF  }
0x113: {  	_ =	strace $0x90000047  }
0x114: {  	s0 =	stileid.u32;
	[bflag:$0x2] =	sbarrier.arrive $0xFFFF  }
0x115: {  	p0 =	sne.s32 s0, $0x0;
	s0 =	rddreg [dreg:$0x2]  }
0x116: {  	s0 =	sadd.s32 @!p0 $0x100000, s0  }
0x117: {  	[sflag:s0] =	ssyncadd.tile.s32 @!p0 $0x1;
	_ =	shalt  }
.Lfunc_end2:
_tile_overlayer_lowered:
.L_overlay_start_2:
0x118: {  	(tag) =	ssettag $0x2  }
0x119: {  	s0 =	rddreg [dreg:$0x0];
	s2 =	stileid.u32  }
0x11a: {  	s1 =	rddreg [dreg:$0x1];
	p0 =	sne.s32 s2, $0x0  }
0x11b: {  	s3 =	rddreg [dreg:$0x2];
	[bflag:$0x3] =	sbarrier.arrive $0xFFFF;
	s2 =	simm.s32 @!p0 $0x1C05  }
0x11c: {  	[timem:s3], [sflag:s2] =	dma.local @!p0 [hbm:s0], s1  }
0x11d: {  	s0 =	simm.s32 @!p0 $0x5  }
0x11e: {  	_ =	swait.ge @!p0 [sflag:s0], s1  }
0x11f: {  	s1 =	ssub.s32 @!p0 $0x0, s1;
	[sflag:s0] =	ssyncset.done @!p0 $0x0  }
0x120: {  	[sflag:s0] =	ssyncadd.s32 @!p0 s1  }
0x121: {  	[bflag:$0x3] =	sbarrier.arrive $0xFFFF  }
0x122: {  	_ =	shalt  }

</sc_bundles>
